<compile_context>
chip_gen: v7x
topology: tpu7x:2x2x1
jax: 0.10.2.dev20260603
libtpu: 0.0.44.dev20260713+nightly
codegen_flags: <defaults>
</compile_context>

<pallas_src>
import functools

import jax
import jax.numpy as jnp
from jax import lax
from jax.experimental import pallas as pl
from jax.experimental.pallas import tpu as pltpu
from jax.experimental.pallas import tpu_sc as plsc

N = 10000
E = 320000
D = 128
NE = 16
NOUT1 = 32
NOUT2 = 16
NIN = NOUT1 + NOUT2
NGRAPHS = 64
PCOLS = NE * NOUT1

NC, NS = 2, 16
NW = NC * NS
EW = E // NW
BLK = 80
NBLK = EW // BLK
RPS = 624

BE = 4000
BN = 2000


def _f32dot(a, b):
    return jnp.dot(a, b, preferred_element_type=jnp.float32)



def _edge_mlp_body(ea_ref, *refs):
    ws = refs[:9]
    outs = refs[9:]
    ea = ea_ref[...]
    aea = jnp.abs(ea)
    for li in range(3):
        w1, w2, w3 = ws[3 * li:3 * li + 3]
        t1 = jnp.maximum(_f32dot(ea, w1[...]), 0.0)
        t2 = _f32dot(aea, w2[...])
        t2 = t2 * t2
        cat = jnp.concatenate([t1, t2], axis=1)
        outs[li][...] = jnp.maximum(_f32dot(cat, w3[...]), 0.0)


def _edge_mlp(edge_attr, p1, p2, p3):
    ws = [p1["fc1_1"], p1["fc1_2"], p1["fc1_3"],
          p2["fc1_1"], p2["fc1_2"], p2["fc1_3"],
          p3["fc1_1"], p3["fc1_2"], p3["fc1_3"]]
    wspecs = [pl.BlockSpec(w.shape, lambda i: (0, 0)) for w in ws]
    return pl.pallas_call(
        _edge_mlp_body,
        grid=(E // BE,),
        in_specs=[pl.BlockSpec((BE, NE), lambda i: (i, 0))] + wspecs,
        out_specs=[pl.BlockSpec((BE, NE), lambda i: (i, 0))] * 3,
        out_shape=[jax.ShapeDtypeStruct((E, NE), jnp.float32)] * 3,
    )(edge_attr, *ws)



def _dense1_body(x_ref, wf_ref, w11_ref, b11_ref, w12_ref, b12_ref,
                 p_ref, g_ref):
    xb = x_ref[...]
    p_ref[...] = _f32dot(xb, wf_ref[...])
    g1 = jnp.maximum(_f32dot(xb, w11_ref[...]) + b11_ref[...], 0.0)
    g2 = jnp.maximum(_f32dot(xb, w12_ref[...]) + b12_ref[...], 0.0)
    g_ref[...] = g1 * g2


def _dense1(x, wf, w11, b11, w12, b12):
    full = lambda a: pl.BlockSpec(a.shape, lambda i: (0,) * a.ndim)
    return pl.pallas_call(
        _dense1_body,
        grid=(N // BN,),
        in_specs=[pl.BlockSpec((BN, D), lambda i: (i, 0)),
                  full(wf), full(w11), full(b11), full(w12), full(b12)],
        out_specs=[pl.BlockSpec((BN, PCOLS), lambda i: (i, 0)),
                   pl.BlockSpec((BN, NOUT2), lambda i: (i, 0))],
        out_shape=[jax.ShapeDtypeStruct((N, PCOLS), jnp.float32),
                   jax.ShapeDtypeStruct((N, NOUT2), jnp.float32)],
    )(x, wf, w11, b11, w12, b12)


def _dense23_body(s_ref, gp_ref, cb_ref, wf_ref, w11_ref, b11_ref,
                  w12_ref, b12_ref, p_ref, g_ref):
    conv = jnp.maximum(s_ref[0] + s_ref[1] + cb_ref[...], 0.0)
    h = jnp.concatenate([conv, gp_ref[...]], axis=1)
    p_ref[...] = _f32dot(h, wf_ref[...])
    g1 = jnp.maximum(_f32dot(h, w11_ref[...]) + b11_ref[...], 0.0)
    g2 = jnp.maximum(_f32dot(h, w12_ref[...]) + b12_ref[...], 0.0)
    g_ref[...] = g1 * g2


def _dense23(s, gp, cb, wf, w11, b11, w12, b12):
    full = lambda a: pl.BlockSpec(a.shape, lambda i: (0,) * a.ndim)
    return pl.pallas_call(
        _dense23_body,
        grid=(N // BN,),
        in_specs=[pl.BlockSpec((NC, BN, NOUT1), lambda i: (0, i, 0)),
                  pl.BlockSpec((BN, NOUT2), lambda i: (i, 0)),
                  full(cb), full(wf), full(w11), full(b11), full(w12),
                  full(b12)],
        out_specs=[pl.BlockSpec((BN, PCOLS), lambda i: (i, 0)),
                   pl.BlockSpec((BN, NOUT2), lambda i: (i, 0))],
        out_shape=[jax.ShapeDtypeStruct((N, PCOLS), jnp.float32),
                   jax.ShapeDtypeStruct((N, NOUT2), jnp.float32)],
    )(s, gp, cb, wf, w11, b11, w12, b12)



def _final_body(s_ref, gp_ref, cb_ref, batch_ref, a1w_ref, a1b_ref,
                a2w_ref, a2b_ref, out_ref, sums_ref, counts_ref):
    i = pl.program_id(0)

    @pl.when(i == 0)
    def _():
        sums_ref[...] = jnp.zeros_like(sums_ref)
        counts_ref[...] = jnp.zeros_like(counts_ref)

    conv = jnp.maximum(s_ref[0] + s_ref[1] + cb_ref[...], 0.0)
    h = jnp.concatenate([conv, gp_ref[...]], axis=1)
    bids = batch_ref[0]
    gi = lax.broadcasted_iota(jnp.int32, (NGRAPHS, BN), 0)
    oh = (bids == gi).astype(jnp.float32)
    sums_ref[...] += _f32dot(oh, h)
    counts_ref[...] += jnp.sum(oh, axis=1, keepdims=True)

    @pl.when(i == (N // BN) - 1)
    def _():
        pooled = sums_ref[...] / jnp.maximum(counts_ref[...], 1.0)
        a = jnp.maximum(_f32dot(pooled, a1w_ref[...]) + a1b_ref[...], 0.0)
        out_ref[...] = _f32dot(a, a2w_ref[...]) + a2b_ref[...]


def _final(s, gp, cb, batch3, a1w, a1b, a2w, a2b):
    full = lambda a: pl.BlockSpec(a.shape, lambda i: (0,) * a.ndim)
    return pl.pallas_call(
        _final_body,
        grid=(N // BN,),
        in_specs=[pl.BlockSpec((NC, BN, NOUT1), lambda i: (0, i, 0)),
                  pl.BlockSpec((BN, NOUT2), lambda i: (i, 0)),
                  full(cb),
                  pl.BlockSpec((1, 1, BN), lambda i: (i, 0, 0)),
                  full(a1w), full(a1b), full(a2w), full(a2b)],
        out_specs=pl.BlockSpec((NGRAPHS, 1), lambda i: (0, 0)),
        out_shape=jax.ShapeDtypeStruct((NGRAPHS, 1), jnp.float32),
        scratch_shapes=[pltpu.VMEM((NGRAPHS, NIN), jnp.float32),
                        pltpu.VMEM((NGRAPHS, 1), jnp.float32)],
    )(s, gp, cb, batch3, a1w, a1b, a2w, a2b)



def _sc_edge(p_nodes, src3, dst3, ea3):
    mesh = plsc.VectorSubcoreMesh(core_axis_name="c", subcore_axis_name="s",
                                  num_cores=NC, num_subcores=NS)
    NLAST = N - (NS - 1) * RPS

    @functools.partial(
        pl.kernel,
        out_type=jax.ShapeDtypeStruct((NC, N, NOUT1), jnp.float32),
        mesh=mesh,
        compiler_params=pltpu.CompilerParams(use_tc_tiling_on_sc=False),
        scratch_types=[
            pltpu.VMEM((BLK,), jnp.int32),
            pltpu.VMEM((BLK,), jnp.int32),
            pltpu.VMEM((BLK, NE), jnp.float32),
            pltpu.VMEM((BLK, PCOLS), jnp.float32),
            pltpu.VMEM((BLK, NOUT1), jnp.float32),
            pltpu.VMEM((NLAST, NOUT1), jnp.float32),
            pltpu.VMEM_SHARED((N, NOUT1), jnp.float32),
            pltpu.SemaphoreType.DMA,
        ],
    )
    def k(p_hbm, src_hbm, dst_hbm, ea_hbm, out_hbm,
          src_v, dst_v, ea_v, rows_v, y_v, zb_v, accum, sem):
        c = lax.axis_index("c")
        s = lax.axis_index("s")
        w = s * NC + c

        def zrow(r, carry):
            zb_v[r, pl.ds(0, 16)] = jnp.zeros((16,), jnp.float32)
            zb_v[r, pl.ds(16, 16)] = jnp.zeros((16,), jnp.float32)
            return carry

        lax.fori_loop(0, NLAST, zrow, 0)

        @pl.when(s < NS - 1)
        def _():
            pltpu.sync_copy(zb_v.at[pl.ds(0, RPS)],
                            accum.at[pl.ds(s * RPS, RPS)])

        @pl.when(s == NS - 1)
        def _():
            pltpu.sync_copy(zb_v, accum.at[pl.ds((NS - 1) * RPS, NLAST)])

        plsc.subcore_barrier()

        def body(b, carry):
            eb = w * NBLK + b
            pltpu.sync_copy(src_hbm.at[eb], src_v)
            pltpu.sync_copy(dst_hbm.at[eb], dst_v)
            pltpu.sync_copy(ea_hbm.at[eb], ea_v)
            pltpu.async_copy(p_hbm.at[src_v], rows_v, sem).wait()

            def edge(e, carry2):
                ear = ea_v[e, pl.ds(0, NE)]
                y0 = jnp.zeros((16,), jnp.float32)
                y1 = jnp.zeros((16,), jnp.float32)
                for i in range(NE):
                    sc = ear[i]
                    y0 = y0 + sc * rows_v[e, pl.ds(i * NOUT1, 16)]
                    y1 = y1 + sc * rows_v[e, pl.ds(i * NOUT1 + 16, 16)]
                y_v[e, pl.ds(0, 16)] = y0
                y_v[e, pl.ds(16, 16)] = y1
                return carry2

            lax.fori_loop(0, BLK, edge, 0)
            pltpu.sync_copy(y_v, accum.at[dst_v], add=True)
            return carry

        lax.fori_loop(0, NBLK, body, 0)
        plsc.subcore_barrier()

        @pl.when(s < NS - 1)
        def _():
            pltpu.sync_copy(accum.at[pl.ds(s * RPS, RPS)],
                            zb_v.at[pl.ds(0, RPS)])
            pltpu.sync_copy(zb_v.at[pl.ds(0, RPS)],
                            out_hbm.at[c, pl.ds(s * RPS, RPS)])

        @pl.when(s == NS - 1)
        def _():
            pltpu.sync_copy(accum.at[pl.ds((NS - 1) * RPS, NLAST)], zb_v)
            pltpu.sync_copy(zb_v, out_hbm.at[c, pl.ds((NS - 1) * RPS, NLAST)])

    return k(p_nodes, src3, dst3, ea3)



def _wflat(p):
    return jnp.transpose(p["convW"], (1, 0, 2)).reshape(-1, PCOLS)


def _row(v):
    return v.reshape(1, -1)


def kernel(x, edge_index2, edge_attr2, batch, p1, p2, p3,
           att1W, att1b, att2W, att2b):
    src = edge_index2[0].astype(jnp.int32)
    dst = edge_index2[1].astype(jnp.int32)
    ea1, ea2, ea3 = _edge_mlp(edge_attr2, p1, p2, p3)
    src3 = src.reshape(NW * NBLK, BLK)
    dst3 = dst.reshape(NW * NBLK, BLK)
    ea_r = lambda ea: ea.reshape(NW * NBLK, BLK, NE)

    P1, g1 = _dense1(x, _wflat(p1), p1["fc11W"], _row(p1["fc11b"]),
                     p1["fc12W"], _row(p1["fc12b"]))
    S1 = _sc_edge(P1, src3, dst3, ea_r(ea1))
    P2, g2 = _dense23(S1, g1, _row(p1["convb"]), _wflat(p2),
                      p2["fc11W"], _row(p2["fc11b"]),
                      p2["fc12W"], _row(p2["fc12b"]))
    S2 = _sc_edge(P2, src3, dst3, ea_r(ea2))
    P3, g3 = _dense23(S2, g2, _row(p2["convb"]), _wflat(p3),
                      p3["fc11W"], _row(p3["fc11b"]),
                      p3["fc12W"], _row(p3["fc12b"]))
    S3 = _sc_edge(P3, src3, dst3, ea_r(ea3))

    batch3 = batch.astype(jnp.int32).reshape(N // BN, 1, BN)
    return _final(S3, g3, _row(p3["convb"]), batch3,
                  att1W, _row(att1b), att2W, _row(att2b))

# --- scband reference (transcript-rebuilt; emitter-appended) ---
"""Pipeline reference for scband-gnnml3-structural-74577812128608 (READ-ONLY COPY).

The authoritative reference and input builder live on the scoring server;
editing this copy changes nothing except your own understanding.
"""

import jax, jax.numpy as jnp
import numpy as np

N = 10000
E = 320000
D = 128
NE = 16
NOUT1 = 32
NOUT2 = 16
NIN = NOUT1 + NOUT2
NGRAPHS = 64


def _layer_params(key, ninp):
    ks = jax.random.split(key, 9)
    s = 0.05
    return {
        "fc1_1": jax.random.normal(ks[0], (NE, 2 * NE), jnp.float32) * s,
        "fc1_2": jax.random.normal(ks[1], (NE, 2 * NE), jnp.float32) * s,
        "fc1_3": jax.random.normal(ks[2], (4 * NE, NE), jnp.float32) * s,
        "convW": jax.random.normal(ks[3], (NE, ninp, NOUT1), jnp.float32) * s,
        "convb": jax.random.normal(ks[4], (NOUT1,), jnp.float32) * s,
        "fc11W": jax.random.normal(ks[5], (ninp, NOUT2), jnp.float32) * s,
        "fc11b": jax.random.normal(ks[6], (NOUT2,), jnp.float32) * s,
        "fc12W": jax.random.normal(ks[7], (ninp, NOUT2), jnp.float32) * s,
        "fc12b": jax.random.normal(ks[8], (NOUT2,), jnp.float32) * s,
    }


def setup_inputs(seed: int = 0):
    key = jax.random.key(seed)
    k = jax.random.split(key, 12)
    x = jax.random.normal(k[0], (N, D), jnp.float32)
    edge_index2 = jax.random.randint(k[1], (2, E), 0, N)
    edge_attr2 = jax.random.normal(k[2], (E, NE), jnp.float32)
    batch = jnp.sort(jax.random.randint(k[3], (N,), 0, NGRAPHS))
    p1 = _layer_params(k[4], D)
    p2 = _layer_params(k[5], NIN)
    p3 = _layer_params(k[6], NIN)
    att1W = jax.random.normal(k[7], (NIN, 16), jnp.float32) * 0.05
    att1b = jnp.zeros((16,), jnp.float32)
    att2W = jax.random.normal(k[8], (16, 1), jnp.float32) * 0.05
    att2b = jnp.zeros((1,), jnp.float32)
    return {"x": x, "edge_index2": edge_index2, "edge_attr2": edge_attr2, "batch": batch,
            "p1": p1, "p2": p2, "p3": p3,
            "att1W": att1W, "att1b": att1b, "att2W": att2W, "att2b": att2b}


def _ml3(x, src, dst, edge_attr, p):
    # learned edge MLP: cat([relu(fc1_1(ea)), relu(fc1_2(|ea|)*fc1_2(|ea|))]) -> fc1_3 -> relu
    t1 = jax.nn.relu(edge_attr @ p["fc1_1"])
    t2 = jnp.abs(edge_attr) @ p["fc1_2"]
    t2 = jax.nn.relu(t2 * t2)
    ea = jax.nn.relu(jnp.concatenate([t1, t2], axis=1) @ p["fc1_3"])
    # SpectConv (selfconn=False): per spectral channel i, scatter-add(norm_i * x_src) @ W[i]
    x_src = jnp.take(x, src, axis=0)
    out = jnp.zeros((x.shape[0], NOUT1), x.dtype)
    for i in range(NE):
        h = jax.ops.segment_sum(ea[:, i:i + 1] * x_src, dst, num_segments=x.shape[0])
        out = out + h @ p["convW"][i]
    out = out + p["convb"]
    gate = jax.nn.relu(x @ p["fc11W"] + p["fc11b"]) * jax.nn.relu(x @ p["fc12W"] + p["fc12b"])
    return jnp.concatenate([jax.nn.relu(out), gate], axis=1)


def reference(x, edge_index2, edge_attr2, batch, p1, p2, p3, att1W, att1b, att2W, att2b):
    src, dst = edge_index2[0], edge_index2[1]
    h = _ml3(x, src, dst, edge_attr2, p1)
    h = _ml3(h, src, dst, edge_attr2, p2)
    h = _ml3(h, src, dst, edge_attr2, p3)
    # aggregator == 'average_pool': global_mean_pool over batch ids
    summed = jax.ops.segment_sum(h, batch, num_segments=NGRAPHS)
    counts = jax.ops.segment_sum(jnp.ones((h.shape[0],), h.dtype), batch, num_segments=NGRAPHS)
    pooled = summed / jnp.maximum(counts, 1.0)[:, None]
    a = jax.nn.relu(pooled @ att1W + att1b)
    return a @ att2W + att2b


if False:  # reference __main__ guard neutralized (emitter)
    out = reference(**setup_inputs())
    print(out.shape)

if __name__ == "__main__":
    import jax
    _d = setup_inputs()
    print(jax.jit(kernel)(*tuple(_d.values())))

</pallas_src>

<mosaic_0001>
#map = affine_map<(d0, d1) -> (0, 0)>
#map1 = affine_map<(d0, d1) -> (0, 0, 0)>
module attributes {stable_mosaic.version = 14 : i64} {
  func.func @k(%arg0: i32, %arg1: i32, %arg2: memref<10000x512xf32, #tpu.memory_space<hbm>>, %arg3: memref<4000x80xi32, #tpu.memory_space<hbm>>, %arg4: memref<4000x80xi32, #tpu.memory_space<hbm>>, %arg5: memref<4000x80x16xf32, #tpu.memory_space<hbm>>, %arg6: memref<2x10000x32xf32, #tpu.memory_space<hbm>>, %arg7: memref<80xi32, #tpu.memory_space<vmem>>, %arg8: memref<80xi32, #tpu.memory_space<vmem>>, %arg9: memref<80x16xf32, #tpu.memory_space<vmem>>, %arg10: memref<80x512xf32, #tpu.memory_space<vmem>>, %arg11: memref<80x32xf32, #tpu.memory_space<vmem>>, %arg12: memref<640x32xf32, #tpu.memory_space<vmem>>, %arg13: memref<10000x32xf32, #tpu.memory_space<vmem_shared>>, %arg14: memref<!tpu.dma_semaphore, #tpu.memory_space<semaphore_mem>>) attributes {dimension_semantics = [#tpu.dimension_semantics<core_parallel>, #tpu.dimension_semantics<subcore_parallel>], iteration_bounds = array<i64: 2, 16>, scalar_prefetch = 0 : i64, scratch_operands = 8 : i64, tpu.core_type = #tpu.core_type<sc_vector_subcore>, window_params = [{transform_indices = #map}, {transform_indices = #map}, {transform_indices = #map}, {transform_indices = #map1}, {transform_indices = #map1}]} {
    %mul3A = arith.constant 2 : i32
    %mul3A_0 = arith.muli %arg1, %mul3A : i32
    %add3A = arith.addi %mul3A_0, %arg0 : i32
    %scan3A = arith.constant 0 : i32
    %scan3A_1 = arith.constant 0 : i32
    %scan3A_2 = arith.constant 640 : i32
    %scan3A_3 = arith.addi %scan3A_1, %scan3A_2 : i32
    %scan3A_4 = arith.constant 1 : i32
    scf.for %scan3A_29 = %scan3A_1 to %scan3A_3 step %scan3A_4  : i32 {
      %broadcast_in_dim3A = arith.constant 0.000000e+00 : f32
      %broadcast_in_dim3A_30 = vector.broadcast %broadcast_in_dim3A : f32 to vector<16xf32>
      %swap3A = arith.index_cast %scan3A_29 : i32 to index
      %swap3A_31 = arith.constant 0 : index
      %swap3A_32 = tpu.vector_load %arg12[%swap3A, %swap3A_31] {strides = array<i32>} : memref<640x32xf32, #tpu.memory_space<vmem>>, vector<1x16xf32>,
      %swap3A_33 = vector.shape_cast %swap3A_32 : vector<1x16xf32> to vector<16xf32>
      %swap3A_34 = vector.shape_cast %broadcast_in_dim3A_30 : vector<16xf32> to vector<1x16xf32>
      tpu.vector_store %arg12[%swap3A, %swap3A_31], %swap3A_34 {strides = array<i32>} : memref<640x32xf32, #tpu.memory_space<vmem>>, vector<1x16xf32>,
      %broadcast_in_dim3A_35 = arith.constant 0.000000e+00 : f32
      %broadcast_in_dim3A_36 = vector.broadcast %broadcast_in_dim3A_35 : f32 to vector<16xf32>
      %swap3A_37 = arith.index_cast %scan3A_29 : i32 to index
      %swap3A_38 = arith.constant 16 : index
      %swap3A_39 = tpu.vector_load %arg12[%swap3A_37, %swap3A_38] {strides = array<i32>} : memref<640x32xf32, #tpu.memory_space<vmem>>, vector<1x16xf32>,
      %swap3A_40 = vector.shape_cast %swap3A_39 : vector<1x16xf32> to vector<16xf32>
      %swap3A_41 = vector.shape_cast %broadcast_in_dim3A_36 : vector<16xf32> to vector<1x16xf32>
      tpu.vector_store %arg12[%swap3A_37, %swap3A_38], %swap3A_41 {strides = array<i32>} : memref<640x32xf32, #tpu.memory_space<vmem>>, vector<1x16xf32>,
    }
    %scan3A_5 = arith.constant 640 : i32
    %lt3A = arith.constant 15 : i32
    %lt3A_6 = arith.cmpi slt, %arg1, %lt3A : i32
    %convert_element_type3A = arith.extui %lt3A_6 : i1 to i32
    %cond3A = arith.constant 0 : i32
    %cond3A_7 = arith.cmpi ne, %convert_element_type3A, %cond3A : i32
    scf.if %cond3A_7 {
      %mul3A_29 = arith.constant 624 : i32
      %mul3A_30 = arith.muli %arg1, %mul3A_29 : i32
      "tpu.region"() ({
        %run_scoped3A = tpu.sem_alloc : memref<!tpu.dma_semaphore, #tpu.memory_space<semaphore_mem>>
        %dma_start3A = arith.constant 0 : i32
        %dma_start3A_31 = arith.constant 0 : i32
        %dma_start3A_32 = tpu.memref_slice %arg12[%dma_start3A, %dma_start3A_31] : memref<640x32xf32, #tpu.memory_space<vmem>> -> memref<624x32xf32, #tpu.memory_space<vmem>>
        %dma_start3A_33 = arith.constant 0 : i32
        %dma_start3A_34 = tpu.memref_slice %arg13[%mul3A_30, %dma_start3A_33] : memref<10000x32xf32, #tpu.memory_space<vmem_shared>> -> memref<624x32xf32, #tpu.memory_space<vmem_shared>>
        %dma_start3A_35 = arith.constant 0 : i32
        %dma_start3A_36 = tpu.memref_slice %arg13[%mul3A_30, %dma_start3A_35] : memref<10000x32xf32, #tpu.memory_space<vmem_shared>> -> memref<624x32xf32, #tpu.memory_space<vmem_shared>>
        %dma_start3A_37 = arith.constant 0 : i32
        %dma_start3A_38 = arith.constant 0 : i32
        %dma_start3A_39 = tpu.memref_slice %arg12[%dma_start3A_37, %dma_start3A_38] : memref<640x32xf32, #tpu.memory_space<vmem>> -> memref<624x32xf32, #tpu.memory_space<vmem>>
        tpu.enqueue_dma source(%dma_start3A_39 : memref<624x32xf32, #tpu.memory_space<vmem>>) target(%dma_start3A_36 : memref<624x32xf32, #tpu.memory_space<vmem_shared>>) target_semaphore(%run_scoped3A : memref<!tpu.dma_semaphore, #tpu.memory_space<semaphore_mem>>)
        %dma_wait3A = arith.constant 0 : i32
        %dma_wait3A_40 = arith.constant 0 : i32
        %dma_wait3A_41 = tpu.memref_slice %arg12[%dma_wait3A, %dma_wait3A_40] : memref<640x32xf32, #tpu.memory_space<vmem>> -> memref<624x32xf32, #tpu.memory_space<vmem>>
        %dma_wait3A_42 = arith.constant 0 : i32
        %dma_wait3A_43 = tpu.memref_slice %arg13[%mul3A_30, %dma_wait3A_42] : memref<10000x32xf32, #tpu.memory_space<vmem_shared>> -> memref<624x32xf32, #tpu.memory_space<vmem_shared>>
        %dma_wait3A_44 = arith.constant 0 : i32
        %dma_wait3A_45 = tpu.memref_slice %arg13[%mul3A_30, %dma_wait3A_44] : memref<10000x32xf32, #tpu.memory_space<vmem_shared>> -> memref<624x32xf32, #tpu.memory_space<vmem_shared>>
        %dma_wait3A_46 = arith.constant 0 : i32
        %dma_wait3A_47 = arith.constant 0 : i32
        %dma_wait3A_48 = tpu.memref_slice %arg12[%dma_wait3A_46, %dma_wait3A_47] : memref<640x32xf32, #tpu.memory_space<vmem>> -> memref<624x32xf32, #tpu.memory_space<vmem>>
        tpu.wait_dma2 semaphore(%run_scoped3A : memref<!tpu.dma_semaphore, #tpu.memory_space<semaphore_mem>>) src(%dma_wait3A_48 : memref<624x32xf32, #tpu.memory_space<vmem>>) dst(%dma_wait3A_45 : memref<624x32xf32, #tpu.memory_space<vmem_shared>>)
        tpu.yield
      }) : () -> ()
    } else {
    }
    %eq3A = arith.constant 15 : i32
    %eq3A_8 = arith.cmpi eq, %arg1, %eq3A : i32
    %convert_element_type3A_9 = arith.extui %eq3A_8 : i1 to i32
    %cond3A_10 = arith.constant 0 : i32
    %cond3A_11 = arith.cmpi ne, %convert_element_type3A_9, %cond3A_10 : i32
    scf.if %cond3A_11 {
      "tpu.region"() ({
        %run_scoped3A = tpu.sem_alloc : memref<!tpu.dma_semaphore, #tpu.memory_space<semaphore_mem>>
        %dma_start3A = arith.constant 9360 : i32
        %dma_start3A_29 = arith.constant 0 : i32
        %dma_start3A_30 = tpu.memref_slice %arg13[%dma_start3A, %dma_start3A_29] : memref<10000x32xf32, #tpu.memory_space<vmem_shared>> -> memref<640x32xf32, #tpu.memory_space<vmem_shared>>
        %dma_start3A_31 = arith.constant 9360 : i32
        %dma_start3A_32 = arith.constant 0 : i32
        %dma_start3A_33 = tpu.memref_slice %arg13[%dma_start3A_31, %dma_start3A_32] : memref<10000x32xf32, #tpu.memory_space<vmem_shared>> -> memref<640x32xf32, #tpu.memory_space<vmem_shared>>
        tpu.enqueue_dma source(%arg12 : memref<640x32xf32, #tpu.memory_space<vmem>>) target(%dma_start3A_33 : memref<640x32xf32, #tpu.memory_space<vmem_shared>>) target_semaphore(%run_scoped3A : memref<!tpu.dma_semaphore, #tpu.memory_space<semaphore_mem>>)
        %dma_wait3A = arith.constant 9360 : i32
        %dma_wait3A_34 = arith.constant 0 : i32
        %dma_wait3A_35 = tpu.memref_slice %arg13[%dma_wait3A, %dma_wait3A_34] : memref<10000x32xf32, #tpu.memory_space<vmem_shared>> -> memref<640x32xf32, #tpu.memory_space<vmem_shared>>
        %dma_wait3A_36 = arith.constant 9360 : i32
        %dma_wait3A_37 = arith.constant 0 : i32
        %dma_wait3A_38 = tpu.memref_slice %arg13[%dma_wait3A_36, %dma_wait3A_37] : memref<10000x32xf32, #tpu.memory_space<vmem_shared>> -> memref<640x32xf32, #tpu.memory_space<vmem_shared>>
        tpu.wait_dma2 semaphore(%run_scoped3A : memref<!tpu.dma_semaphore, #tpu.memory_space<semaphore_mem>>) src(%arg12 : memref<640x32xf32, #tpu.memory_space<vmem>>) dst(%dma_wait3A_38 : memref<640x32xf32, #tpu.memory_space<vmem_shared>>)
        tpu.yield
      }) : () -> ()
    } else {
    }
    %barrier3A = arith.constant 0 : index
    tpu.barrier barrier_id(%barrier3A)
    %scan3A_12 = arith.constant 0 : i32
    %scan3A_13 = arith.constant 0 : i32
    %scan3A_14 = arith.constant 125 : i32
    %scan3A_15 = arith.addi %scan3A_13, %scan3A_14 : i32
    %scan3A_16 = arith.constant 1 : i32
    scf.for %scan3A_29 = %scan3A_13 to %scan3A_15 step %scan3A_16  : i32 {
      %mul3A_30 = arith.constant 125 : i32
      %mul3A_31 = arith.muli %add3A, %mul3A_30 : i32
      %add3A_32 = arith.addi %mul3A_31, %scan3A_29 : i32
      "tpu.region"() ({
        %run_scoped3A = tpu.sem_alloc : memref<!tpu.dma_semaphore, #tpu.memory_space<semaphore_mem>>
        %dma_start3A_43 = arith.constant 0 : i32
        %dma_start3A_44 = tpu.memref_slice %arg3[%add3A_32, %dma_start3A_43] : memref<4000x80xi32, #tpu.memory_space<hbm>> -> memref<1x80xi32, #tpu.memory_space<hbm>>
        %dma_start3A_45 = tpu.memref_squeeze %dma_start3A_44 : memref<1x80xi32, #tpu.memory_space<hbm>> -> memref<80xi32, #tpu.memory_space<hbm>>
        %dma_start3A_46 = arith.constant 0 : i32
        %dma_start3A_47 = tpu.memref_slice %arg3[%add3A_32, %dma_start3A_46] : memref<4000x80xi32, #tpu.memory_space<hbm>> -> memref<1x80xi32, #tpu.memory_space<hbm>>
        %dma_start3A_48 = tpu.memref_squeeze %dma_start3A_47 : memref<1x80xi32, #tpu.memory_space<hbm>> -> memref<80xi32, #tpu.memory_space<hbm>>
        tpu.enqueue_dma source(%dma_start3A_48 : memref<80xi32, #tpu.memory_space<hbm>>) target(%arg7 : memref<80xi32, #tpu.memory_space<vmem>>) target_semaphore(%run_scoped3A : memref<!tpu.dma_semaphore, #tpu.memory_space<semaphore_mem>>)
        %dma_wait3A_49 = arith.constant 0 : i32
        %dma_wait3A_50 = tpu.memref_slice %arg3[%add3A_32, %dma_wait3A_49] : memref<4000x80xi32, #tpu.memory_space<hbm>> -> memref<1x80xi32, #tpu.memory_space<hbm>>
        %dma_wait3A_51 = tpu.memref_squeeze %dma_wait3A_50 : memref<1x80xi32, #tpu.memory_space<hbm>> -> memref<80xi32, #tpu.memory_space<hbm>>
        %dma_wait3A_52 = arith.constant 0 : i32
        %dma_wait3A_53 = tpu.memref_slice %arg3[%add3A_32, %dma_wait3A_52] : memref<4000x80xi32, #tpu.memory_space<hbm>> -> memref<1x80xi32, #tpu.memory_space<hbm>>
        %dma_wait3A_54 = tpu.memref_squeeze %dma_wait3A_53 : memref<1x80xi32, #tpu.memory_space<hbm>> -> memref<80xi32, #tpu.memory_space<hbm>>
        tpu.wait_dma2 semaphore(%run_scoped3A : memref<!tpu.dma_semaphore, #tpu.memory_space<semaphore_mem>>) src(%dma_wait3A_54 : memref<80xi32, #tpu.memory_space<hbm>>) dst(%arg7 : memref<80xi32, #tpu.memory_space<vmem>>)
        tpu.yield
      }) : () -> ()
      "tpu.region"() ({
        %run_scoped3A = tpu.sem_alloc : memref<!tpu.dma_semaphore, #tpu.memory_space<semaphore_mem>>
        %dma_start3A_43 = arith.constant 0 : i32
        %dma_start3A_44 = tpu.memref_slice %arg4[%add3A_32, %dma_start3A_43] : memref<4000x80xi32, #tpu.memory_space<hbm>> -> memref<1x80xi32, #tpu.memory_space<hbm>>
        %dma_start3A_45 = tpu.memref_squeeze %dma_start3A_44 : memref<1x80xi32, #tpu.memory_space<hbm>> -> memref<80xi32, #tpu.memory_space<hbm>>
        %dma_start3A_46 = arith.constant 0 : i32
        %dma_start3A_47 = tpu.memref_slice %arg4[%add3A_32, %dma_start3A_46] : memref<4000x80xi32, #tpu.memory_space<hbm>> -> memref<1x80xi32, #tpu.memory_space<hbm>>
        %dma_start3A_48 = tpu.memref_squeeze %dma_start3A_47 : memref<1x80xi32, #tpu.memory_space<hbm>> -> memref<80xi32, #tpu.memory_space<hbm>>
        tpu.enqueue_dma source(%dma_start3A_48 : memref<80xi32, #tpu.memory_space<hbm>>) target(%arg8 : memref<80xi32, #tpu.memory_space<vmem>>) target_semaphore(%run_scoped3A : memref<!tpu.dma_semaphore, #tpu.memory_space<semaphore_mem>>)
        %dma_wait3A_49 = arith.constant 0 : i32
        %dma_wait3A_50 = tpu.memref_slice %arg4[%add3A_32, %dma_wait3A_49] : memref<4000x80xi32, #tpu.memory_space<hbm>> -> memref<1x80xi32, #tpu.memory_space<hbm>>
        %dma_wait3A_51 = tpu.memref_squeeze %dma_wait3A_50 : memref<1x80xi32, #tpu.memory_space<hbm>> -> memref<80xi32, #tpu.memory_space<hbm>>
        %dma_wait3A_52 = arith.constant 0 : i32
        %dma_wait3A_53 = tpu.memref_slice %arg4[%add3A_32, %dma_wait3A_52] : memref<4000x80xi32, #tpu.memory_space<hbm>> -> memref<1x80xi32, #tpu.memory_space<hbm>>
        %dma_wait3A_54 = tpu.memref_squeeze %dma_wait3A_53 : memref<1x80xi32, #tpu.memory_space<hbm>> -> memref<80xi32, #tpu.memory_space<hbm>>
        tpu.wait_dma2 semaphore(%run_scoped3A : memref<!tpu.dma_semaphore, #tpu.memory_space<semaphore_mem>>) src(%dma_wait3A_54 : memref<80xi32, #tpu.memory_space<hbm>>) dst(%arg8 : memref<80xi32, #tpu.memory_space<vmem>>)
        tpu.yield
      }) : () -> ()
      "tpu.region"() ({
        %run_scoped3A = tpu.sem_alloc : memref<!tpu.dma_semaphore, #tpu.memory_space<semaphore_mem>>
        %dma_start3A_43 = arith.constant 0 : i32
        %dma_start3A_44 = arith.constant 0 : i32
        %dma_start3A_45 = tpu.memref_slice %arg5[%add3A_32, %dma_start3A_43, %dma_start3A_44] : memref<4000x80x16xf32, #tpu.memory_space<hbm>> -> memref<1x80x16xf32, #tpu.memory_space<hbm>>
        %dma_start3A_46 = tpu.memref_squeeze %dma_start3A_45 : memref<1x80x16xf32, #tpu.memory_space<hbm>> -> memref<80x16xf32, #tpu.memory_space<hbm>>
        %dma_start3A_47 = arith.constant 0 : i32
        %dma_start3A_48 = arith.constant 0 : i32
        %dma_start3A_49 = tpu.memref_slice %arg5[%add3A_32, %dma_start3A_47, %dma_start3A_48] : memref<4000x80x16xf32, #tpu.memory_space<hbm>> -> memref<1x80x16xf32, #tpu.memory_space<hbm>>
        %dma_start3A_50 = tpu.memref_squeeze %dma_start3A_49 : memref<1x80x16xf32, #tpu.memory_space<hbm>> -> memref<80x16xf32, #tpu.memory_space<hbm>>
        tpu.enqueue_dma source(%dma_start3A_50 : memref<80x16xf32, #tpu.memory_space<hbm>>) target(%arg9 : memref<80x16xf32, #tpu.memory_space<vmem>>) target_semaphore(%run_scoped3A : memref<!tpu.dma_semaphore, #tpu.memory_space<semaphore_mem>>)
        %dma_wait3A_51 = arith.constant 0 : i32
        %dma_wait3A_52 = arith.constant 0 : i32
        %dma_wait3A_53 = tpu.memref_slice %arg5[%add3A_32, %dma_wait3A_51, %dma_wait3A_52] : memref<4000x80x16xf32, #tpu.memory_space<hbm>> -> memref<1x80x16xf32, #tpu.memory_space<hbm>>
        %dma_wait3A_54 = tpu.memref_squeeze %dma_wait3A_53 : memref<1x80x16xf32, #tpu.memory_space<hbm>> -> memref<80x16xf32, #tpu.memory_space<hbm>>
        %dma_wait3A_55 = arith.constant 0 : i32
        %dma_wait3A_56 = arith.constant 0 : i32
        %dma_wait3A_57 = tpu.memref_slice %arg5[%add3A_32, %dma_wait3A_55, %dma_wait3A_56] : memref<4000x80x16xf32, #tpu.memory_space<hbm>> -> memref<1x80x16xf32, #tpu.memory_space<hbm>>
        %dma_wait3A_58 = tpu.memref_squeeze %dma_wait3A_57 : memref<1x80x16xf32, #tpu.memory_space<hbm>> -> memref<80x16xf32, #tpu.memory_space<hbm>>
        tpu.wait_dma2 semaphore(%run_scoped3A : memref<!tpu.dma_semaphore, #tpu.memory_space<semaphore_mem>>) src(%dma_wait3A_58 : memref<80x16xf32, #tpu.memory_space<hbm>>) dst(%arg9 : memref<80x16xf32, #tpu.memory_space<vmem>>)
        tpu.yield
      }) : () -> ()
      %dma_start3A = arith.constant 0 : i32
      %dma_start3A_33 = arith.constant 0 : i32
      %dma_start3A_34 = tpu.memref_slice %arg2[%dma_start3A, %dma_start3A_33] : memref<10000x512xf32, #tpu.memory_space<hbm>> -> memref<10000x512xf32, #tpu.memory_space<hbm>>
      tpu.enqueue_indirect_dma source(%dma_start3A_34 : memref<10000x512xf32, #tpu.memory_space<hbm>>) target(%arg10 : memref<80x512xf32, #tpu.memory_space<vmem>>) offsets(%arg7 : memref<80xi32, #tpu.memory_space<vmem>>) semaphore(%arg14 : memref<!tpu.dma_semaphore, #tpu.memory_space<semaphore_mem>>)
      %dma_wait3A = arith.constant 0 : i32
      %dma_wait3A_35 = arith.constant 0 : i32
      %dma_wait3A_36 = tpu.memref_slice %arg2[%dma_wait3A, %dma_wait3A_35] : memref<10000x512xf32, #tpu.memory_space<hbm>> -> memref<10000x512xf32, #tpu.memory_space<hbm>>
      tpu.wait_indirect_dma semaphore(%arg14 : memref<!tpu.dma_semaphore, #tpu.memory_space<semaphore_mem>>) src(%dma_wait3A_36 : memref<10000x512xf32, #tpu.memory_space<hbm>>) dst(%arg10 : memref<80x512xf32, #tpu.memory_space<vmem>>)
      %scan3A_37 = arith.constant 0 : i32
      %scan3A_38 = arith.constant 0 : i32
      %scan3A_39 = arith.constant 80 : i32
      %scan3A_40 = arith.addi %scan3A_38, %scan3A_39 : i32
      %scan3A_41 = arith.constant 1 : i32
      scf.for %scan3A_43 = %scan3A_38 to %scan3A_40 step %scan3A_41  : i32 {
        %get3A = arith.index_cast %scan3A_43 : i32 to index
        %get3A_44 = arith.constant 0 : index
        %get3A_45 = tpu.vector_load %arg9[%get3A, %get3A_44] {strides = array<i32>} : memref<80x16xf32, #tpu.memory_space<vmem>>, vector<1x16xf32>,
        %get3A_46 = vector.shape_cast %get3A_45 : vector<1x16xf32> to vector<16xf32>
        %broadcast_in_dim3A = arith.constant 0.000000e+00 : f32
        %broadcast_in_dim3A_47 = vector.broadcast %broadcast_in_dim3A : f32 to vector<16xf32>
        %broadcast_in_dim3A_48 = arith.constant 0.000000e+00 : f32
        %broadcast_in_dim3A_49 = vector.broadcast %broadcast_in_dim3A_48 : f32 to vector<16xf32>
        %slice3A = vector.extract_strided_slice %get3A_46 {offsets = [0], sizes = [1], strides = [1]} : vector<16xf32> to vector<1xf32>
        %squeeze3A = vector.extract %slice3A[0] : f32 from vector<1xf32>
        %get3A_50 = arith.index_cast %scan3A_43 : i32 to index
        %get3A_51 = arith.constant 0 : index
        %get3A_52 = tpu.vector_load %arg10[%get3A_50, %get3A_51] {strides = array<i32>} : memref<80x512xf32, #tpu.memory_space<vmem>>, vector<1x16xf32>,
        %get3A_53 = vector.shape_cast %get3A_52 : vector<1x16xf32> to vector<16xf32>
        %mul3A_54 = vector.broadcast %squeeze3A : f32 to vector<16xf32>
        %mul3A_55 = arith.mulf %mul3A_54, %get3A_53 : vector<16xf32>
        %add3A_56 = arith.addf %broadcast_in_dim3A_47, %mul3A_55 : vector<16xf32>
        %get3A_57 = arith.index_cast %scan3A_43 : i32 to index
        %get3A_58 = arith.constant 16 : index
        %get3A_59 = tpu.vector_load %arg10[%get3A_57, %get3A_58] {strides = array<i32>} : memref<80x512xf32, #tpu.memory_space<vmem>>, vector<1x16xf32>,
        %get3A_60 = vector.shape_cast %get3A_59 : vector<1x16xf32> to vector<16xf32>
        %mul3A_61 = vector.broadcast %squeeze3A : f32 to vector<16xf32>
        %mul3A_62 = arith.mulf %mul3A_61, %get3A_60 : vector<16xf32>
        %add3A_63 = arith.addf %broadcast_in_dim3A_49, %mul3A_62 : vector<16xf32>
        %slice3A_64 = vector.extract_strided_slice %get3A_46 {offsets = [1], sizes = [1], strides = [1]} : vector<16xf32> to vector<1xf32>
        %squeeze3A_65 = vector.extract %slice3A_64[0] : f32 from vector<1xf32>
        %get3A_66 = arith.index_cast %scan3A_43 : i32 to index
        %get3A_67 = arith.constant 32 : index
        %get3A_68 = tpu.vector_load %arg10[%get3A_66, %get3A_67] {strides = array<i32>} : memref<80x512xf32, #tpu.memory_space<vmem>>, vector<1x16xf32>,
        %get3A_69 = vector.shape_cast %get3A_68 : vector<1x16xf32> to vector<16xf32>
        %mul3A_70 = vector.broadcast %squeeze3A_65 : f32 to vector<16xf32>
        %mul3A_71 = arith.mulf %mul3A_70, %get3A_69 : vector<16xf32>
        %add3A_72 = arith.addf %add3A_56, %mul3A_71 : vector<16xf32>
        %get3A_73 = arith.index_cast %scan3A_43 : i32 to index
        %get3A_74 = arith.constant 48 : index
        %get3A_75 = tpu.vector_load %arg10[%get3A_73, %get3A_74] {strides = array<i32>} : memref<80x512xf32, #tpu.memory_space<vmem>>, vector<1x16xf32>,
        %get3A_76 = vector.shape_cast %get3A_75 : vector<1x16xf32> to vector<16xf32>
        %mul3A_77 = vector.broadcast %squeeze3A_65 : f32 to vector<16xf32>
        %mul3A_78 = arith.mulf %mul3A_77, %get3A_76 : vector<16xf32>
        %add3A_79 = arith.addf %add3A_63, %mul3A_78 : vector<16xf32>
        %slice3A_80 = vector.extract_strided_slice %get3A_46 {offsets = [2], sizes = [1], strides = [1]} : vector<16xf32> to vector<1xf32>
        %squeeze3A_81 = vector.extract %slice3A_80[0] : f32 from vector<1xf32>
        %get3A_82 = arith.index_cast %scan3A_43 : i32 to index
        %get3A_83 = arith.constant 64 : index
        %get3A_84 = tpu.vector_load %arg10[%get3A_82, %get3A_83] {strides = array<i32>} : memref<80x512xf32, #tpu.memory_space<vmem>>, vector<1x16xf32>,
        %get3A_85 = vector.shape_cast %get3A_84 : vector<1x16xf32> to vector<16xf32>
        %mul3A_86 = vector.broadcast %squeeze3A_81 : f32 to vector<16xf32>
        %mul3A_87 = arith.mulf %mul3A_86, %get3A_85 : vector<16xf32>
        %add3A_88 = arith.addf %add3A_72, %mul3A_87 : vector<16xf32>
        %get3A_89 = arith.index_cast %scan3A_43 : i32 to index
        %get3A_90 = arith.constant 80 : index
        %get3A_91 = tpu.vector_load %arg10[%get3A_89, %get3A_90] {strides = array<i32>} : memref<80x512xf32, #tpu.memory_space<vmem>>, vector<1x16xf32>,
        %get3A_92 = vector.shape_cast %get3A_91 : vector<1x16xf32> to vector<16xf32>
        %mul3A_93 = vector.broadcast %squeeze3A_81 : f32 to vector<16xf32>
        %mul3A_94 = arith.mulf %mul3A_93, %get3A_92 : vector<16xf32>
        %add3A_95 = arith.addf %add3A_79, %mul3A_94 : vector<16xf32>
        %slice3A_96 = vector.extract_strided_slice %get3A_46 {offsets = [3], sizes = [1], strides = [1]} : vector<16xf32> to vector<1xf32>
        %squeeze3A_97 = vector.extract %slice3A_96[0] : f32 from vector<1xf32>
        %get3A_98 = arith.index_cast %scan3A_43 : i32 to index
        %get3A_99 = arith.constant 96 : index
        %get3A_100 = tpu.vector_load %arg10[%get3A_98, %get3A_99] {strides = array<i32>} : memref<80x512xf32, #tpu.memory_space<vmem>>, vector<1x16xf32>,
        %get3A_101 = vector.shape_cast %get3A_100 : vector<1x16xf32> to vector<16xf32>
        %mul3A_102 = vector.broadcast %squeeze3A_97 : f32 to vector<16xf32>
        %mul3A_103 = arith.mulf %mul3A_102, %get3A_101 : vector<16xf32>
        %add3A_104 = arith.addf %add3A_88, %mul3A_103 : vector<16xf32>
        %get3A_105 = arith.index_cast %scan3A_43 : i32 to index
        %get3A_106 = arith.constant 112 : index
        %get3A_107 = tpu.vector_load %arg10[%get3A_105, %get3A_106] {strides = array<i32>} : memref<80x512xf32, #tpu.memory_space<vmem>>, vector<1x16xf32>,
        %get3A_108 = vector.shape_cast %get3A_107 : vector<1x16xf32> to vector<16xf32>
        %mul3A_109 = vector.broadcast %squeeze3A_97 : f32 to vector<16xf32>
        %mul3A_110 = arith.mulf %mul3A_109, %get3A_108 : vector<16xf32>
        %add3A_111 = arith.addf %add3A_95, %mul3A_110 : vector<16xf32>
        %slice3A_112 = vector.extract_strided_slice %get3A_46 {offsets = [4], sizes = [1], strides = [1]} : vector<16xf32> to vector<1xf32>
        %squeeze3A_113 = vector.extract %slice3A_112[0] : f32 from vector<1xf32>
        %get3A_114 = arith.index_cast %scan3A_43 : i32 to index
        %get3A_115 = arith.constant 128 : index
        %get3A_116 = tpu.vector_load %arg10[%get3A_114, %get3A_115] {strides = array<i32>} : memref<80x512xf32, #tpu.memory_space<vmem>>, vector<1x16xf32>,
        %get3A_117 = vector.shape_cast %get3A_116 : vector<1x16xf32> to vector<16xf32>
        %mul3A_118 = vector.broadcast %squeeze3A_113 : f32 to vector<16xf32>
        %mul3A_119 = arith.mulf %mul3A_118, %get3A_117 : vector<16xf32>
        %add3A_120 = arith.addf %add3A_104, %mul3A_119 : vector<16xf32>
        %get3A_121 = arith.index_cast %scan3A_43 : i32 to index
        %get3A_122 = arith.constant 144 : index
        %get3A_123 = tpu.vector_load %arg10[%get3A_121, %get3A_122] {strides = array<i32>} : memref<80x512xf32, #tpu.memory_space<vmem>>, vector<1x16xf32>,
        %get3A_124 = vector.shape_cast %get3A_123 : vector<1x16xf32> to vector<16xf32>
        %mul3A_125 = vector.broadcast %squeeze3A_113 : f32 to vector<16xf32>
        %mul3A_126 = arith.mulf %mul3A_125, %get3A_124 : vector<16xf32>
        %add3A_127 = arith.addf %add3A_111, %mul3A_126 : vector<16xf32>
        %slice3A_128 = vector.extract_strided_slice %get3A_46 {offsets = [5], sizes = [1], strides = [1]} : vector<16xf32> to vector<1xf32>
        %squeeze3A_129 = vector.extract %slice3A_128[0] : f32 from vector<1xf32>
        %get3A_130 = arith.index_cast %scan3A_43 : i32 to index
        %get3A_131 = arith.constant 160 : index
        %get3A_132 = tpu.vector_load %arg10[%get3A_130, %get3A_131] {strides = array<i32>} : memref<80x512xf32, #tpu.memory_space<vmem>>, vector<1x16xf32>,
        %get3A_133 = vector.shape_cast %get3A_132 : vector<1x16xf32> to vector<16xf32>
        %mul3A_134 = vector.broadcast %squeeze3A_129 : f32 to vector<16xf32>
        %mul3A_135 = arith.mulf %mul3A_134, %get3A_133 : vector<16xf32>
        %add3A_136 = arith.addf %add3A_120, %mul3A_135 : vector<16xf32>
        %get3A_137 = arith.index_cast %scan3A_43 : i32 to index
        %get3A_138 = arith.constant 176 : index
        %get3A_139 = tpu.vector_load %arg10[%get3A_137, %get3A_138] {strides = array<i32>} : memref<80x512xf32, #tpu.memory_space<vmem>>, vector<1x16xf32>,
        %get3A_140 = vector.shape_cast %get3A_139 : vector<1x16xf32> to vector<16xf32>
        %mul3A_141 = vector.broadcast %squeeze3A_129 : f32 to vector<16xf32>
        %mul3A_142 = arith.mulf %mul3A_141, %get3A_140 : vector<16xf32>
        %add3A_143 = arith.addf %add3A_127, %mul3A_142 : vector<16xf32>
        %slice3A_144 = vector.extract_strided_slice %get3A_46 {offsets = [6], sizes = [1], strides = [1]} : vector<16xf32> to vector<1xf32>
        %squeeze3A_145 = vector.extract %slice3A_144[0] : f32 from vector<1xf32>
        %get3A_146 = arith.index_cast %scan3A_43 : i32 to index
        %get3A_147 = arith.constant 192 : index
        %get3A_148 = tpu.vector_load %arg10[%get3A_146, %get3A_147] {strides = array<i32>} : memref<80x512xf32, #tpu.memory_space<vmem>>, vector<1x16xf32>,
        %get3A_149 = vector.shape_cast %get3A_148 : vector<1x16xf32> to vector<16xf32>
        %mul3A_150 = vector.broadcast %squeeze3A_145 : f32 to vector<16xf32>
        %mul3A_151 = arith.mulf %mul3A_150, %get3A_149 : vector<16xf32>
        %add3A_152 = arith.addf %add3A_136, %mul3A_151 : vector<16xf32>
        %get3A_153 = arith.index_cast %scan3A_43 : i32 to index
        %get3A_154 = arith.constant 208 : index
        %get3A_155 = tpu.vector_load %arg10[%get3A_153, %get3A_154] {strides = array<i32>} : memref<80x512xf32, #tpu.memory_space<vmem>>, vector<1x16xf32>,
        %get3A_156 = vector.shape_cast %get3A_155 : vector<1x16xf32> to vector<16xf32>
        %mul3A_157 = vector.broadcast %squeeze3A_145 : f32 to vector<16xf32>
        %mul3A_158 = arith.mulf %mul3A_157, %get3A_156 : vector<16xf32>
        %add3A_159 = arith.addf %add3A_143, %mul3A_158 : vector<16xf32>
        %slice3A_160 = vector.extract_strided_slice %get3A_46 {offsets = [7], sizes = [1], strides = [1]} : vector<16xf32> to vector<1xf32>
        %squeeze3A_161 = vector.extract %slice3A_160[0] : f32 from vector<1xf32>
        %get3A_162 = arith.index_cast %scan3A_43 : i32 to index
        %get3A_163 = arith.constant 224 : index
        %get3A_164 = tpu.vector_load %arg10[%get3A_162, %get3A_163] {strides = array<i32>} : memref<80x512xf32, #tpu.memory_space<vmem>>, vector<1x16xf32>,
        %get3A_165 = vector.shape_cast %get3A_164 : vector<1x16xf32> to vector<16xf32>
        %mul3A_166 = vector.broadcast %squeeze3A_161 : f32 to vector<16xf32>
        %mul3A_167 = arith.mulf %mul3A_166, %get3A_165 : vector<16xf32>
        %add3A_168 = arith.addf %add3A_152, %mul3A_167 : vector<16xf32>
        %get3A_169 = arith.index_cast %scan3A_43 : i32 to index
        %get3A_170 = arith.constant 240 : index
        %get3A_171 = tpu.vector_load %arg10[%get3A_169, %get3A_170] {strides = array<i32>} : memref<80x512xf32, #tpu.memory_space<vmem>>, vector<1x16xf32>,
        %get3A_172 = vector.shape_cast %get3A_171 : vector<1x16xf32> to vector<16xf32>
        %mul3A_173 = vector.broadcast %squeeze3A_161 : f32 to vector<16xf32>
        %mul3A_174 = arith.mulf %mul3A_173, %get3A_172 : vector<16xf32>
        %add3A_175 = arith.addf %add3A_159, %mul3A_174 : vector<16xf32>
        %slice3A_176 = vector.extract_strided_slice %get3A_46 {offsets = [8], sizes = [1], strides = [1]} : vector<16xf32> to vector<1xf32>
        %squeeze3A_177 = vector.extract %slice3A_176[0] : f32 from vector<1xf32>
        %get3A_178 = arith.index_cast %scan3A_43 : i32 to index
        %get3A_179 = arith.constant 256 : index
        %get3A_180 = tpu.vector_load %arg10[%get3A_178, %get3A_179] {strides = array<i32>} : memref<80x512xf32, #tpu.memory_space<vmem>>, vector<1x16xf32>,
        %get3A_181 = vector.shape_cast %get3A_180 : vector<1x16xf32> to vector<16xf32>
        %mul3A_182 = vector.broadcast %squeeze3A_177 : f32 to vector<16xf32>
        %mul3A_183 = arith.mulf %mul3A_182, %get3A_181 : vector<16xf32>
        %add3A_184 = arith.addf %add3A_168, %mul3A_183 : vector<16xf32>
        %get3A_185 = arith.index_cast %scan3A_43 : i32 to index
        %get3A_186 = arith.constant 272 : index
        %get3A_187 = tpu.vector_load %arg10[%get3A_185, %get3A_186] {strides = array<i32>} : memref<80x512xf32, #tpu.memory_space<vmem>>, vector<1x16xf32>,
        %get3A_188 = vector.shape_cast %get3A_187 : vector<1x16xf32> to vector<16xf32>
        %mul3A_189 = vector.broadcast %squeeze3A_177 : f32 to vector<16xf32>
        %mul3A_190 = arith.mulf %mul3A_189, %get3A_188 : vector<16xf32>
        %add3A_191 = arith.addf %add3A_175, %mul3A_190 : vector<16xf32>
        %slice3A_192 = vector.extract_strided_slice %get3A_46 {offsets = [9], sizes = [1], strides = [1]} : vector<16xf32> to vector<1xf32>
        %squeeze3A_193 = vector.extract %slice3A_192[0] : f32 from vector<1xf32>
        %get3A_194 = arith.index_cast %scan3A_43 : i32 to index
        %get3A_195 = arith.constant 288 : index
        %get3A_196 = tpu.vector_load %arg10[%get3A_194, %get3A_195] {strides = array<i32>} : memref<80x512xf32, #tpu.memory_space<vmem>>, vector<1x16xf32>,
        %get3A_197 = vector.shape_cast %get3A_196 : vector<1x16xf32> to vector<16xf32>
        %mul3A_198 = vector.broadcast %squeeze3A_193 : f32 to vector<16xf32>
        %mul3A_199 = arith.mulf %mul3A_198, %get3A_197 : vector<16xf32>
        %add3A_200 = arith.addf %add3A_184, %mul3A_199 : vector<16xf32>
        %get3A_201 = arith.index_cast %scan3A_43 : i32 to index
        %get3A_202 = arith.constant 304 : index
        %get3A_203 = tpu.vector_load %arg10[%get3A_201, %get3A_202] {strides = array<i32>} : memref<80x512xf32, #tpu.memory_space<vmem>>, vector<1x16xf32>,
        %get3A_204 = vector.shape_cast %get3A_203 : vector<1x16xf32> to vector<16xf32>
        %mul3A_205 = vector.broadcast %squeeze3A_193 : f32 to vector<16xf32>
        %mul3A_206 = arith.mulf %mul3A_205, %get3A_204 : vector<16xf32>
        %add3A_207 = arith.addf %add3A_191, %mul3A_206 : vector<16xf32>
        %slice3A_208 = vector.extract_strided_slice %get3A_46 {offsets = [10], sizes = [1], strides = [1]} : vector<16xf32> to vector<1xf32>
        %squeeze3A_209 = vector.extract %slice3A_208[0] : f32 from vector<1xf32>
        %get3A_210 = arith.index_cast %scan3A_43 : i32 to index
        %get3A_211 = arith.constant 320 : index
        %get3A_212 = tpu.vector_load %arg10[%get3A_210, %get3A_211] {strides = array<i32>} : memref<80x512xf32, #tpu.memory_space<vmem>>, vector<1x16xf32>,
        %get3A_213 = vector.shape_cast %get3A_212 : vector<1x16xf32> to vector<16xf32>
        %mul3A_214 = vector.broadcast %squeeze3A_209 : f32 to vector<16xf32>
        %mul3A_215 = arith.mulf %mul3A_214, %get3A_213 : vector<16xf32>
        %add3A_216 = arith.addf %add3A_200, %mul3A_215 : vector<16xf32>
        %get3A_217 = arith.index_cast %scan3A_43 : i32 to index
        %get3A_218 = arith.constant 336 : index
        %get3A_219 = tpu.vector_load %arg10[%get3A_217, %get3A_218] {strides = array<i32>} : memref<80x512xf32, #tpu.memory_space<vmem>>, vector<1x16xf32>,
        %get3A_220 = vector.shape_cast %get3A_219 : vector<1x16xf32> to vector<16xf32>
        %mul3A_221 = vector.broadcast %squeeze3A_209 : f32 to vector<16xf32>
        %mul3A_222 = arith.mulf %mul3A_221, %get3A_220 : vector<16xf32>
        %add3A_223 = arith.addf %add3A_207, %mul3A_222 : vector<16xf32>
        %slice3A_224 = vector.extract_strided_slice %get3A_46 {offsets = [11], sizes = [1], strides = [1]} : vector<16xf32> to vector<1xf32>
        %squeeze3A_225 = vector.extract %slice3A_224[0] : f32 from vector<1xf32>
        %get3A_226 = arith.index_cast %scan3A_43 : i32 to index
        %get3A_227 = arith.constant 352 : index
        %get3A_228 = tpu.vector_load %arg10[%get3A_226, %get3A_227] {strides = array<i32>} : memref<80x512xf32, #tpu.memory_space<vmem>>, vector<1x16xf32>,
        %get3A_229 = vector.shape_cast %get3A_228 : vector<1x16xf32> to vector<16xf32>
        %mul3A_230 = vector.broadcast %squeeze3A_225 : f32 to vector<16xf32>
        %mul3A_231 = arith.mulf %mul3A_230, %get3A_229 : vector<16xf32>
        %add3A_232 = arith.addf %add3A_216, %mul3A_231 : vector<16xf32>
        %get3A_233 = arith.index_cast %scan3A_43 : i32 to index
        %get3A_234 = arith.constant 368 : index
        %get3A_235 = tpu.vector_load %arg10[%get3A_233, %get3A_234] {strides = array<i32>} : memref<80x512xf32, #tpu.memory_space<vmem>>, vector<1x16xf32>,
        %get3A_236 = vector.shape_cast %get3A_235 : vector<1x16xf32> to vector<16xf32>
        %mul3A_237 = vector.broadcast %squeeze3A_225 : f32 to vector<16xf32>
        %mul3A_238 = arith.mulf %mul3A_237, %get3A_236 : vector<16xf32>
        %add3A_239 = arith.addf %add3A_223, %mul3A_238 : vector<16xf32>
        %slice3A_240 = vector.extract_strided_slice %get3A_46 {offsets = [12], sizes = [1], strides = [1]} : vector<16xf32> to vector<1xf32>
        %squeeze3A_241 = vector.extract %slice3A_240[0] : f32 from vector<1xf32>
        %get3A_242 = arith.index_cast %scan3A_43 : i32 to index
        %get3A_243 = arith.constant 384 : index
        %get3A_244 = tpu.vector_load %arg10[%get3A_242, %get3A_243] {strides = array<i32>} : memref<80x512xf32, #tpu.memory_space<vmem>>, vector<1x16xf32>,
        %get3A_245 = vector.shape_cast %get3A_244 : vector<1x16xf32> to vector<16xf32>
        %mul3A_246 = vector.broadcast %squeeze3A_241 : f32 to vector<16xf32>
        %mul3A_247 = arith.mulf %mul3A_246, %get3A_245 : vector<16xf32>
        %add3A_248 = arith.addf %add3A_232, %mul3A_247 : vector<16xf32>
        %get3A_249 = arith.index_cast %scan3A_43 : i32 to index
        %get3A_250 = arith.constant 400 : index
        %get3A_251 = tpu.vector_load %arg10[%get3A_249, %get3A_250] {strides = array<i32>} : memref<80x512xf32, #tpu.memory_space<vmem>>, vector<1x16xf32>,
        %get3A_252 = vector.shape_cast %get3A_251 : vector<1x16xf32> to vector<16xf32>
        %mul3A_253 = vector.broadcast %squeeze3A_241 : f32 to vector<16xf32>
        %mul3A_254 = arith.mulf %mul3A_253, %get3A_252 : vector<16xf32>
        %add3A_255 = arith.addf %add3A_239, %mul3A_254 : vector<16xf32>
        %slice3A_256 = vector.extract_strided_slice %get3A_46 {offsets = [13], sizes = [1], strides = [1]} : vector<16xf32> to vector<1xf32>
        %squeeze3A_257 = vector.extract %slice3A_256[0] : f32 from vector<1xf32>
        %get3A_258 = arith.index_cast %scan3A_43 : i32 to index
        %get3A_259 = arith.constant 416 : index
        %get3A_260 = tpu.vector_load %arg10[%get3A_258, %get3A_259] {strides = array<i32>} : memref<80x512xf32, #tpu.memory_space<vmem>>, vector<1x16xf32>,
        %get3A_261 = vector.shape_cast %get3A_260 : vector<1x16xf32> to vector<16xf32>
        %mul3A_262 = vector.broadcast %squeeze3A_257 : f32 to vector<16xf32>
        %mul3A_263 = arith.mulf %mul3A_262, %get3A_261 : vector<16xf32>
        %add3A_264 = arith.addf %add3A_248, %mul3A_263 : vector<16xf32>
        %get3A_265 = arith.index_cast %scan3A_43 : i32 to index
        %get3A_266 = arith.constant 432 : index
        %get3A_267 = tpu.vector_load %arg10[%get3A_265, %get3A_266] {strides = array<i32>} : memref<80x512xf32, #tpu.memory_space<vmem>>, vector<1x16xf32>,
        %get3A_268 = vector.shape_cast %get3A_267 : vector<1x16xf32> to vector<16xf32>
        %mul3A_269 = vector.broadcast %squeeze3A_257 : f32 to vector<16xf32>
        %mul3A_270 = arith.mulf %mul3A_269, %get3A_268 : vector<16xf32>
        %add3A_271 = arith.addf %add3A_255, %mul3A_270 : vector<16xf32>
        %slice3A_272 = vector.extract_strided_slice %get3A_46 {offsets = [14], sizes = [1], strides = [1]} : vector<16xf32> to vector<1xf32>
        %squeeze3A_273 = vector.extract %slice3A_272[0] : f32 from vector<1xf32>
        %get3A_274 = arith.index_cast %scan3A_43 : i32 to index
        %get3A_275 = arith.constant 448 : index
        %get3A_276 = tpu.vector_load %arg10[%get3A_274, %get3A_275] {strides = array<i32>} : memref<80x512xf32, #tpu.memory_space<vmem>>, vector<1x16xf32>,
        %get3A_277 = vector.shape_cast %get3A_276 : vector<1x16xf32> to vector<16xf32>
        %mul3A_278 = vector.broadcast %squeeze3A_273 : f32 to vector<16xf32>
        %mul3A_279 = arith.mulf %mul3A_278, %get3A_277 : vector<16xf32>
        %add3A_280 = arith.addf %add3A_264, %mul3A_279 : vector<16xf32>
        %get3A_281 = arith.index_cast %scan3A_43 : i32 to index
        %get3A_282 = arith.constant 464 : index
        %get3A_283 = tpu.vector_load %arg10[%get3A_281, %get3A_282] {strides = array<i32>} : memref<80x512xf32, #tpu.memory_space<vmem>>, vector<1x16xf32>,
        %get3A_284 = vector.shape_cast %get3A_283 : vector<1x16xf32> to vector<16xf32>
        %mul3A_285 = vector.broadcast %squeeze3A_273 : f32 to vector<16xf32>
        %mul3A_286 = arith.mulf %mul3A_285, %get3A_284 : vector<16xf32>
        %add3A_287 = arith.addf %add3A_271, %mul3A_286 : vector<16xf32>
        %slice3A_288 = vector.extract_strided_slice %get3A_46 {offsets = [15], sizes = [1], strides = [1]} : vector<16xf32> to vector<1xf32>
        %squeeze3A_289 = vector.extract %slice3A_288[0] : f32 from vector<1xf32>
        %get3A_290 = arith.index_cast %scan3A_43 : i32 to index
        %get3A_291 = arith.constant 480 : index
        %get3A_292 = tpu.vector_load %arg10[%get3A_290, %get3A_291] {strides = array<i32>} : memref<80x512xf32, #tpu.memory_space<vmem>>, vector<1x16xf32>,
        %get3A_293 = vector.shape_cast %get3A_292 : vector<1x16xf32> to vector<16xf32>
        %mul3A_294 = vector.broadcast %squeeze3A_289 : f32 to vector<16xf32>
        %mul3A_295 = arith.mulf %mul3A_294, %get3A_293 : vector<16xf32>
        %add3A_296 = arith.addf %add3A_280, %mul3A_295 : vector<16xf32>
        %get3A_297 = arith.index_cast %scan3A_43 : i32 to index
        %get3A_298 = arith.constant 496 : index
        %get3A_299 = tpu.vector_load %arg10[%get3A_297, %get3A_298] {strides = array<i32>} : memref<80x512xf32, #tpu.memory_space<vmem>>, vector<1x16xf32>,
        %get3A_300 = vector.shape_cast %get3A_299 : vector<1x16xf32> to vector<16xf32>
        %mul3A_301 = vector.broadcast %squeeze3A_289 : f32 to vector<16xf32>
        %mul3A_302 = arith.mulf %mul3A_301, %get3A_300 : vector<16xf32>
        %add3A_303 = arith.addf %add3A_287, %mul3A_302 : vector<16xf32>
        %swap3A = arith.index_cast %scan3A_43 : i32 to index
        %swap3A_304 = arith.constant 0 : index
        %swap3A_305 = tpu.vector_load %arg11[%swap3A, %swap3A_304] {strides = array<i32>} : memref<80x32xf32, #tpu.memory_space<vmem>>, vector<1x16xf32>,
        %swap3A_306 = vector.shape_cast %swap3A_305 : vector<1x16xf32> to vector<16xf32>
        %swap3A_307 = vector.shape_cast %add3A_296 : vector<16xf32> to vector<1x16xf32>
        tpu.vector_store %arg11[%swap3A, %swap3A_304], %swap3A_307 {strides = array<i32>} : memref<80x32xf32, #tpu.memory_space<vmem>>, vector<1x16xf32>,
        %swap3A_308 = arith.index_cast %scan3A_43 : i32 to index
        %swap3A_309 = arith.constant 16 : index
        %swap3A_310 = tpu.vector_load %arg11[%swap3A_308, %swap3A_309] {strides = array<i32>} : memref<80x32xf32, #tpu.memory_space<vmem>>, vector<1x16xf32>,
        %swap3A_311 = vector.shape_cast %swap3A_310 : vector<1x16xf32> to vector<16xf32>
        %swap3A_312 = vector.shape_cast %add3A_303 : vector<16xf32> to vector<1x16xf32>
        tpu.vector_store %arg11[%swap3A_308, %swap3A_309], %swap3A_312 {strides = array<i32>} : memref<80x32xf32, #tpu.memory_space<vmem>>, vector<1x16xf32>,
      }
      %scan3A_42 = arith.constant 80 : i32
      "tpu.region"() ({
        %run_scoped3A = tpu.sem_alloc : memref<!tpu.dma_semaphore, #tpu.memory_space<semaphore_mem>>
        %dma_start3A_43 = arith.constant 0 : i32
        %dma_start3A_44 = arith.constant 0 : i32
        %dma_start3A_45 = tpu.memref_slice %arg13[%dma_start3A_43, %dma_start3A_44] : memref<10000x32xf32, #tpu.memory_space<vmem_shared>> -> memref<10000x32xf32, #tpu.memory_space<vmem_shared>>
        tpu.enqueue_indirect_dma source(%arg11 : memref<80x32xf32, #tpu.memory_space<vmem>>) target(%dma_start3A_45 : memref<10000x32xf32, #tpu.memory_space<vmem_shared>>) offsets(%arg8 : memref<80xi32, #tpu.memory_space<vmem>>) semaphore(%run_scoped3A : memref<!tpu.dma_semaphore, #tpu.memory_space<semaphore_mem>>) {add = true}
        %dma_wait3A_46 = arith.constant 0 : i32
        %dma_wait3A_47 = arith.constant 0 : i32
        %dma_wait3A_48 = tpu.memref_slice %arg13[%dma_wait3A_46, %dma_wait3A_47] : memref<10000x32xf32, #tpu.memory_space<vmem_shared>> -> memref<10000x32xf32, #tpu.memory_space<vmem_shared>>
        tpu.wait_indirect_dma semaphore(%run_scoped3A : memref<!tpu.dma_semaphore, #tpu.memory_space<semaphore_mem>>) src(%arg11 : memref<80x32xf32, #tpu.memory_space<vmem>>) dst(%dma_wait3A_48 : memref<10000x32xf32, #tpu.memory_space<vmem_shared>>)
        tpu.yield
      }) : () -> ()
    }
    %scan3A_17 = arith.constant 125 : i32
    %barrier3A_18 = arith.constant 0 : index
    tpu.barrier barrier_id(%barrier3A_18)
    %lt3A_19 = arith.constant 15 : i32
    %lt3A_20 = arith.cmpi slt, %arg1, %lt3A_19 : i32
    %convert_element_type3A_21 = arith.extui %lt3A_20 : i1 to i32
    %cond3A_22 = arith.constant 0 : i32
    %cond3A_23 = arith.cmpi ne, %convert_element_type3A_21, %cond3A_22 : i32
    scf.if %cond3A_23 {
      %mul3A_29 = arith.constant 624 : i32
      %mul3A_30 = arith.muli %arg1, %mul3A_29 : i32
      "tpu.region"() ({
        %run_scoped3A = tpu.sem_alloc : memref<!tpu.dma_semaphore, #tpu.memory_space<semaphore_mem>>
        %dma_start3A = arith.constant 0 : i32
        %dma_start3A_33 = arith.constant 0 : i32
        %dma_start3A_34 = tpu.memref_slice %arg12[%dma_start3A, %dma_start3A_33] : memref<640x32xf32, #tpu.memory_space<vmem>> -> memref<624x32xf32, #tpu.memory_space<vmem>>
        %dma_start3A_35 = arith.constant 0 : i32
        %dma_start3A_36 = tpu.memref_slice %arg13[%mul3A_30, %dma_start3A_35] : memref<10000x32xf32, #tpu.memory_space<vmem_shared>> -> memref<624x32xf32, #tpu.memory_space<vmem_shared>>
        %dma_start3A_37 = arith.constant 0 : i32
        %dma_start3A_38 = arith.constant 0 : i32
        %dma_start3A_39 = tpu.memref_slice %arg12[%dma_start3A_37, %dma_start3A_38] : memref<640x32xf32, #tpu.memory_space<vmem>> -> memref<624x32xf32, #tpu.memory_space<vmem>>
        %dma_start3A_40 = arith.constant 0 : i32
        %dma_start3A_41 = tpu.memref_slice %arg13[%mul3A_30, %dma_start3A_40] : memref<10000x32xf32, #tpu.memory_space<vmem_shared>> -> memref<624x32xf32, #tpu.memory_space<vmem_shared>>
        tpu.enqueue_dma source(%dma_start3A_41 : memref<624x32xf32, #tpu.memory_space<vmem_shared>>) target(%dma_start3A_39 : memref<624x32xf32, #tpu.memory_space<vmem>>) target_semaphore(%run_scoped3A : memref<!tpu.dma_semaphore, #tpu.memory_space<semaphore_mem>>)
        %dma_wait3A = arith.constant 0 : i32
        %dma_wait3A_42 = arith.constant 0 : i32
        %dma_wait3A_43 = tpu.memref_slice %arg12[%dma_wait3A, %dma_wait3A_42] : memref<640x32xf32, #tpu.memory_space<vmem>> -> memref<624x32xf32, #tpu.memory_space<vmem>>
        %dma_wait3A_44 = arith.constant 0 : i32
        %dma_wait3A_45 = tpu.memref_slice %arg13[%mul3A_30, %dma_wait3A_44] : memref<10000x32xf32, #tpu.memory_space<vmem_shared>> -> memref<624x32xf32, #tpu.memory_space<vmem_shared>>
        %dma_wait3A_46 = arith.constant 0 : i32
        %dma_wait3A_47 = arith.constant 0 : i32
        %dma_wait3A_48 = tpu.memref_slice %arg12[%dma_wait3A_46, %dma_wait3A_47] : memref<640x32xf32, #tpu.memory_space<vmem>> -> memref<624x32xf32, #tpu.memory_space<vmem>>
        %dma_wait3A_49 = arith.constant 0 : i32
        %dma_wait3A_50 = tpu.memref_slice %arg13[%mul3A_30, %dma_wait3A_49] : memref<10000x32xf32, #tpu.memory_space<vmem_shared>> -> memref<624x32xf32, #tpu.memory_space<vmem_shared>>
        tpu.wait_dma2 semaphore(%run_scoped3A : memref<!tpu.dma_semaphore, #tpu.memory_space<semaphore_mem>>) src(%dma_wait3A_50 : memref<624x32xf32, #tpu.memory_space<vmem_shared>>) dst(%dma_wait3A_48 : memref<624x32xf32, #tpu.memory_space<vmem>>)
        tpu.yield
      }) : () -> ()
      %mul3A_31 = arith.constant 624 : i32
      %mul3A_32 = arith.muli %arg1, %mul3A_31 : i32
      "tpu.region"() ({
        %run_scoped3A = tpu.sem_alloc : memref<!tpu.dma_semaphore, #tpu.memory_space<semaphore_mem>>
        %dma_start3A = arith.constant 0 : i32
        %dma_start3A_33 = arith.constant 0 : i32
        %dma_start3A_34 = tpu.memref_slice %arg12[%dma_start3A, %dma_start3A_33] : memref<640x32xf32, #tpu.memory_space<vmem>> -> memref<624x32xf32, #tpu.memory_space<vmem>>
        %dma_start3A_35 = arith.constant 0 : i32
        %dma_start3A_36 = tpu.memref_slice %arg6[%arg0, %mul3A_32, %dma_start3A_35] : memref<2x10000x32xf32, #tpu.memory_space<hbm>> -> memref<1x624x32xf32, #tpu.memory_space<hbm>>
        %dma_start3A_37 = tpu.memref_squeeze %dma_start3A_36 : memref<1x624x32xf32, #tpu.memory_space<hbm>> -> memref<624x32xf32, #tpu.memory_space<hbm>>
        %dma_start3A_38 = arith.constant 0 : i32
        %dma_start3A_39 = tpu.memref_slice %arg6[%arg0, %mul3A_32, %dma_start3A_38] : memref<2x10000x32xf32, #tpu.memory_space<hbm>> -> memref<1x624x32xf32, #tpu.memory_space<hbm>>
        %dma_start3A_40 = tpu.memref_squeeze %dma_start3A_39 : memref<1x624x32xf32, #tpu.memory_space<hbm>> -> memref<624x32xf32, #tpu.memory_space<hbm>>
        %dma_start3A_41 = arith.constant 0 : i32
        %dma_start3A_42 = arith.constant 0 : i32
        %dma_start3A_43 = tpu.memref_slice %arg12[%dma_start3A_41, %dma_start3A_42] : memref<640x32xf32, #tpu.memory_space<vmem>> -> memref<624x32xf32, #tpu.memory_space<vmem>>
        tpu.enqueue_dma source(%dma_start3A_43 : memref<624x32xf32, #tpu.memory_space<vmem>>) target(%dma_start3A_40 : memref<624x32xf32, #tpu.memory_space<hbm>>) target_semaphore(%run_scoped3A : memref<!tpu.dma_semaphore, #tpu.memory_space<semaphore_mem>>)
        %dma_wait3A = arith.constant 0 : i32
        %dma_wait3A_44 = arith.constant 0 : i32
        %dma_wait3A_45 = tpu.memref_slice %arg12[%dma_wait3A, %dma_wait3A_44] : memref<640x32xf32, #tpu.memory_space<vmem>> -> memref<624x32xf32, #tpu.memory_space<vmem>>
        %dma_wait3A_46 = arith.constant 0 : i32
        %dma_wait3A_47 = tpu.memref_slice %arg6[%arg0, %mul3A_32, %dma_wait3A_46] : memref<2x10000x32xf32, #tpu.memory_space<hbm>> -> memref<1x624x32xf32, #tpu.memory_space<hbm>>
        %dma_wait3A_48 = tpu.memref_squeeze %dma_wait3A_47 : memref<1x624x32xf32, #tpu.memory_space<hbm>> -> memref<624x32xf32, #tpu.memory_space<hbm>>
        %dma_wait3A_49 = arith.constant 0 : i32
        %dma_wait3A_50 = tpu.memref_slice %arg6[%arg0, %mul3A_32, %dma_wait3A_49] : memref<2x10000x32xf32, #tpu.memory_space<hbm>> -> memref<1x624x32xf32, #tpu.memory_space<hbm>>
        %dma_wait3A_51 = tpu.memref_squeeze %dma_wait3A_50 : memref<1x624x32xf32, #tpu.memory_space<hbm>> -> memref<624x32xf32, #tpu.memory_space<hbm>>
        %dma_wait3A_52 = arith.constant 0 : i32
        %dma_wait3A_53 = arith.constant 0 : i32
        %dma_wait3A_54 = tpu.memref_slice %arg12[%dma_wait3A_52, %dma_wait3A_53] : memref<640x32xf32, #tpu.memory_space<vmem>> -> memref<624x32xf32, #tpu.memory_space<vmem>>
        tpu.wait_dma2 semaphore(%run_scoped3A : memref<!tpu.dma_semaphore, #tpu.memory_space<semaphore_mem>>) src(%dma_wait3A_54 : memref<624x32xf32, #tpu.memory_space<vmem>>) dst(%dma_wait3A_51 : memref<624x32xf32, #tpu.memory_space<hbm>>)
        tpu.yield
      }) : () -> ()
    } else {
    }
    %eq3A_24 = arith.constant 15 : i32
    %eq3A_25 = arith.cmpi eq, %arg1, %eq3A_24 : i32
    %convert_element_type3A_26 = arith.extui %eq3A_25 : i1 to i32
    %cond3A_27 = arith.constant 0 : i32
    %cond3A_28 = arith.cmpi ne, %convert_element_type3A_26, %cond3A_27 : i32
    scf.if %cond3A_28 {
      "tpu.region"() ({
        %run_scoped3A = tpu.sem_alloc : memref<!tpu.dma_semaphore, #tpu.memory_space<semaphore_mem>>
        %dma_start3A = arith.constant 9360 : i32
        %dma_start3A_29 = arith.constant 0 : i32
        %dma_start3A_30 = tpu.memref_slice %arg13[%dma_start3A, %dma_start3A_29] : memref<10000x32xf32, #tpu.memory_space<vmem_shared>> -> memref<640x32xf32, #tpu.memory_space<vmem_shared>>
        %dma_start3A_31 = arith.constant 9360 : i32
        %dma_start3A_32 = arith.constant 0 : i32
        %dma_start3A_33 = tpu.memref_slice %arg13[%dma_start3A_31, %dma_start3A_32] : memref<10000x32xf32, #tpu.memory_space<vmem_shared>> -> memref<640x32xf32, #tpu.memory_space<vmem_shared>>
        tpu.enqueue_dma source(%dma_start3A_33 : memref<640x32xf32, #tpu.memory_space<vmem_shared>>) target(%arg12 : memref<640x32xf32, #tpu.memory_space<vmem>>) target_semaphore(%run_scoped3A : memref<!tpu.dma_semaphore, #tpu.memory_space<semaphore_mem>>)
        %dma_wait3A = arith.constant 9360 : i32
        %dma_wait3A_34 = arith.constant 0 : i32
        %dma_wait3A_35 = tpu.memref_slice %arg13[%dma_wait3A, %dma_wait3A_34] : memref<10000x32xf32, #tpu.memory_space<vmem_shared>> -> memref<640x32xf32, #tpu.memory_space<vmem_shared>>
        %dma_wait3A_36 = arith.constant 9360 : i32
        %dma_wait3A_37 = arith.constant 0 : i32
        %dma_wait3A_38 = tpu.memref_slice %arg13[%dma_wait3A_36, %dma_wait3A_37] : memref<10000x32xf32, #tpu.memory_space<vmem_shared>> -> memref<640x32xf32, #tpu.memory_space<vmem_shared>>
        tpu.wait_dma2 semaphore(%run_scoped3A : memref<!tpu.dma_semaphore, #tpu.memory_space<semaphore_mem>>) src(%dma_wait3A_38 : memref<640x32xf32, #tpu.memory_space<vmem_shared>>) dst(%arg12 : memref<640x32xf32, #tpu.memory_space<vmem>>)
        tpu.yield
      }) : () -> ()
      "tpu.region"() ({
        %run_scoped3A = tpu.sem_alloc : memref<!tpu.dma_semaphore, #tpu.memory_space<semaphore_mem>>
        %dma_start3A = arith.constant 9360 : i32
        %dma_start3A_29 = arith.constant 0 : i32
        %dma_start3A_30 = tpu.memref_slice %arg6[%arg0, %dma_start3A, %dma_start3A_29] : memref<2x10000x32xf32, #tpu.memory_space<hbm>> -> memref<1x640x32xf32, #tpu.memory_space<hbm>>
        %dma_start3A_31 = tpu.memref_squeeze %dma_start3A_30 : memref<1x640x32xf32, #tpu.memory_space<hbm>> -> memref<640x32xf32, #tpu.memory_space<hbm>>
        %dma_start3A_32 = arith.constant 9360 : i32
        %dma_start3A_33 = arith.constant 0 : i32
        %dma_start3A_34 = tpu.memref_slice %arg6[%arg0, %dma_start3A_32, %dma_start3A_33] : memref<2x10000x32xf32, #tpu.memory_space<hbm>> -> memref<1x640x32xf32, #tpu.memory_space<hbm>>
        %dma_start3A_35 = tpu.memref_squeeze %dma_start3A_34 : memref<1x640x32xf32, #tpu.memory_space<hbm>> -> memref<640x32xf32, #tpu.memory_space<hbm>>
        tpu.enqueue_dma source(%arg12 : memref<640x32xf32, #tpu.memory_space<vmem>>) target(%dma_start3A_35 : memref<640x32xf32, #tpu.memory_space<hbm>>) target_semaphore(%run_scoped3A : memref<!tpu.dma_semaphore, #tpu.memory_space<semaphore_mem>>)
        %dma_wait3A = arith.constant 9360 : i32
        %dma_wait3A_36 = arith.constant 0 : i32
        %dma_wait3A_37 = tpu.memref_slice %arg6[%arg0, %dma_wait3A, %dma_wait3A_36] : memref<2x10000x32xf32, #tpu.memory_space<hbm>> -> memref<1x640x32xf32, #tpu.memory_space<hbm>>
        %dma_wait3A_38 = tpu.memref_squeeze %dma_wait3A_37 : memref<1x640x32xf32, #tpu.memory_space<hbm>> -> memref<640x32xf32, #tpu.memory_space<hbm>>
        %dma_wait3A_39 = arith.constant 9360 : i32
        %dma_wait3A_40 = arith.constant 0 : i32
        %dma_wait3A_41 = tpu.memref_slice %arg6[%arg0, %dma_wait3A_39, %dma_wait3A_40] : memref<2x10000x32xf32, #tpu.memory_space<hbm>> -> memref<1x640x32xf32, #tpu.memory_space<hbm>>
        %dma_wait3A_42 = tpu.memref_squeeze %dma_wait3A_41 : memref<1x640x32xf32, #tpu.memory_space<hbm>> -> memref<640x32xf32, #tpu.memory_space<hbm>>
        tpu.wait_dma2 semaphore(%run_scoped3A : memref<!tpu.dma_semaphore, #tpu.memory_space<semaphore_mem>>) src(%arg12 : memref<640x32xf32, #tpu.memory_space<vmem>>) dst(%dma_wait3A_42 : memref<640x32xf32, #tpu.memory_space<hbm>>)
        tpu.yield
      }) : () -> ()
    } else {
    }
    return
  }
}

#map = affine_map<(d0, d1) -> (0, 0)>
#map1 = affine_map<(d0, d1) -> (0, 0, 0)>
module attributes {stable_mosaic.version = 14 : i64} {
  func.func @k(%arg0: i32, %arg1: i32, %arg2: memref<10000x512xf32, #tpu.memory_space<hbm>>, %arg3: memref<4000x80xi32, #tpu.memory_space<hbm>>, %arg4: memref<4000x80xi32, #tpu.memory_space<hbm>>, %arg5: memref<4000x80x16xf32, #tpu.memory_space<hbm>>, %arg6: memref<2x10000x32xf32, #tpu.memory_space<hbm>>, %arg7: memref<80xi32, #tpu.memory_space<vmem>>, %arg8: memref<80xi32, #tpu.memory_space<vmem>>, %arg9: memref<80x16xf32, #tpu.memory_space<vmem>>, %arg10: memref<80x512xf32, #tpu.memory_space<vmem>>, %arg11: memref<80x32xf32, #tpu.memory_space<vmem>>, %arg12: memref<640x32xf32, #tpu.memory_space<vmem>>, %arg13: memref<10000x32xf32, #tpu.memory_space<vmem_shared>>, %arg14: memref<!tpu.dma_semaphore, #tpu.memory_space<semaphore_mem>>) attributes {dimension_semantics = [#tpu.dimension_semantics<core_parallel>, #tpu.dimension_semantics<subcore_parallel>], iteration_bounds = array<i64: 2, 16>, scalar_prefetch = 0 : i64, scratch_operands = 8 : i64, tpu.core_type = #tpu.core_type<sc_vector_subcore>, window_params = [{transform_indices = #map}, {transform_indices = #map}, {transform_indices = #map}, {transform_indices = #map1}, {transform_indices = #map1}]} {
    %mul3A = arith.constant 2 : i32
    %mul3A_0 = arith.muli %arg1, %mul3A : i32
    %add3A = arith.addi %mul3A_0, %arg0 : i32
    %scan3A = arith.constant 0 : i32
    %scan3A_1 = arith.constant 0 : i32
    %scan3A_2 = arith.constant 640 : i32
    %scan3A_3 = arith.addi %scan3A_1, %scan3A_2 : i32
    %scan3A_4 = arith.constant 1 : i32
    scf.for %scan3A_29 = %scan3A_1 to %scan3A_3 step %scan3A_4  : i32 {
      %broadcast_in_dim3A = arith.constant 0.000000e+00 : f32
      %broadcast_in_dim3A_30 = vector.broadcast %broadcast_in_dim3A : f32 to vector<16xf32>
      %swap3A = arith.index_cast %scan3A_29 : i32 to index
      %swap3A_31 = arith.constant 0 : index
      %swap3A_32 = tpu.vector_load %arg12[%swap3A, %swap3A_31] {strides = array<i32>} : memref<640x32xf32, #tpu.memory_space<vmem>>, vector<1x16xf32>,
      %swap3A_33 = vector.shape_cast %swap3A_32 : vector<1x16xf32> to vector<16xf32>
      %swap3A_34 = vector.shape_cast %broadcast_in_dim3A_30 : vector<16xf32> to vector<1x16xf32>
      tpu.vector_store %arg12[%swap3A, %swap3A_31], %swap3A_34 {strides = array<i32>} : memref<640x32xf32, #tpu.memory_space<vmem>>, vector<1x16xf32>,
      %broadcast_in_dim3A_35 = arith.constant 0.000000e+00 : f32
      %broadcast_in_dim3A_36 = vector.broadcast %broadcast_in_dim3A_35 : f32 to vector<16xf32>
      %swap3A_37 = arith.index_cast %scan3A_29 : i32 to index
      %swap3A_38 = arith.constant 16 : index
      %swap3A_39 = tpu.vector_load %arg12[%swap3A_37, %swap3A_38] {strides = array<i32>} : memref<640x32xf32, #tpu.memory_space<vmem>>, vector<1x16xf32>,
      %swap3A_40 = vector.shape_cast %swap3A_39 : vector<1x16xf32> to vector<16xf32>
      %swap3A_41 = vector.shape_cast %broadcast_in_dim3A_36 : vector<16xf32> to vector<1x16xf32>
      tpu.vector_store %arg12[%swap3A_37, %swap3A_38], %swap3A_41 {strides = array<i32>} : memref<640x32xf32, #tpu.memory_space<vmem>>, vector<1x16xf32>,
    }
    %scan3A_5 = arith.constant 640 : i32
    %lt3A = arith.constant 15 : i32
    %lt3A_6 = arith.cmpi slt, %arg1, %lt3A : i32
    %convert_element_type3A = arith.extui %lt3A_6 : i1 to i32
    %cond3A = arith.constant 0 : i32
    %cond3A_7 = arith.cmpi ne, %convert_element_type3A, %cond3A : i32
    scf.if %cond3A_7 {
      %mul3A_29 = arith.constant 624 : i32
      %mul3A_30 = arith.muli %arg1, %mul3A_29 : i32
      "tpu.region"() ({
        %run_scoped3A = tpu.sem_alloc : memref<!tpu.dma_semaphore, #tpu.memory_space<semaphore_mem>>
        %dma_start3A = arith.constant 0 : i32
        %dma_start3A_31 = arith.constant 0 : i32
        %dma_start3A_32 = tpu.memref_slice %arg12[%dma_start3A, %dma_start3A_31] : memref<640x32xf32, #tpu.memory_space<vmem>> -> memref<624x32xf32, #tpu.memory_space<vmem>>
        %dma_start3A_33 = arith.constant 0 : i32
        %dma_start3A_34 = tpu.memref_slice %arg13[%mul3A_30, %dma_start3A_33] : memref<10000x32xf32, #tpu.memory_space<vmem_shared>> -> memref<624x32xf32, #tpu.memory_space<vmem_shared>>
        %dma_start3A_35 = arith.constant 0 : i32
        %dma_start3A_36 = tpu.memref_slice %arg13[%mul3A_30, %dma_start3A_35] : memref<10000x32xf32, #tpu.memory_space<vmem_shared>> -> memref<624x32xf32, #tpu.memory_space<vmem_shared>>
        %dma_start3A_37 = arith.constant 0 : i32
        %dma_start3A_38 = arith.constant 0 : i32
        %dma_start3A_39 = tpu.memref_slice %arg12[%dma_start3A_37, %dma_start3A_38] : memref<640x32xf32, #tpu.memory_space<vmem>> -> memref<624x32xf32, #tpu.memory_space<vmem>>
        tpu.enqueue_dma source(%dma_start3A_39 : memref<624x32xf32, #tpu.memory_space<vmem>>) target(%dma_start3A_36 : memref<624x32xf32, #tpu.memory_space<vmem_shared>>) target_semaphore(%run_scoped3A : memref<!tpu.dma_semaphore, #tpu.memory_space<semaphore_mem>>)
        %dma_wait3A = arith.constant 0 : i32
        %dma_wait3A_40 = arith.constant 0 : i32
        %dma_wait3A_41 = tpu.memref_slice %arg12[%dma_wait3A, %dma_wait3A_40] : memref<640x32xf32, #tpu.memory_space<vmem>> -> memref<624x32xf32, #tpu.memory_space<vmem>>
        %dma_wait3A_42 = arith.constant 0 : i32
        %dma_wait3A_43 = tpu.memref_slice %arg13[%mul3A_30, %dma_wait3A_42] : memref<10000x32xf32, #tpu.memory_space<vmem_shared>> -> memref<624x32xf32, #tpu.memory_space<vmem_shared>>
        %dma_wait3A_44 = arith.constant 0 : i32
        %dma_wait3A_45 = tpu.memref_slice %arg13[%mul3A_30, %dma_wait3A_44] : memref<10000x32xf32, #tpu.memory_space<vmem_shared>> -> memref<624x32xf32, #tpu.memory_space<vmem_shared>>
        %dma_wait3A_46 = arith.constant 0 : i32
        %dma_wait3A_47 = arith.constant 0 : i32
        %dma_wait3A_48 = tpu.memref_slice %arg12[%dma_wait3A_46, %dma_wait3A_47] : memref<640x32xf32, #tpu.memory_space<vmem>> -> memref<624x32xf32, #tpu.memory_space<vmem>>
        tpu.wait_dma2 semaphore(%run_scoped3A : memref<!tpu.dma_semaphore, #tpu.memory_space<semaphore_mem>>) src(%dma_wait3A_48 : memref<624x32xf32, #tpu.memory_space<vmem>>) dst(%dma_wait3A_45 : memref<624x32xf32, #tpu.memory_space<vmem_shared>>)
        tpu.yield
      }) : () -> ()
    } else {
    }
    %eq3A = arith.constant 15 : i32
    %eq3A_8 = arith.cmpi eq, %arg1, %eq3A : i32
    %convert_element_type3A_9 = arith.extui %eq3A_8 : i1 to i32
    %cond3A_10 = arith.constant 0 : i32
    %cond3A_11 = arith.cmpi ne, %convert_element_type3A_9, %cond3A_10 : i32
    scf.if %cond3A_11 {
      "tpu.region"() ({
        %run_scoped3A = tpu.sem_alloc : memref<!tpu.dma_semaphore, #tpu.memory_space<semaphore_mem>>
        %dma_start3A = arith.constant 9360 : i32
        %dma_start3A_29 = arith.constant 0 : i32
        %dma_start3A_30 = tpu.memref_slice %arg13[%dma_start3A, %dma_start3A_29] : memref<10000x32xf32, #tpu.memory_space<vmem_shared>> -> memref<640x32xf32, #tpu.memory_space<vmem_shared>>
        %dma_start3A_31 = arith.constant 9360 : i32
        %dma_start3A_32 = arith.constant 0 : i32
        %dma_start3A_33 = tpu.memref_slice %arg13[%dma_start3A_31, %dma_start3A_32] : memref<10000x32xf32, #tpu.memory_space<vmem_shared>> -> memref<640x32xf32, #tpu.memory_space<vmem_shared>>
        tpu.enqueue_dma source(%arg12 : memref<640x32xf32, #tpu.memory_space<vmem>>) target(%dma_start3A_33 : memref<640x32xf32, #tpu.memory_space<vmem_shared>>) target_semaphore(%run_scoped3A : memref<!tpu.dma_semaphore, #tpu.memory_space<semaphore_mem>>)
        %dma_wait3A = arith.constant 9360 : i32
        %dma_wait3A_34 = arith.constant 0 : i32
        %dma_wait3A_35 = tpu.memref_slice %arg13[%dma_wait3A, %dma_wait3A_34] : memref<10000x32xf32, #tpu.memory_space<vmem_shared>> -> memref<640x32xf32, #tpu.memory_space<vmem_shared>>
        %dma_wait3A_36 = arith.constant 9360 : i32
        %dma_wait3A_37 = arith.constant 0 : i32
        %dma_wait3A_38 = tpu.memref_slice %arg13[%dma_wait3A_36, %dma_wait3A_37] : memref<10000x32xf32, #tpu.memory_space<vmem_shared>> -> memref<640x32xf32, #tpu.memory_space<vmem_shared>>
        tpu.wait_dma2 semaphore(%run_scoped3A : memref<!tpu.dma_semaphore, #tpu.memory_space<semaphore_mem>>) src(%arg12 : memref<640x32xf32, #tpu.memory_space<vmem>>) dst(%dma_wait3A_38 : memref<640x32xf32, #tpu.memory_space<vmem_shared>>)
        tpu.yield
      }) : () -> ()
    } else {
    }
    %barrier3A = arith.constant 0 : index
    tpu.barrier barrier_id(%barrier3A)
    %scan3A_12 = arith.constant 0 : i32
    %scan3A_13 = arith.constant 0 : i32
    %scan3A_14 = arith.constant 125 : i32
    %scan3A_15 = arith.addi %scan3A_13, %scan3A_14 : i32
    %scan3A_16 = arith.constant 1 : i32
    scf.for %scan3A_29 = %scan3A_13 to %scan3A_15 step %scan3A_16  : i32 {
      %mul3A_30 = arith.constant 125 : i32
      %mul3A_31 = arith.muli %add3A, %mul3A_30 : i32
      %add3A_32 = arith.addi %mul3A_31, %scan3A_29 : i32
      "tpu.region"() ({
        %run_scoped3A = tpu.sem_alloc : memref<!tpu.dma_semaphore, #tpu.memory_space<semaphore_mem>>
        %dma_start3A_43 = arith.constant 0 : i32
        %dma_start3A_44 = tpu.memref_slice %arg3[%add3A_32, %dma_start3A_43] : memref<4000x80xi32, #tpu.memory_space<hbm>> -> memref<1x80xi32, #tpu.memory_space<hbm>>
        %dma_start3A_45 = tpu.memref_squeeze %dma_start3A_44 : memref<1x80xi32, #tpu.memory_space<hbm>> -> memref<80xi32, #tpu.memory_space<hbm>>
        %dma_start3A_46 = arith.constant 0 : i32
        %dma_start3A_47 = tpu.memref_slice %arg3[%add3A_32, %dma_start3A_46] : memref<4000x80xi32, #tpu.memory_space<hbm>> -> memref<1x80xi32, #tpu.memory_space<hbm>>
        %dma_start3A_48 = tpu.memref_squeeze %dma_start3A_47 : memref<1x80xi32, #tpu.memory_space<hbm>> -> memref<80xi32, #tpu.memory_space<hbm>>
        tpu.enqueue_dma source(%dma_start3A_48 : memref<80xi32, #tpu.memory_space<hbm>>) target(%arg7 : memref<80xi32, #tpu.memory_space<vmem>>) target_semaphore(%run_scoped3A : memref<!tpu.dma_semaphore, #tpu.memory_space<semaphore_mem>>)
        %dma_wait3A_49 = arith.constant 0 : i32
        %dma_wait3A_50 = tpu.memref_slice %arg3[%add3A_32, %dma_wait3A_49] : memref<4000x80xi32, #tpu.memory_space<hbm>> -> memref<1x80xi32, #tpu.memory_space<hbm>>
        %dma_wait3A_51 = tpu.memref_squeeze %dma_wait3A_50 : memref<1x80xi32, #tpu.memory_space<hbm>> -> memref<80xi32, #tpu.memory_space<hbm>>
        %dma_wait3A_52 = arith.constant 0 : i32
        %dma_wait3A_53 = tpu.memref_slice %arg3[%add3A_32, %dma_wait3A_52] : memref<4000x80xi32, #tpu.memory_space<hbm>> -> memref<1x80xi32, #tpu.memory_space<hbm>>
        %dma_wait3A_54 = tpu.memref_squeeze %dma_wait3A_53 : memref<1x80xi32, #tpu.memory_space<hbm>> -> memref<80xi32, #tpu.memory_space<hbm>>
        tpu.wait_dma2 semaphore(%run_scoped3A : memref<!tpu.dma_semaphore, #tpu.memory_space<semaphore_mem>>) src(%dma_wait3A_54 : memref<80xi32, #tpu.memory_space<hbm>>) dst(%arg7 : memref<80xi32, #tpu.memory_space<vmem>>)
        tpu.yield
      }) : () -> ()
      "tpu.region"() ({
        %run_scoped3A = tpu.sem_alloc : memref<!tpu.dma_semaphore, #tpu.memory_space<semaphore_mem>>
        %dma_start3A_43 = arith.constant 0 : i32
        %dma_start3A_44 = tpu.memref_slice %arg4[%add3A_32, %dma_start3A_43] : memref<4000x80xi32, #tpu.memory_space<hbm>> -> memref<1x80xi32, #tpu.memory_space<hbm>>
        %dma_start3A_45 = tpu.memref_squeeze %dma_start3A_44 : memref<1x80xi32, #tpu.memory_space<hbm>> -> memref<80xi32, #tpu.memory_space<hbm>>
        %dma_start3A_46 = arith.constant 0 : i32
        %dma_start3A_47 = tpu.memref_slice %arg4[%add3A_32, %dma_start3A_46] : memref<4000x80xi32, #tpu.memory_space<hbm>> -> memref<1x80xi32, #tpu.memory_space<hbm>>
        %dma_start3A_48 = tpu.memref_squeeze %dma_start3A_47 : memref<1x80xi32, #tpu.memory_space<hbm>> -> memref<80xi32, #tpu.memory_space<hbm>>
        tpu.enqueue_dma source(%dma_start3A_48 : memref<80xi32, #tpu.memory_space<hbm>>) target(%arg8 : memref<80xi32, #tpu.memory_space<vmem>>) target_semaphore(%run_scoped3A : memref<!tpu.dma_semaphore, #tpu.memory_space<semaphore_mem>>)
        %dma_wait3A_49 = arith.constant 0 : i32
        %dma_wait3A_50 = tpu.memref_slice %arg4[%add3A_32, %dma_wait3A_49] : memref<4000x80xi32, #tpu.memory_space<hbm>> -> memref<1x80xi32, #tpu.memory_space<hbm>>
        %dma_wait3A_51 = tpu.memref_squeeze %dma_wait3A_50 : memref<1x80xi32, #tpu.memory_space<hbm>> -> memref<80xi32, #tpu.memory_space<hbm>>
        %dma_wait3A_52 = arith.constant 0 : i32
        %dma_wait3A_53 = tpu.memref_slice %arg4[%add3A_32, %dma_wait3A_52] : memref<4000x80xi32, #tpu.memory_space<hbm>> -> memref<1x80xi32, #tpu.memory_space<hbm>>
        %dma_wait3A_54 = tpu.memref_squeeze %dma_wait3A_53 : memref<1x80xi32, #tpu.memory_space<hbm>> -> memref<80xi32, #tpu.memory_space<hbm>>
        tpu.wait_dma2 semaphore(%run_scoped3A : memref<!tpu.dma_semaphore, #tpu.memory_space<semaphore_mem>>) src(%dma_wait3A_54 : memref<80xi32, #tpu.memory_space<hbm>>) dst(%arg8 : memref<80xi32, #tpu.memory_space<vmem>>)
        tpu.yield
      }) : () -> ()
      "tpu.region"() ({
        %run_scoped3A = tpu.sem_alloc : memref<!tpu.dma_semaphore, #tpu.memory_space<semaphore_mem>>
        %dma_start3A_43 = arith.constant 0 : i32
        %dma_start3A_44 = arith.constant 0 : i32
        %dma_start3A_45 = tpu.memref_slice %arg5[%add3A_32, %dma_start3A_43, %dma_start3A_44] : memref<4000x80x16xf32, #tpu.memory_space<hbm>> -> memref<1x80x16xf32, #tpu.memory_space<hbm>>
        %dma_start3A_46 = tpu.memref_squeeze %dma_start3A_45 : memref<1x80x16xf32, #tpu.memory_space<hbm>> -> memref<80x16xf32, #tpu.memory_space<hbm>>
        %dma_start3A_47 = arith.constant 0 : i32
        %dma_start3A_48 = arith.constant 0 : i32
        %dma_start3A_49 = tpu.memref_slice %arg5[%add3A_32, %dma_start3A_47, %dma_start3A_48] : memref<4000x80x16xf32, #tpu.memory_space<hbm>> -> memref<1x80x16xf32, #tpu.memory_space<hbm>>
        %dma_start3A_50 = tpu.memref_squeeze %dma_start3A_49 : memref<1x80x16xf32, #tpu.memory_space<hbm>> -> memref<80x16xf32, #tpu.memory_space<hbm>>
        tpu.enqueue_dma source(%dma_start3A_50 : memref<80x16xf32, #tpu.memory_space<hbm>>) target(%arg9 : memref<80x16xf32, #tpu.memory_space<vmem>>) target_semaphore(%run_scoped3A : memref<!tpu.dma_semaphore, #tpu.memory_space<semaphore_mem>>)
        %dma_wait3A_51 = arith.constant 0 : i32
        %dma_wait3A_52 = arith.constant 0 : i32
        %dma_wait3A_53 = tpu.memref_slice %arg5[%add3A_32, %dma_wait3A_51, %dma_wait3A_52] : memref<4000x80x16xf32, #tpu.memory_space<hbm>> -> memref<1x80x16xf32, #tpu.memory_space<hbm>>
        %dma_wait3A_54 = tpu.memref_squeeze %dma_wait3A_53 : memref<1x80x16xf32, #tpu.memory_space<hbm>> -> memref<80x16xf32, #tpu.memory_space<hbm>>
        %dma_wait3A_55 = arith.constant 0 : i32
        %dma_wait3A_56 = arith.constant 0 : i32
        %dma_wait3A_57 = tpu.memref_slice %arg5[%add3A_32, %dma_wait3A_55, %dma_wait3A_56] : memref<4000x80x16xf32, #tpu.memory_space<hbm>> -> memref<1x80x16xf32, #tpu.memory_space<hbm>>
        %dma_wait3A_58 = tpu.memref_squeeze %dma_wait3A_57 : memref<1x80x16xf32, #tpu.memory_space<hbm>> -> memref<80x16xf32, #tpu.memory_space<hbm>>
        tpu.wait_dma2 semaphore(%run_scoped3A : memref<!tpu.dma_semaphore, #tpu.memory_space<semaphore_mem>>) src(%dma_wait3A_58 : memref<80x16xf32, #tpu.memory_space<hbm>>) dst(%arg9 : memref<80x16xf32, #tpu.memory_space<vmem>>)
        tpu.yield
      }) : () -> ()
      %dma_start3A = arith.constant 0 : i32
      %dma_start3A_33 = arith.constant 0 : i32
      %dma_start3A_34 = tpu.memref_slice %arg2[%dma_start3A, %dma_start3A_33] : memref<10000x512xf32, #tpu.memory_space<hbm>> -> memref<10000x512xf32, #tpu.memory_space<hbm>>
      tpu.enqueue_indirect_dma source(%dma_start3A_34 : memref<10000x512xf32, #tpu.memory_space<hbm>>) target(%arg10 : memref<80x512xf32, #tpu.memory_space<vmem>>) offsets(%arg7 : memref<80xi32, #tpu.memory_space<vmem>>) semaphore(%arg14 : memref<!tpu.dma_semaphore, #tpu.memory_space<semaphore_mem>>)
      %dma_wait3A = arith.constant 0 : i32
      %dma_wait3A_35 = arith.constant 0 : i32
      %dma_wait3A_36 = tpu.memref_slice %arg2[%dma_wait3A, %dma_wait3A_35] : memref<10000x512xf32, #tpu.memory_space<hbm>> -> memref<10000x512xf32, #tpu.memory_space<hbm>>
      tpu.wait_indirect_dma semaphore(%arg14 : memref<!tpu.dma_semaphore, #tpu.memory_space<semaphore_mem>>) src(%dma_wait3A_36 : memref<10000x512xf32, #tpu.memory_space<hbm>>) dst(%arg10 : memref<80x512xf32, #tpu.memory_space<vmem>>)
      %scan3A_37 = arith.constant 0 : i32
      %scan3A_38 = arith.constant 0 : i32
      %scan3A_39 = arith.constant 80 : i32
      %scan3A_40 = arith.addi %scan3A_38, %scan3A_39 : i32
      %scan3A_41 = arith.constant 1 : i32
      scf.for %scan3A_43 = %scan3A_38 to %scan3A_40 step %scan3A_41  : i32 {
        %get3A = arith.index_cast %scan3A_43 : i32 to index
        %get3A_44 = arith.constant 0 : index
        %get3A_45 = tpu.vector_load %arg9[%get3A, %get3A_44] {strides = array<i32>} : memref<80x16xf32, #tpu.memory_space<vmem>>, vector<1x16xf32>,
        %get3A_46 = vector.shape_cast %get3A_45 : vector<1x16xf32> to vector<16xf32>
        %broadcast_in_dim3A = arith.constant 0.000000e+00 : f32
        %broadcast_in_dim3A_47 = vector.broadcast %broadcast_in_dim3A : f32 to vector<16xf32>
        %broadcast_in_dim3A_48 = arith.constant 0.000000e+00 : f32
        %broadcast_in_dim3A_49 = vector.broadcast %broadcast_in_dim3A_48 : f32 to vector<16xf32>
        %slice3A = vector.extract_strided_slice %get3A_46 {offsets = [0], sizes = [1], strides = [1]} : vector<16xf32> to vector<1xf32>
        %squeeze3A = vector.extract %slice3A[0] : f32 from vector<1xf32>
        %get3A_50 = arith.index_cast %scan3A_43 : i32 to index
        %get3A_51 = arith.constant 0 : index
        %get3A_52 = tpu.vector_load %arg10[%get3A_50, %get3A_51] {strides = array<i32>} : memref<80x512xf32, #tpu.memory_space<vmem>>, vector<1x16xf32>,
        %get3A_53 = vector.shape_cast %get3A_52 : vector<1x16xf32> to vector<16xf32>
        %mul3A_54 = vector.broadcast %squeeze3A : f32 to vector<16xf32>
        %mul3A_55 = arith.mulf %mul3A_54, %get3A_53 : vector<16xf32>
        %add3A_56 = arith.addf %broadcast_in_dim3A_47, %mul3A_55 : vector<16xf32>
        %get3A_57 = arith.index_cast %scan3A_43 : i32 to index
        %get3A_58 = arith.constant 16 : index
        %get3A_59 = tpu.vector_load %arg10[%get3A_57, %get3A_58] {strides = array<i32>} : memref<80x512xf32, #tpu.memory_space<vmem>>, vector<1x16xf32>,
        %get3A_60 = vector.shape_cast %get3A_59 : vector<1x16xf32> to vector<16xf32>
        %mul3A_61 = vector.broadcast %squeeze3A : f32 to vector<16xf32>
        %mul3A_62 = arith.mulf %mul3A_61, %get3A_60 : vector<16xf32>
        %add3A_63 = arith.addf %broadcast_in_dim3A_49, %mul3A_62 : vector<16xf32>
        %slice3A_64 = vector.extract_strided_slice %get3A_46 {offsets = [1], sizes = [1], strides = [1]} : vector<16xf32> to vector<1xf32>
        %squeeze3A_65 = vector.extract %slice3A_64[0] : f32 from vector<1xf32>
        %get3A_66 = arith.index_cast %scan3A_43 : i32 to index
        %get3A_67 = arith.constant 32 : index
        %get3A_68 = tpu.vector_load %arg10[%get3A_66, %get3A_67] {strides = array<i32>} : memref<80x512xf32, #tpu.memory_space<vmem>>, vector<1x16xf32>,
        %get3A_69 = vector.shape_cast %get3A_68 : vector<1x16xf32> to vector<16xf32>
        %mul3A_70 = vector.broadcast %squeeze3A_65 : f32 to vector<16xf32>
        %mul3A_71 = arith.mulf %mul3A_70, %get3A_69 : vector<16xf32>
        %add3A_72 = arith.addf %add3A_56, %mul3A_71 : vector<16xf32>
        %get3A_73 = arith.index_cast %scan3A_43 : i32 to index
        %get3A_74 = arith.constant 48 : index
        %get3A_75 = tpu.vector_load %arg10[%get3A_73, %get3A_74] {strides = array<i32>} : memref<80x512xf32, #tpu.memory_space<vmem>>, vector<1x16xf32>,
        %get3A_76 = vector.shape_cast %get3A_75 : vector<1x16xf32> to vector<16xf32>
        %mul3A_77 = vector.broadcast %squeeze3A_65 : f32 to vector<16xf32>
        %mul3A_78 = arith.mulf %mul3A_77, %get3A_76 : vector<16xf32>
        %add3A_79 = arith.addf %add3A_63, %mul3A_78 : vector<16xf32>
        %slice3A_80 = vector.extract_strided_slice %get3A_46 {offsets = [2], sizes = [1], strides = [1]} : vector<16xf32> to vector<1xf32>
        %squeeze3A_81 = vector.extract %slice3A_80[0] : f32 from vector<1xf32>
        %get3A_82 = arith.index_cast %scan3A_43 : i32 to index
        %get3A_83 = arith.constant 64 : index
        %get3A_84 = tpu.vector_load %arg10[%get3A_82, %get3A_83] {strides = array<i32>} : memref<80x512xf32, #tpu.memory_space<vmem>>, vector<1x16xf32>,
        %get3A_85 = vector.shape_cast %get3A_84 : vector<1x16xf32> to vector<16xf32>
        %mul3A_86 = vector.broadcast %squeeze3A_81 : f32 to vector<16xf32>
        %mul3A_87 = arith.mulf %mul3A_86, %get3A_85 : vector<16xf32>
        %add3A_88 = arith.addf %add3A_72, %mul3A_87 : vector<16xf32>
        %get3A_89 = arith.index_cast %scan3A_43 : i32 to index
        %get3A_90 = arith.constant 80 : index
        %get3A_91 = tpu.vector_load %arg10[%get3A_89, %get3A_90] {strides = array<i32>} : memref<80x512xf32, #tpu.memory_space<vmem>>, vector<1x16xf32>,
        %get3A_92 = vector.shape_cast %get3A_91 : vector<1x16xf32> to vector<16xf32>
        %mul3A_93 = vector.broadcast %squeeze3A_81 : f32 to vector<16xf32>
        %mul3A_94 = arith.mulf %mul3A_93, %get3A_92 : vector<16xf32>
        %add3A_95 = arith.addf %add3A_79, %mul3A_94 : vector<16xf32>
        %slice3A_96 = vector.extract_strided_slice %get3A_46 {offsets = [3], sizes = [1], strides = [1]} : vector<16xf32> to vector<1xf32>
        %squeeze3A_97 = vector.extract %slice3A_96[0] : f32 from vector<1xf32>
        %get3A_98 = arith.index_cast %scan3A_43 : i32 to index
        %get3A_99 = arith.constant 96 : index
        %get3A_100 = tpu.vector_load %arg10[%get3A_98, %get3A_99] {strides = array<i32>} : memref<80x512xf32, #tpu.memory_space<vmem>>, vector<1x16xf32>,
        %get3A_101 = vector.shape_cast %get3A_100 : vector<1x16xf32> to vector<16xf32>
        %mul3A_102 = vector.broadcast %squeeze3A_97 : f32 to vector<16xf32>
        %mul3A_103 = arith.mulf %mul3A_102, %get3A_101 : vector<16xf32>
        %add3A_104 = arith.addf %add3A_88, %mul3A_103 : vector<16xf32>
        %get3A_105 = arith.index_cast %scan3A_43 : i32 to index
        %get3A_106 = arith.constant 112 : index
        %get3A_107 = tpu.vector_load %arg10[%get3A_105, %get3A_106] {strides = array<i32>} : memref<80x512xf32, #tpu.memory_space<vmem>>, vector<1x16xf32>,
        %get3A_108 = vector.shape_cast %get3A_107 : vector<1x16xf32> to vector<16xf32>
        %mul3A_109 = vector.broadcast %squeeze3A_97 : f32 to vector<16xf32>
        %mul3A_110 = arith.mulf %mul3A_109, %get3A_108 : vector<16xf32>
        %add3A_111 = arith.addf %add3A_95, %mul3A_110 : vector<16xf32>
        %slice3A_112 = vector.extract_strided_slice %get3A_46 {offsets = [4], sizes = [1], strides = [1]} : vector<16xf32> to vector<1xf32>
        %squeeze3A_113 = vector.extract %slice3A_112[0] : f32 from vector<1xf32>
        %get3A_114 = arith.index_cast %scan3A_43 : i32 to index
        %get3A_115 = arith.constant 128 : index
        %get3A_116 = tpu.vector_load %arg10[%get3A_114, %get3A_115] {strides = array<i32>} : memref<80x512xf32, #tpu.memory_space<vmem>>, vector<1x16xf32>,
        %get3A_117 = vector.shape_cast %get3A_116 : vector<1x16xf32> to vector<16xf32>
        %mul3A_118 = vector.broadcast %squeeze3A_113 : f32 to vector<16xf32>
        %mul3A_119 = arith.mulf %mul3A_118, %get3A_117 : vector<16xf32>
        %add3A_120 = arith.addf %add3A_104, %mul3A_119 : vector<16xf32>
        %get3A_121 = arith.index_cast %scan3A_43 : i32 to index
        %get3A_122 = arith.constant 144 : index
        %get3A_123 = tpu.vector_load %arg10[%get3A_121, %get3A_122] {strides = array<i32>} : memref<80x512xf32, #tpu.memory_space<vmem>>, vector<1x16xf32>,
        %get3A_124 = vector.shape_cast %get3A_123 : vector<1x16xf32> to vector<16xf32>
        %mul3A_125 = vector.broadcast %squeeze3A_113 : f32 to vector<16xf32>
        %mul3A_126 = arith.mulf %mul3A_125, %get3A_124 : vector<16xf32>
        %add3A_127 = arith.addf %add3A_111, %mul3A_126 : vector<16xf32>
        %slice3A_128 = vector.extract_strided_slice %get3A_46 {offsets = [5], sizes = [1], strides = [1]} : vector<16xf32> to vector<1xf32>
        %squeeze3A_129 = vector.extract %slice3A_128[0] : f32 from vector<1xf32>
        %get3A_130 = arith.index_cast %scan3A_43 : i32 to index
        %get3A_131 = arith.constant 160 : index
        %get3A_132 = tpu.vector_load %arg10[%get3A_130, %get3A_131] {strides = array<i32>} : memref<80x512xf32, #tpu.memory_space<vmem>>, vector<1x16xf32>,
        %get3A_133 = vector.shape_cast %get3A_132 : vector<1x16xf32> to vector<16xf32>
        %mul3A_134 = vector.broadcast %squeeze3A_129 : f32 to vector<16xf32>
        %mul3A_135 = arith.mulf %mul3A_134, %get3A_133 : vector<16xf32>
        %add3A_136 = arith.addf %add3A_120, %mul3A_135 : vector<16xf32>
        %get3A_137 = arith.index_cast %scan3A_43 : i32 to index
        %get3A_138 = arith.constant 176 : index
        %get3A_139 = tpu.vector_load %arg10[%get3A_137, %get3A_138] {strides = array<i32>} : memref<80x512xf32, #tpu.memory_space<vmem>>, vector<1x16xf32>,
        %get3A_140 = vector.shape_cast %get3A_139 : vector<1x16xf32> to vector<16xf32>
        %mul3A_141 = vector.broadcast %squeeze3A_129 : f32 to vector<16xf32>
        %mul3A_142 = arith.mulf %mul3A_141, %get3A_140 : vector<16xf32>
        %add3A_143 = arith.addf %add3A_127, %mul3A_142 : vector<16xf32>
        %slice3A_144 = vector.extract_strided_slice %get3A_46 {offsets = [6], sizes = [1], strides = [1]} : vector<16xf32> to vector<1xf32>
        %squeeze3A_145 = vector.extract %slice3A_144[0] : f32 from vector<1xf32>
        %get3A_146 = arith.index_cast %scan3A_43 : i32 to index
        %get3A_147 = arith.constant 192 : index
        %get3A_148 = tpu.vector_load %arg10[%get3A_146, %get3A_147] {strides = array<i32>} : memref<80x512xf32, #tpu.memory_space<vmem>>, vector<1x16xf32>,
        %get3A_149 = vector.shape_cast %get3A_148 : vector<1x16xf32> to vector<16xf32>
        %mul3A_150 = vector.broadcast %squeeze3A_145 : f32 to vector<16xf32>
        %mul3A_151 = arith.mulf %mul3A_150, %get3A_149 : vector<16xf32>
        %add3A_152 = arith.addf %add3A_136, %mul3A_151 : vector<16xf32>
        %get3A_153 = arith.index_cast %scan3A_43 : i32 to index
        %get3A_154 = arith.constant 208 : index
        %get3A_155 = tpu.vector_load %arg10[%get3A_153, %get3A_154] {strides = array<i32>} : memref<80x512xf32, #tpu.memory_space<vmem>>, vector<1x16xf32>,
        %get3A_156 = vector.shape_cast %get3A_155 : vector<1x16xf32> to vector<16xf32>
        %mul3A_157 = vector.broadcast %squeeze3A_145 : f32 to vector<16xf32>
        %mul3A_158 = arith.mulf %mul3A_157, %get3A_156 : vector<16xf32>
        %add3A_159 = arith.addf %add3A_143, %mul3A_158 : vector<16xf32>
        %slice3A_160 = vector.extract_strided_slice %get3A_46 {offsets = [7], sizes = [1], strides = [1]} : vector<16xf32> to vector<1xf32>
        %squeeze3A_161 = vector.extract %slice3A_160[0] : f32 from vector<1xf32>
        %get3A_162 = arith.index_cast %scan3A_43 : i32 to index
        %get3A_163 = arith.constant 224 : index
        %get3A_164 = tpu.vector_load %arg10[%get3A_162, %get3A_163] {strides = array<i32>} : memref<80x512xf32, #tpu.memory_space<vmem>>, vector<1x16xf32>,
        %get3A_165 = vector.shape_cast %get3A_164 : vector<1x16xf32> to vector<16xf32>
        %mul3A_166 = vector.broadcast %squeeze3A_161 : f32 to vector<16xf32>
        %mul3A_167 = arith.mulf %mul3A_166, %get3A_165 : vector<16xf32>
        %add3A_168 = arith.addf %add3A_152, %mul3A_167 : vector<16xf32>
        %get3A_169 = arith.index_cast %scan3A_43 : i32 to index
        %get3A_170 = arith.constant 240 : index
        %get3A_171 = tpu.vector_load %arg10[%get3A_169, %get3A_170] {strides = array<i32>} : memref<80x512xf32, #tpu.memory_space<vmem>>, vector<1x16xf32>,
        %get3A_172 = vector.shape_cast %get3A_171 : vector<1x16xf32> to vector<16xf32>
        %mul3A_173 = vector.broadcast %squeeze3A_161 : f32 to vector<16xf32>
        %mul3A_174 = arith.mulf %mul3A_173, %get3A_172 : vector<16xf32>
        %add3A_175 = arith.addf %add3A_159, %mul3A_174 : vector<16xf32>
        %slice3A_176 = vector.extract_strided_slice %get3A_46 {offsets = [8], sizes = [1], strides = [1]} : vector<16xf32> to vector<1xf32>
        %squeeze3A_177 = vector.extract %slice3A_176[0] : f32 from vector<1xf32>
        %get3A_178 = arith.index_cast %scan3A_43 : i32 to index
        %get3A_179 = arith.constant 256 : index
        %get3A_180 = tpu.vector_load %arg10[%get3A_178, %get3A_179] {strides = array<i32>} : memref<80x512xf32, #tpu.memory_space<vmem>>, vector<1x16xf32>,
        %get3A_181 = vector.shape_cast %get3A_180 : vector<1x16xf32> to vector<16xf32>
        %mul3A_182 = vector.broadcast %squeeze3A_177 : f32 to vector<16xf32>
        %mul3A_183 = arith.mulf %mul3A_182, %get3A_181 : vector<16xf32>
        %add3A_184 = arith.addf %add3A_168, %mul3A_183 : vector<16xf32>
        %get3A_185 = arith.index_cast %scan3A_43 : i32 to index
        %get3A_186 = arith.constant 272 : index
        %get3A_187 = tpu.vector_load %arg10[%get3A_185, %get3A_186] {strides = array<i32>} : memref<80x512xf32, #tpu.memory_space<vmem>>, vector<1x16xf32>,
        %get3A_188 = vector.shape_cast %get3A_187 : vector<1x16xf32> to vector<16xf32>
        %mul3A_189 = vector.broadcast %squeeze3A_177 : f32 to vector<16xf32>
        %mul3A_190 = arith.mulf %mul3A_189, %get3A_188 : vector<16xf32>
        %add3A_191 = arith.addf %add3A_175, %mul3A_190 : vector<16xf32>
        %slice3A_192 = vector.extract_strided_slice %get3A_46 {offsets = [9], sizes = [1], strides = [1]} : vector<16xf32> to vector<1xf32>
        %squeeze3A_193 = vector.extract %slice3A_192[0] : f32 from vector<1xf32>
        %get3A_194 = arith.index_cast %scan3A_43 : i32 to index
        %get3A_195 = arith.constant 288 : index
        %get3A_196 = tpu.vector_load %arg10[%get3A_194, %get3A_195] {strides = array<i32>} : memref<80x512xf32, #tpu.memory_space<vmem>>, vector<1x16xf32>,
        %get3A_197 = vector.shape_cast %get3A_196 : vector<1x16xf32> to vector<16xf32>
        %mul3A_198 = vector.broadcast %squeeze3A_193 : f32 to vector<16xf32>
        %mul3A_199 = arith.mulf %mul3A_198, %get3A_197 : vector<16xf32>
        %add3A_200 = arith.addf %add3A_184, %mul3A_199 : vector<16xf32>
        %get3A_201 = arith.index_cast %scan3A_43 : i32 to index
        %get3A_202 = arith.constant 304 : index
        %get3A_203 = tpu.vector_load %arg10[%get3A_201, %get3A_202] {strides = array<i32>} : memref<80x512xf32, #tpu.memory_space<vmem>>, vector<1x16xf32>,
        %get3A_204 = vector.shape_cast %get3A_203 : vector<1x16xf32> to vector<16xf32>
        %mul3A_205 = vector.broadcast %squeeze3A_193 : f32 to vector<16xf32>
        %mul3A_206 = arith.mulf %mul3A_205, %get3A_204 : vector<16xf32>
        %add3A_207 = arith.addf %add3A_191, %mul3A_206 : vector<16xf32>
        %slice3A_208 = vector.extract_strided_slice %get3A_46 {offsets = [10], sizes = [1], strides = [1]} : vector<16xf32> to vector<1xf32>
        %squeeze3A_209 = vector.extract %slice3A_208[0] : f32 from vector<1xf32>
        %get3A_210 = arith.index_cast %scan3A_43 : i32 to index
        %get3A_211 = arith.constant 320 : index
        %get3A_212 = tpu.vector_load %arg10[%get3A_210, %get3A_211] {strides = array<i32>} : memref<80x512xf32, #tpu.memory_space<vmem>>, vector<1x16xf32>,
        %get3A_213 = vector.shape_cast %get3A_212 : vector<1x16xf32> to vector<16xf32>
        %mul3A_214 = vector.broadcast %squeeze3A_209 : f32 to vector<16xf32>
        %mul3A_215 = arith.mulf %mul3A_214, %get3A_213 : vector<16xf32>
        %add3A_216 = arith.addf %add3A_200, %mul3A_215 : vector<16xf32>
        %get3A_217 = arith.index_cast %scan3A_43 : i32 to index
        %get3A_218 = arith.constant 336 : index
        %get3A_219 = tpu.vector_load %arg10[%get3A_217, %get3A_218] {strides = array<i32>} : memref<80x512xf32, #tpu.memory_space<vmem>>, vector<1x16xf32>,
        %get3A_220 = vector.shape_cast %get3A_219 : vector<1x16xf32> to vector<16xf32>
        %mul3A_221 = vector.broadcast %squeeze3A_209 : f32 to vector<16xf32>
        %mul3A_222 = arith.mulf %mul3A_221, %get3A_220 : vector<16xf32>
        %add3A_223 = arith.addf %add3A_207, %mul3A_222 : vector<16xf32>
        %slice3A_224 = vector.extract_strided_slice %get3A_46 {offsets = [11], sizes = [1], strides = [1]} : vector<16xf32> to vector<1xf32>
        %squeeze3A_225 = vector.extract %slice3A_224[0] : f32 from vector<1xf32>
        %get3A_226 = arith.index_cast %scan3A_43 : i32 to index
        %get3A_227 = arith.constant 352 : index
        %get3A_228 = tpu.vector_load %arg10[%get3A_226, %get3A_227] {strides = array<i32>} : memref<80x512xf32, #tpu.memory_space<vmem>>, vector<1x16xf32>,
        %get3A_229 = vector.shape_cast %get3A_228 : vector<1x16xf32> to vector<16xf32>
        %mul3A_230 = vector.broadcast %squeeze3A_225 : f32 to vector<16xf32>
        %mul3A_231 = arith.mulf %mul3A_230, %get3A_229 : vector<16xf32>
        %add3A_232 = arith.addf %add3A_216, %mul3A_231 : vector<16xf32>
        %get3A_233 = arith.index_cast %scan3A_43 : i32 to index
        %get3A_234 = arith.constant 368 : index
        %get3A_235 = tpu.vector_load %arg10[%get3A_233, %get3A_234] {strides = array<i32>} : memref<80x512xf32, #tpu.memory_space<vmem>>, vector<1x16xf32>,
        %get3A_236 = vector.shape_cast %get3A_235 : vector<1x16xf32> to vector<16xf32>
        %mul3A_237 = vector.broadcast %squeeze3A_225 : f32 to vector<16xf32>
        %mul3A_238 = arith.mulf %mul3A_237, %get3A_236 : vector<16xf32>
        %add3A_239 = arith.addf %add3A_223, %mul3A_238 : vector<16xf32>
        %slice3A_240 = vector.extract_strided_slice %get3A_46 {offsets = [12], sizes = [1], strides = [1]} : vector<16xf32> to vector<1xf32>
        %squeeze3A_241 = vector.extract %slice3A_240[0] : f32 from vector<1xf32>
        %get3A_242 = arith.index_cast %scan3A_43 : i32 to index
        %get3A_243 = arith.constant 384 : index
        %get3A_244 = tpu.vector_load %arg10[%get3A_242, %get3A_243] {strides = array<i32>} : memref<80x512xf32, #tpu.memory_space<vmem>>, vector<1x16xf32>,
        %get3A_245 = vector.shape_cast %get3A_244 : vector<1x16xf32> to vector<16xf32>
        %mul3A_246 = vector.broadcast %squeeze3A_241 : f32 to vector<16xf32>
        %mul3A_247 = arith.mulf %mul3A_246, %get3A_245 : vector<16xf32>
        %add3A_248 = arith.addf %add3A_232, %mul3A_247 : vector<16xf32>
        %get3A_249 = arith.index_cast %scan3A_43 : i32 to index
        %get3A_250 = arith.constant 400 : index
        %get3A_251 = tpu.vector_load %arg10[%get3A_249, %get3A_250] {strides = array<i32>} : memref<80x512xf32, #tpu.memory_space<vmem>>, vector<1x16xf32>,
        %get3A_252 = vector.shape_cast %get3A_251 : vector<1x16xf32> to vector<16xf32>
        %mul3A_253 = vector.broadcast %squeeze3A_241 : f32 to vector<16xf32>
        %mul3A_254 = arith.mulf %mul3A_253, %get3A_252 : vector<16xf32>
        %add3A_255 = arith.addf %add3A_239, %mul3A_254 : vector<16xf32>
        %slice3A_256 = vector.extract_strided_slice %get3A_46 {offsets = [13], sizes = [1], strides = [1]} : vector<16xf32> to vector<1xf32>
        %squeeze3A_257 = vector.extract %slice3A_256[0] : f32 from vector<1xf32>
        %get3A_258 = arith.index_cast %scan3A_43 : i32 to index
        %get3A_259 = arith.constant 416 : index
        %get3A_260 = tpu.vector_load %arg10[%get3A_258, %get3A_259] {strides = array<i32>} : memref<80x512xf32, #tpu.memory_space<vmem>>, vector<1x16xf32>,
        %get3A_261 = vector.shape_cast %get3A_260 : vector<1x16xf32> to vector<16xf32>
        %mul3A_262 = vector.broadcast %squeeze3A_257 : f32 to vector<16xf32>
        %mul3A_263 = arith.mulf %mul3A_262, %get3A_261 : vector<16xf32>
        %add3A_264 = arith.addf %add3A_248, %mul3A_263 : vector<16xf32>
        %get3A_265 = arith.index_cast %scan3A_43 : i32 to index
        %get3A_266 = arith.constant 432 : index
        %get3A_267 = tpu.vector_load %arg10[%get3A_265, %get3A_266] {strides = array<i32>} : memref<80x512xf32, #tpu.memory_space<vmem>>, vector<1x16xf32>,
        %get3A_268 = vector.shape_cast %get3A_267 : vector<1x16xf32> to vector<16xf32>
        %mul3A_269 = vector.broadcast %squeeze3A_257 : f32 to vector<16xf32>
        %mul3A_270 = arith.mulf %mul3A_269, %get3A_268 : vector<16xf32>
        %add3A_271 = arith.addf %add3A_255, %mul3A_270 : vector<16xf32>
        %slice3A_272 = vector.extract_strided_slice %get3A_46 {offsets = [14], sizes = [1], strides = [1]} : vector<16xf32> to vector<1xf32>
        %squeeze3A_273 = vector.extract %slice3A_272[0] : f32 from vector<1xf32>
        %get3A_274 = arith.index_cast %scan3A_43 : i32 to index
        %get3A_275 = arith.constant 448 : index
        %get3A_276 = tpu.vector_load %arg10[%get3A_274, %get3A_275] {strides = array<i32>} : memref<80x512xf32, #tpu.memory_space<vmem>>, vector<1x16xf32>,
        %get3A_277 = vector.shape_cast %get3A_276 : vector<1x16xf32> to vector<16xf32>
        %mul3A_278 = vector.broadcast %squeeze3A_273 : f32 to vector<16xf32>
        %mul3A_279 = arith.mulf %mul3A_278, %get3A_277 : vector<16xf32>
        %add3A_280 = arith.addf %add3A_264, %mul3A_279 : vector<16xf32>
        %get3A_281 = arith.index_cast %scan3A_43 : i32 to index
        %get3A_282 = arith.constant 464 : index
        %get3A_283 = tpu.vector_load %arg10[%get3A_281, %get3A_282] {strides = array<i32>} : memref<80x512xf32, #tpu.memory_space<vmem>>, vector<1x16xf32>,
        %get3A_284 = vector.shape_cast %get3A_283 : vector<1x16xf32> to vector<16xf32>
        %mul3A_285 = vector.broadcast %squeeze3A_273 : f32 to vector<16xf32>
        %mul3A_286 = arith.mulf %mul3A_285, %get3A_284 : vector<16xf32>
        %add3A_287 = arith.addf %add3A_271, %mul3A_286 : vector<16xf32>
        %slice3A_288 = vector.extract_strided_slice %get3A_46 {offsets = [15], sizes = [1], strides = [1]} : vector<16xf32> to vector<1xf32>
        %squeeze3A_289 = vector.extract %slice3A_288[0] : f32 from vector<1xf32>
        %get3A_290 = arith.index_cast %scan3A_43 : i32 to index
        %get3A_291 = arith.constant 480 : index
        %get3A_292 = tpu.vector_load %arg10[%get3A_290, %get3A_291] {strides = array<i32>} : memref<80x512xf32, #tpu.memory_space<vmem>>, vector<1x16xf32>,
        %get3A_293 = vector.shape_cast %get3A_292 : vector<1x16xf32> to vector<16xf32>
        %mul3A_294 = vector.broadcast %squeeze3A_289 : f32 to vector<16xf32>
        %mul3A_295 = arith.mulf %mul3A_294, %get3A_293 : vector<16xf32>
        %add3A_296 = arith.addf %add3A_280, %mul3A_295 : vector<16xf32>
        %get3A_297 = arith.index_cast %scan3A_43 : i32 to index
        %get3A_298 = arith.constant 496 : index
        %get3A_299 = tpu.vector_load %arg10[%get3A_297, %get3A_298] {strides = array<i32>} : memref<80x512xf32, #tpu.memory_space<vmem>>, vector<1x16xf32>,
        %get3A_300 = vector.shape_cast %get3A_299 : vector<1x16xf32> to vector<16xf32>
        %mul3A_301 = vector.broadcast %squeeze3A_289 : f32 to vector<16xf32>
        %mul3A_302 = arith.mulf %mul3A_301, %get3A_300 : vector<16xf32>
        %add3A_303 = arith.addf %add3A_287, %mul3A_302 : vector<16xf32>
        %swap3A = arith.index_cast %scan3A_43 : i32 to index
        %swap3A_304 = arith.constant 0 : index
        %swap3A_305 = tpu.vector_load %arg11[%swap3A, %swap3A_304] {strides = array<i32>} : memref<80x32xf32, #tpu.memory_space<vmem>>, vector<1x16xf32>,
        %swap3A_306 = vector.shape_cast %swap3A_305 : vector<1x16xf32> to vector<16xf32>
        %swap3A_307 = vector.shape_cast %add3A_296 : vector<16xf32> to vector<1x16xf32>
        tpu.vector_store %arg11[%swap3A, %swap3A_304], %swap3A_307 {strides = array<i32>} : memref<80x32xf32, #tpu.memory_space<vmem>>, vector<1x16xf32>,
        %swap3A_308 = arith.index_cast %scan3A_43 : i32 to index
        %swap3A_309 = arith.constant 16 : index
        %swap3A_310 = tpu.vector_load %arg11[%swap3A_308, %swap3A_309] {strides = array<i32>} : memref<80x32xf32, #tpu.memory_space<vmem>>, vector<1x16xf32>,
        %swap3A_311 = vector.shape_cast %swap3A_310 : vector<1x16xf32> to vector<16xf32>
        %swap3A_312 = vector.shape_cast %add3A_303 : vector<16xf32> to vector<1x16xf32>
        tpu.vector_store %arg11[%swap3A_308, %swap3A_309], %swap3A_312 {strides = array<i32>} : memref<80x32xf32, #tpu.memory_space<vmem>>, vector<1x16xf32>,
      }
      %scan3A_42 = arith.constant 80 : i32
      "tpu.region"() ({
        %run_scoped3A = tpu.sem_alloc : memref<!tpu.dma_semaphore, #tpu.memory_space<semaphore_mem>>
        %dma_start3A_43 = arith.constant 0 : i32
        %dma_start3A_44 = arith.constant 0 : i32
        %dma_start3A_45 = tpu.memref_slice %arg13[%dma_start3A_43, %dma_start3A_44] : memref<10000x32xf32, #tpu.memory_space<vmem_shared>> -> memref<10000x32xf32, #tpu.memory_space<vmem_shared>>
        tpu.enqueue_indirect_dma source(%arg11 : memref<80x32xf32, #tpu.memory_space<vmem>>) target(%dma_start3A_45 : memref<10000x32xf32, #tpu.memory_space<vmem_shared>>) offsets(%arg8 : memref<80xi32, #tpu.memory_space<vmem>>) semaphore(%run_scoped3A : memref<!tpu.dma_semaphore, #tpu.memory_space<semaphore_mem>>) {add = true}
        %dma_wait3A_46 = arith.constant 0 : i32
        %dma_wait3A_47 = arith.constant 0 : i32
        %dma_wait3A_48 = tpu.memref_slice %arg13[%dma_wait3A_46, %dma_wait3A_47] : memref<10000x32xf32, #tpu.memory_space<vmem_shared>> -> memref<10000x32xf32, #tpu.memory_space<vmem_shared>>
        tpu.wait_indirect_dma semaphore(%run_scoped3A : memref<!tpu.dma_semaphore, #tpu.memory_space<semaphore_mem>>) src(%arg11 : memref<80x32xf32, #tpu.memory_space<vmem>>) dst(%dma_wait3A_48 : memref<10000x32xf32, #tpu.memory_space<vmem_shared>>)
        tpu.yield
      }) : () -> ()
    }
    %scan3A_17 = arith.constant 125 : i32
    %barrier3A_18 = arith.constant 0 : index
    tpu.barrier barrier_id(%barrier3A_18)
    %lt3A_19 = arith.constant 15 : i32
    %lt3A_20 = arith.cmpi slt, %arg1, %lt3A_19 : i32
    %convert_element_type3A_21 = arith.extui %lt3A_20 : i1 to i32
    %cond3A_22 = arith.constant 0 : i32
    %cond3A_23 = arith.cmpi ne, %convert_element_type3A_21, %cond3A_22 : i32
    scf.if %cond3A_23 {
      %mul3A_29 = arith.constant 624 : i32
      %mul3A_30 = arith.muli %arg1, %mul3A_29 : i32
      "tpu.region"() ({
        %run_scoped3A = tpu.sem_alloc : memref<!tpu.dma_semaphore, #tpu.memory_space<semaphore_mem>>
        %dma_start3A = arith.constant 0 : i32
        %dma_start3A_33 = arith.constant 0 : i32
        %dma_start3A_34 = tpu.memref_slice %arg12[%dma_start3A, %dma_start3A_33] : memref<640x32xf32, #tpu.memory_space<vmem>> -> memref<624x32xf32, #tpu.memory_space<vmem>>
        %dma_start3A_35 = arith.constant 0 : i32
        %dma_start3A_36 = tpu.memref_slice %arg13[%mul3A_30, %dma_start3A_35] : memref<10000x32xf32, #tpu.memory_space<vmem_shared>> -> memref<624x32xf32, #tpu.memory_space<vmem_shared>>
        %dma_start3A_37 = arith.constant 0 : i32
        %dma_start3A_38 = arith.constant 0 : i32
        %dma_start3A_39 = tpu.memref_slice %arg12[%dma_start3A_37, %dma_start3A_38] : memref<640x32xf32, #tpu.memory_space<vmem>> -> memref<624x32xf32, #tpu.memory_space<vmem>>
        %dma_start3A_40 = arith.constant 0 : i32
        %dma_start3A_41 = tpu.memref_slice %arg13[%mul3A_30, %dma_start3A_40] : memref<10000x32xf32, #tpu.memory_space<vmem_shared>> -> memref<624x32xf32, #tpu.memory_space<vmem_shared>>
        tpu.enqueue_dma source(%dma_start3A_41 : memref<624x32xf32, #tpu.memory_space<vmem_shared>>) target(%dma_start3A_39 : memref<624x32xf32, #tpu.memory_space<vmem>>) target_semaphore(%run_scoped3A : memref<!tpu.dma_semaphore, #tpu.memory_space<semaphore_mem>>)
        %dma_wait3A = arith.constant 0 : i32
        %dma_wait3A_42 = arith.constant 0 : i32
        %dma_wait3A_43 = tpu.memref_slice %arg12[%dma_wait3A, %dma_wait3A_42] : memref<640x32xf32, #tpu.memory_space<vmem>> -> memref<624x32xf32, #tpu.memory_space<vmem>>
        %dma_wait3A_44 = arith.constant 0 : i32
        %dma_wait3A_45 = tpu.memref_slice %arg13[%mul3A_30, %dma_wait3A_44] : memref<10000x32xf32, #tpu.memory_space<vmem_shared>> -> memref<624x32xf32, #tpu.memory_space<vmem_shared>>
        %dma_wait3A_46 = arith.constant 0 : i32
        %dma_wait3A_47 = arith.constant 0 : i32
        %dma_wait3A_48 = tpu.memref_slice %arg12[%dma_wait3A_46, %dma_wait3A_47] : memref<640x32xf32, #tpu.memory_space<vmem>> -> memref<624x32xf32, #tpu.memory_space<vmem>>
        %dma_wait3A_49 = arith.constant 0 : i32
        %dma_wait3A_50 = tpu.memref_slice %arg13[%mul3A_30, %dma_wait3A_49] : memref<10000x32xf32, #tpu.memory_space<vmem_shared>> -> memref<624x32xf32, #tpu.memory_space<vmem_shared>>
        tpu.wait_dma2 semaphore(%run_scoped3A : memref<!tpu.dma_semaphore, #tpu.memory_space<semaphore_mem>>) src(%dma_wait3A_50 : memref<624x32xf32, #tpu.memory_space<vmem_shared>>) dst(%dma_wait3A_48 : memref<624x32xf32, #tpu.memory_space<vmem>>)
        tpu.yield
      }) : () -> ()
      %mul3A_31 = arith.constant 624 : i32
      %mul3A_32 = arith.muli %arg1, %mul3A_31 : i32
      "tpu.region"() ({
        %run_scoped3A = tpu.sem_alloc : memref<!tpu.dma_semaphore, #tpu.memory_space<semaphore_mem>>
        %dma_start3A = arith.constant 0 : i32
        %dma_start3A_33 = arith.constant 0 : i32
        %dma_start3A_34 = tpu.memref_slice %arg12[%dma_start3A, %dma_start3A_33] : memref<640x32xf32, #tpu.memory_space<vmem>> -> memref<624x32xf32, #tpu.memory_space<vmem>>
        %dma_start3A_35 = arith.constant 0 : i32
        %dma_start3A_36 = tpu.memref_slice %arg6[%arg0, %mul3A_32, %dma_start3A_35] : memref<2x10000x32xf32, #tpu.memory_space<hbm>> -> memref<1x624x32xf32, #tpu.memory_space<hbm>>
        %dma_start3A_37 = tpu.memref_squeeze %dma_start3A_36 : memref<1x624x32xf32, #tpu.memory_space<hbm>> -> memref<624x32xf32, #tpu.memory_space<hbm>>
        %dma_start3A_38 = arith.constant 0 : i32
        %dma_start3A_39 = tpu.memref_slice %arg6[%arg0, %mul3A_32, %dma_start3A_38] : memref<2x10000x32xf32, #tpu.memory_space<hbm>> -> memref<1x624x32xf32, #tpu.memory_space<hbm>>
        %dma_start3A_40 = tpu.memref_squeeze %dma_start3A_39 : memref<1x624x32xf32, #tpu.memory_space<hbm>> -> memref<624x32xf32, #tpu.memory_space<hbm>>
        %dma_start3A_41 = arith.constant 0 : i32
        %dma_start3A_42 = arith.constant 0 : i32
        %dma_start3A_43 = tpu.memref_slice %arg12[%dma_start3A_41, %dma_start3A_42] : memref<640x32xf32, #tpu.memory_space<vmem>> -> memref<624x32xf32, #tpu.memory_space<vmem>>
        tpu.enqueue_dma source(%dma_start3A_43 : memref<624x32xf32, #tpu.memory_space<vmem>>) target(%dma_start3A_40 : memref<624x32xf32, #tpu.memory_space<hbm>>) target_semaphore(%run_scoped3A : memref<!tpu.dma_semaphore, #tpu.memory_space<semaphore_mem>>)
        %dma_wait3A = arith.constant 0 : i32
        %dma_wait3A_44 = arith.constant 0 : i32
        %dma_wait3A_45 = tpu.memref_slice %arg12[%dma_wait3A, %dma_wait3A_44] : memref<640x32xf32, #tpu.memory_space<vmem>> -> memref<624x32xf32, #tpu.memory_space<vmem>>
        %dma_wait3A_46 = arith.constant 0 : i32
        %dma_wait3A_47 = tpu.memref_slice %arg6[%arg0, %mul3A_32, %dma_wait3A_46] : memref<2x10000x32xf32, #tpu.memory_space<hbm>> -> memref<1x624x32xf32, #tpu.memory_space<hbm>>
        %dma_wait3A_48 = tpu.memref_squeeze %dma_wait3A_47 : memref<1x624x32xf32, #tpu.memory_space<hbm>> -> memref<624x32xf32, #tpu.memory_space<hbm>>
        %dma_wait3A_49 = arith.constant 0 : i32
        %dma_wait3A_50 = tpu.memref_slice %arg6[%arg0, %mul3A_32, %dma_wait3A_49] : memref<2x10000x32xf32, #tpu.memory_space<hbm>> -> memref<1x624x32xf32, #tpu.memory_space<hbm>>
        %dma_wait3A_51 = tpu.memref_squeeze %dma_wait3A_50 : memref<1x624x32xf32, #tpu.memory_space<hbm>> -> memref<624x32xf32, #tpu.memory_space<hbm>>
        %dma_wait3A_52 = arith.constant 0 : i32
        %dma_wait3A_53 = arith.constant 0 : i32
        %dma_wait3A_54 = tpu.memref_slice %arg12[%dma_wait3A_52, %dma_wait3A_53] : memref<640x32xf32, #tpu.memory_space<vmem>> -> memref<624x32xf32, #tpu.memory_space<vmem>>
        tpu.wait_dma2 semaphore(%run_scoped3A : memref<!tpu.dma_semaphore, #tpu.memory_space<semaphore_mem>>) src(%dma_wait3A_54 : memref<624x32xf32, #tpu.memory_space<vmem>>) dst(%dma_wait3A_51 : memref<624x32xf32, #tpu.memory_space<hbm>>)
        tpu.yield
      }) : () -> ()
    } else {
    }
    %eq3A_24 = arith.constant 15 : i32
    %eq3A_25 = arith.cmpi eq, %arg1, %eq3A_24 : i32
    %convert_element_type3A_26 = arith.extui %eq3A_25 : i1 to i32
    %cond3A_27 = arith.constant 0 : i32
    %cond3A_28 = arith.cmpi ne, %convert_element_type3A_26, %cond3A_27 : i32
    scf.if %cond3A_28 {
      "tpu.region"() ({
        %run_scoped3A = tpu.sem_alloc : memref<!tpu.dma_semaphore, #tpu.memory_space<semaphore_mem>>
        %dma_start3A = arith.constant 9360 : i32
        %dma_start3A_29 = arith.constant 0 : i32
        %dma_start3A_30 = tpu.memref_slice %arg13[%dma_start3A, %dma_start3A_29] : memref<10000x32xf32, #tpu.memory_space<vmem_shared>> -> memref<640x32xf32, #tpu.memory_space<vmem_shared>>
        %dma_start3A_31 = arith.constant 9360 : i32
        %dma_start3A_32 = arith.constant 0 : i32
        %dma_start3A_33 = tpu.memref_slice %arg13[%dma_start3A_31, %dma_start3A_32] : memref<10000x32xf32, #tpu.memory_space<vmem_shared>> -> memref<640x32xf32, #tpu.memory_space<vmem_shared>>
        tpu.enqueue_dma source(%dma_start3A_33 : memref<640x32xf32, #tpu.memory_space<vmem_shared>>) target(%arg12 : memref<640x32xf32, #tpu.memory_space<vmem>>) target_semaphore(%run_scoped3A : memref<!tpu.dma_semaphore, #tpu.memory_space<semaphore_mem>>)
        %dma_wait3A = arith.constant 9360 : i32
        %dma_wait3A_34 = arith.constant 0 : i32
        %dma_wait3A_35 = tpu.memref_slice %arg13[%dma_wait3A, %dma_wait3A_34] : memref<10000x32xf32, #tpu.memory_space<vmem_shared>> -> memref<640x32xf32, #tpu.memory_space<vmem_shared>>
        %dma_wait3A_36 = arith.constant 9360 : i32
        %dma_wait3A_37 = arith.constant 0 : i32
        %dma_wait3A_38 = tpu.memref_slice %arg13[%dma_wait3A_36, %dma_wait3A_37] : memref<10000x32xf32, #tpu.memory_space<vmem_shared>> -> memref<640x32xf32, #tpu.memory_space<vmem_shared>>
        tpu.wait_dma2 semaphore(%run_scoped3A : memref<!tpu.dma_semaphore, #tpu.memory_space<semaphore_mem>>) src(%dma_wait3A_38 : memref<640x32xf32, #tpu.memory_space<vmem_shared>>) dst(%arg12 : memref<640x32xf32, #tpu.memory_space<vmem>>)
        tpu.yield
      }) : () -> ()
      "tpu.region"() ({
        %run_scoped3A = tpu.sem_alloc : memref<!tpu.dma_semaphore, #tpu.memory_space<semaphore_mem>>
        %dma_start3A = arith.constant 9360 : i32
        %dma_start3A_29 = arith.constant 0 : i32
        %dma_start3A_30 = tpu.memref_slice %arg6[%arg0, %dma_start3A, %dma_start3A_29] : memref<2x10000x32xf32, #tpu.memory_space<hbm>> -> memref<1x640x32xf32, #tpu.memory_space<hbm>>
        %dma_start3A_31 = tpu.memref_squeeze %dma_start3A_30 : memref<1x640x32xf32, #tpu.memory_space<hbm>> -> memref<640x32xf32, #tpu.memory_space<hbm>>
        %dma_start3A_32 = arith.constant 9360 : i32
        %dma_start3A_33 = arith.constant 0 : i32
        %dma_start3A_34 = tpu.memref_slice %arg6[%arg0, %dma_start3A_32, %dma_start3A_33] : memref<2x10000x32xf32, #tpu.memory_space<hbm>> -> memref<1x640x32xf32, #tpu.memory_space<hbm>>
        %dma_start3A_35 = tpu.memref_squeeze %dma_start3A_34 : memref<1x640x32xf32, #tpu.memory_space<hbm>> -> memref<640x32xf32, #tpu.memory_space<hbm>>
        tpu.enqueue_dma source(%arg12 : memref<640x32xf32, #tpu.memory_space<vmem>>) target(%dma_start3A_35 : memref<640x32xf32, #tpu.memory_space<hbm>>) target_semaphore(%run_scoped3A : memref<!tpu.dma_semaphore, #tpu.memory_space<semaphore_mem>>)
        %dma_wait3A = arith.constant 9360 : i32
        %dma_wait3A_36 = arith.constant 0 : i32
        %dma_wait3A_37 = tpu.memref_slice %arg6[%arg0, %dma_wait3A, %dma_wait3A_36] : memref<2x10000x32xf32, #tpu.memory_space<hbm>> -> memref<1x640x32xf32, #tpu.memory_space<hbm>>
        %dma_wait3A_38 = tpu.memref_squeeze %dma_wait3A_37 : memref<1x640x32xf32, #tpu.memory_space<hbm>> -> memref<640x32xf32, #tpu.memory_space<hbm>>
        %dma_wait3A_39 = arith.constant 9360 : i32
        %dma_wait3A_40 = arith.constant 0 : i32
        %dma_wait3A_41 = tpu.memref_slice %arg6[%arg0, %dma_wait3A_39, %dma_wait3A_40] : memref<2x10000x32xf32, #tpu.memory_space<hbm>> -> memref<1x640x32xf32, #tpu.memory_space<hbm>>
        %dma_wait3A_42 = tpu.memref_squeeze %dma_wait3A_41 : memref<1x640x32xf32, #tpu.memory_space<hbm>> -> memref<640x32xf32, #tpu.memory_space<hbm>>
        tpu.wait_dma2 semaphore(%run_scoped3A : memref<!tpu.dma_semaphore, #tpu.memory_space<semaphore_mem>>) src(%arg12 : memref<640x32xf32, #tpu.memory_space<vmem>>) dst(%dma_wait3A_42 : memref<640x32xf32, #tpu.memory_space<hbm>>)
        tpu.yield
      }) : () -> ()
    } else {
    }
    return
  }
}

#map = affine_map<(d0, d1) -> (0, 0)>
#map1 = affine_map<(d0, d1) -> (0, 0, 0)>
module attributes {stable_mosaic.version = 14 : i64} {
  func.func @k(%arg0: i32, %arg1: i32, %arg2: memref<10000x512xf32, #tpu.memory_space<hbm>>, %arg3: memref<4000x80xi32, #tpu.memory_space<hbm>>, %arg4: memref<4000x80xi32, #tpu.memory_space<hbm>>, %arg5: memref<4000x80x16xf32, #tpu.memory_space<hbm>>, %arg6: memref<2x10000x32xf32, #tpu.memory_space<hbm>>, %arg7: memref<80xi32, #tpu.memory_space<vmem>>, %arg8: memref<80xi32, #tpu.memory_space<vmem>>, %arg9: memref<80x16xf32, #tpu.memory_space<vmem>>, %arg10: memref<80x512xf32, #tpu.memory_space<vmem>>, %arg11: memref<80x32xf32, #tpu.memory_space<vmem>>, %arg12: memref<640x32xf32, #tpu.memory_space<vmem>>, %arg13: memref<10000x32xf32, #tpu.memory_space<vmem_shared>>, %arg14: memref<!tpu.dma_semaphore, #tpu.memory_space<semaphore_mem>>) attributes {dimension_semantics = [#tpu.dimension_semantics<core_parallel>, #tpu.dimension_semantics<subcore_parallel>], iteration_bounds = array<i64: 2, 16>, scalar_prefetch = 0 : i64, scratch_operands = 8 : i64, tpu.core_type = #tpu.core_type<sc_vector_subcore>, window_params = [{transform_indices = #map}, {transform_indices = #map}, {transform_indices = #map}, {transform_indices = #map1}, {transform_indices = #map1}]} {
    %mul3A = arith.constant 2 : i32
    %mul3A_0 = arith.muli %arg1, %mul3A : i32
    %add3A = arith.addi %mul3A_0, %arg0 : i32
    %scan3A = arith.constant 0 : i32
    %scan3A_1 = arith.constant 0 : i32
    %scan3A_2 = arith.constant 640 : i32
    %scan3A_3 = arith.addi %scan3A_1, %scan3A_2 : i32
    %scan3A_4 = arith.constant 1 : i32
    scf.for %scan3A_29 = %scan3A_1 to %scan3A_3 step %scan3A_4  : i32 {
      %broadcast_in_dim3A = arith.constant 0.000000e+00 : f32
      %broadcast_in_dim3A_30 = vector.broadcast %broadcast_in_dim3A : f32 to vector<16xf32>
      %swap3A = arith.index_cast %scan3A_29 : i32 to index
      %swap3A_31 = arith.constant 0 : index
      %swap3A_32 = tpu.vector_load %arg12[%swap3A, %swap3A_31] {strides = array<i32>} : memref<640x32xf32, #tpu.memory_space<vmem>>, vector<1x16xf32>,
      %swap3A_33 = vector.shape_cast %swap3A_32 : vector<1x16xf32> to vector<16xf32>
      %swap3A_34 = vector.shape_cast %broadcast_in_dim3A_30 : vector<16xf32> to vector<1x16xf32>
      tpu.vector_store %arg12[%swap3A, %swap3A_31], %swap3A_34 {strides = array<i32>} : memref<640x32xf32, #tpu.memory_space<vmem>>, vector<1x16xf32>,
      %broadcast_in_dim3A_35 = arith.constant 0.000000e+00 : f32
      %broadcast_in_dim3A_36 = vector.broadcast %broadcast_in_dim3A_35 : f32 to vector<16xf32>
      %swap3A_37 = arith.index_cast %scan3A_29 : i32 to index
      %swap3A_38 = arith.constant 16 : index
      %swap3A_39 = tpu.vector_load %arg12[%swap3A_37, %swap3A_38] {strides = array<i32>} : memref<640x32xf32, #tpu.memory_space<vmem>>, vector<1x16xf32>,
      %swap3A_40 = vector.shape_cast %swap3A_39 : vector<1x16xf32> to vector<16xf32>
      %swap3A_41 = vector.shape_cast %broadcast_in_dim3A_36 : vector<16xf32> to vector<1x16xf32>
      tpu.vector_store %arg12[%swap3A_37, %swap3A_38], %swap3A_41 {strides = array<i32>} : memref<640x32xf32, #tpu.memory_space<vmem>>, vector<1x16xf32>,
    }
    %scan3A_5 = arith.constant 640 : i32
    %lt3A = arith.constant 15 : i32
    %lt3A_6 = arith.cmpi slt, %arg1, %lt3A : i32
    %convert_element_type3A = arith.extui %lt3A_6 : i1 to i32
    %cond3A = arith.constant 0 : i32
    %cond3A_7 = arith.cmpi ne, %convert_element_type3A, %cond3A : i32
    scf.if %cond3A_7 {
      %mul3A_29 = arith.constant 624 : i32
      %mul3A_30 = arith.muli %arg1, %mul3A_29 : i32
      "tpu.region"() ({
        %run_scoped3A = tpu.sem_alloc : memref<!tpu.dma_semaphore, #tpu.memory_space<semaphore_mem>>
        %dma_start3A = arith.constant 0 : i32
        %dma_start3A_31 = arith.constant 0 : i32
        %dma_start3A_32 = tpu.memref_slice %arg12[%dma_start3A, %dma_start3A_31] : memref<640x32xf32, #tpu.memory_space<vmem>> -> memref<624x32xf32, #tpu.memory_space<vmem>>
        %dma_start3A_33 = arith.constant 0 : i32
        %dma_start3A_34 = tpu.memref_slice %arg13[%mul3A_30, %dma_start3A_33] : memref<10000x32xf32, #tpu.memory_space<vmem_shared>> -> memref<624x32xf32, #tpu.memory_space<vmem_shared>>
        %dma_start3A_35 = arith.constant 0 : i32
        %dma_start3A_36 = tpu.memref_slice %arg13[%mul3A_30, %dma_start3A_35] : memref<10000x32xf32, #tpu.memory_space<vmem_shared>> -> memref<624x32xf32, #tpu.memory_space<vmem_shared>>
        %dma_start3A_37 = arith.constant 0 : i32
        %dma_start3A_38 = arith.constant 0 : i32
        %dma_start3A_39 = tpu.memref_slice %arg12[%dma_start3A_37, %dma_start3A_38] : memref<640x32xf32, #tpu.memory_space<vmem>> -> memref<624x32xf32, #tpu.memory_space<vmem>>
        tpu.enqueue_dma source(%dma_start3A_39 : memref<624x32xf32, #tpu.memory_space<vmem>>) target(%dma_start3A_36 : memref<624x32xf32, #tpu.memory_space<vmem_shared>>) target_semaphore(%run_scoped3A : memref<!tpu.dma_semaphore, #tpu.memory_space<semaphore_mem>>)
        %dma_wait3A = arith.constant 0 : i32
        %dma_wait3A_40 = arith.constant 0 : i32
        %dma_wait3A_41 = tpu.memref_slice %arg12[%dma_wait3A, %dma_wait3A_40] : memref<640x32xf32, #tpu.memory_space<vmem>> -> memref<624x32xf32, #tpu.memory_space<vmem>>
        %dma_wait3A_42 = arith.constant 0 : i32
        %dma_wait3A_43 = tpu.memref_slice %arg13[%mul3A_30, %dma_wait3A_42] : memref<10000x32xf32, #tpu.memory_space<vmem_shared>> -> memref<624x32xf32, #tpu.memory_space<vmem_shared>>
        %dma_wait3A_44 = arith.constant 0 : i32
        %dma_wait3A_45 = tpu.memref_slice %arg13[%mul3A_30, %dma_wait3A_44] : memref<10000x32xf32, #tpu.memory_space<vmem_shared>> -> memref<624x32xf32, #tpu.memory_space<vmem_shared>>
        %dma_wait3A_46 = arith.constant 0 : i32
        %dma_wait3A_47 = arith.constant 0 : i32
        %dma_wait3A_48 = tpu.memref_slice %arg12[%dma_wait3A_46, %dma_wait3A_47] : memref<640x32xf32, #tpu.memory_space<vmem>> -> memref<624x32xf32, #tpu.memory_space<vmem>>
        tpu.wait_dma2 semaphore(%run_scoped3A : memref<!tpu.dma_semaphore, #tpu.memory_space<semaphore_mem>>) src(%dma_wait3A_48 : memref<624x32xf32, #tpu.memory_space<vmem>>) dst(%dma_wait3A_45 : memref<624x32xf32, #tpu.memory_space<vmem_shared>>)
        tpu.yield
      }) : () -> ()
    } else {
    }
    %eq3A = arith.constant 15 : i32
    %eq3A_8 = arith.cmpi eq, %arg1, %eq3A : i32
    %convert_element_type3A_9 = arith.extui %eq3A_8 : i1 to i32
    %cond3A_10 = arith.constant 0 : i32
    %cond3A_11 = arith.cmpi ne, %convert_element_type3A_9, %cond3A_10 : i32
    scf.if %cond3A_11 {
      "tpu.region"() ({
        %run_scoped3A = tpu.sem_alloc : memref<!tpu.dma_semaphore, #tpu.memory_space<semaphore_mem>>
        %dma_start3A = arith.constant 9360 : i32
        %dma_start3A_29 = arith.constant 0 : i32
        %dma_start3A_30 = tpu.memref_slice %arg13[%dma_start3A, %dma_start3A_29] : memref<10000x32xf32, #tpu.memory_space<vmem_shared>> -> memref<640x32xf32, #tpu.memory_space<vmem_shared>>
        %dma_start3A_31 = arith.constant 9360 : i32
        %dma_start3A_32 = arith.constant 0 : i32
        %dma_start3A_33 = tpu.memref_slice %arg13[%dma_start3A_31, %dma_start3A_32] : memref<10000x32xf32, #tpu.memory_space<vmem_shared>> -> memref<640x32xf32, #tpu.memory_space<vmem_shared>>
        tpu.enqueue_dma source(%arg12 : memref<640x32xf32, #tpu.memory_space<vmem>>) target(%dma_start3A_33 : memref<640x32xf32, #tpu.memory_space<vmem_shared>>) target_semaphore(%run_scoped3A : memref<!tpu.dma_semaphore, #tpu.memory_space<semaphore_mem>>)
        %dma_wait3A = arith.constant 9360 : i32
        %dma_wait3A_34 = arith.constant 0 : i32
        %dma_wait3A_35 = tpu.memref_slice %arg13[%dma_wait3A, %dma_wait3A_34] : memref<10000x32xf32, #tpu.memory_space<vmem_shared>> -> memref<640x32xf32, #tpu.memory_space<vmem_shared>>
        %dma_wait3A_36 = arith.constant 9360 : i32
        %dma_wait3A_37 = arith.constant 0 : i32
        %dma_wait3A_38 = tpu.memref_slice %arg13[%dma_wait3A_36, %dma_wait3A_37] : memref<10000x32xf32, #tpu.memory_space<vmem_shared>> -> memref<640x32xf32, #tpu.memory_space<vmem_shared>>
        tpu.wait_dma2 semaphore(%run_scoped3A : memref<!tpu.dma_semaphore, #tpu.memory_space<semaphore_mem>>) src(%arg12 : memref<640x32xf32, #tpu.memory_space<vmem>>) dst(%dma_wait3A_38 : memref<640x32xf32, #tpu.memory_space<vmem_shared>>)
        tpu.yield
      }) : () -> ()
    } else {
    }
    %barrier3A = arith.constant 0 : index
    tpu.barrier barrier_id(%barrier3A)
    %scan3A_12 = arith.constant 0 : i32
    %scan3A_13 = arith.constant 0 : i32
    %scan3A_14 = arith.constant 125 : i32
    %scan3A_15 = arith.addi %scan3A_13, %scan3A_14 : i32
    %scan3A_16 = arith.constant 1 : i32
    scf.for %scan3A_29 = %scan3A_13 to %scan3A_15 step %scan3A_16  : i32 {
      %mul3A_30 = arith.constant 125 : i32
      %mul3A_31 = arith.muli %add3A, %mul3A_30 : i32
      %add3A_32 = arith.addi %mul3A_31, %scan3A_29 : i32
      "tpu.region"() ({
        %run_scoped3A = tpu.sem_alloc : memref<!tpu.dma_semaphore, #tpu.memory_space<semaphore_mem>>
        %dma_start3A_43 = arith.constant 0 : i32
        %dma_start3A_44 = tpu.memref_slice %arg3[%add3A_32, %dma_start3A_43] : memref<4000x80xi32, #tpu.memory_space<hbm>> -> memref<1x80xi32, #tpu.memory_space<hbm>>
        %dma_start3A_45 = tpu.memref_squeeze %dma_start3A_44 : memref<1x80xi32, #tpu.memory_space<hbm>> -> memref<80xi32, #tpu.memory_space<hbm>>
        %dma_start3A_46 = arith.constant 0 : i32
        %dma_start3A_47 = tpu.memref_slice %arg3[%add3A_32, %dma_start3A_46] : memref<4000x80xi32, #tpu.memory_space<hbm>> -> memref<1x80xi32, #tpu.memory_space<hbm>>
        %dma_start3A_48 = tpu.memref_squeeze %dma_start3A_47 : memref<1x80xi32, #tpu.memory_space<hbm>> -> memref<80xi32, #tpu.memory_space<hbm>>
        tpu.enqueue_dma source(%dma_start3A_48 : memref<80xi32, #tpu.memory_space<hbm>>) target(%arg7 : memref<80xi32, #tpu.memory_space<vmem>>) target_semaphore(%run_scoped3A : memref<!tpu.dma_semaphore, #tpu.memory_space<semaphore_mem>>)
        %dma_wait3A_49 = arith.constant 0 : i32
        %dma_wait3A_50 = tpu.memref_slice %arg3[%add3A_32, %dma_wait3A_49] : memref<4000x80xi32, #tpu.memory_space<hbm>> -> memref<1x80xi32, #tpu.memory_space<hbm>>
        %dma_wait3A_51 = tpu.memref_squeeze %dma_wait3A_50 : memref<1x80xi32, #tpu.memory_space<hbm>> -> memref<80xi32, #tpu.memory_space<hbm>>
        %dma_wait3A_52 = arith.constant 0 : i32
        %dma_wait3A_53 = tpu.memref_slice %arg3[%add3A_32, %dma_wait3A_52] : memref<4000x80xi32, #tpu.memory_space<hbm>> -> memref<1x80xi32, #tpu.memory_space<hbm>>
        %dma_wait3A_54 = tpu.memref_squeeze %dma_wait3A_53 : memref<1x80xi32, #tpu.memory_space<hbm>> -> memref<80xi32, #tpu.memory_space<hbm>>
        tpu.wait_dma2 semaphore(%run_scoped3A : memref<!tpu.dma_semaphore, #tpu.memory_space<semaphore_mem>>) src(%dma_wait3A_54 : memref<80xi32, #tpu.memory_space<hbm>>) dst(%arg7 : memref<80xi32, #tpu.memory_space<vmem>>)
        tpu.yield
      }) : () -> ()
      "tpu.region"() ({
        %run_scoped3A = tpu.sem_alloc : memref<!tpu.dma_semaphore, #tpu.memory_space<semaphore_mem>>
        %dma_start3A_43 = arith.constant 0 : i32
        %dma_start3A_44 = tpu.memref_slice %arg4[%add3A_32, %dma_start3A_43] : memref<4000x80xi32, #tpu.memory_space<hbm>> -> memref<1x80xi32, #tpu.memory_space<hbm>>
        %dma_start3A_45 = tpu.memref_squeeze %dma_start3A_44 : memref<1x80xi32, #tpu.memory_space<hbm>> -> memref<80xi32, #tpu.memory_space<hbm>>
        %dma_start3A_46 = arith.constant 0 : i32
        %dma_start3A_47 = tpu.memref_slice %arg4[%add3A_32, %dma_start3A_46] : memref<4000x80xi32, #tpu.memory_space<hbm>> -> memref<1x80xi32, #tpu.memory_space<hbm>>
        %dma_start3A_48 = tpu.memref_squeeze %dma_start3A_47 : memref<1x80xi32, #tpu.memory_space<hbm>> -> memref<80xi32, #tpu.memory_space<hbm>>
        tpu.enqueue_dma source(%dma_start3A_48 : memref<80xi32, #tpu.memory_space<hbm>>) target(%arg8 : memref<80xi32, #tpu.memory_space<vmem>>) target_semaphore(%run_scoped3A : memref<!tpu.dma_semaphore, #tpu.memory_space<semaphore_mem>>)
        %dma_wait3A_49 = arith.constant 0 : i32
        %dma_wait3A_50 = tpu.memref_slice %arg4[%add3A_32, %dma_wait3A_49] : memref<4000x80xi32, #tpu.memory_space<hbm>> -> memref<1x80xi32, #tpu.memory_space<hbm>>
        %dma_wait3A_51 = tpu.memref_squeeze %dma_wait3A_50 : memref<1x80xi32, #tpu.memory_space<hbm>> -> memref<80xi32, #tpu.memory_space<hbm>>
        %dma_wait3A_52 = arith.constant 0 : i32
        %dma_wait3A_53 = tpu.memref_slice %arg4[%add3A_32, %dma_wait3A_52] : memref<4000x80xi32, #tpu.memory_space<hbm>> -> memref<1x80xi32, #tpu.memory_space<hbm>>
        %dma_wait3A_54 = tpu.memref_squeeze %dma_wait3A_53 : memref<1x80xi32, #tpu.memory_space<hbm>> -> memref<80xi32, #tpu.memory_space<hbm>>
        tpu.wait_dma2 semaphore(%run_scoped3A : memref<!tpu.dma_semaphore, #tpu.memory_space<semaphore_mem>>) src(%dma_wait3A_54 : memref<80xi32, #tpu.memory_space<hbm>>) dst(%arg8 : memref<80xi32, #tpu.memory_space<vmem>>)
        tpu.yield
      }) : () -> ()
      "tpu.region"() ({
        %run_scoped3A = tpu.sem_alloc : memref<!tpu.dma_semaphore, #tpu.memory_space<semaphore_mem>>
        %dma_start3A_43 = arith.constant 0 : i32
        %dma_start3A_44 = arith.constant 0 : i32
        %dma_start3A_45 = tpu.memref_slice %arg5[%add3A_32, %dma_start3A_43, %dma_start3A_44] : memref<4000x80x16xf32, #tpu.memory_space<hbm>> -> memref<1x80x16xf32, #tpu.memory_space<hbm>>
        %dma_start3A_46 = tpu.memref_squeeze %dma_start3A_45 : memref<1x80x16xf32, #tpu.memory_space<hbm>> -> memref<80x16xf32, #tpu.memory_space<hbm>>
        %dma_start3A_47 = arith.constant 0 : i32
        %dma_start3A_48 = arith.constant 0 : i32
        %dma_start3A_49 = tpu.memref_slice %arg5[%add3A_32, %dma_start3A_47, %dma_start3A_48] : memref<4000x80x16xf32, #tpu.memory_space<hbm>> -> memref<1x80x16xf32, #tpu.memory_space<hbm>>
        %dma_start3A_50 = tpu.memref_squeeze %dma_start3A_49 : memref<1x80x16xf32, #tpu.memory_space<hbm>> -> memref<80x16xf32, #tpu.memory_space<hbm>>
        tpu.enqueue_dma source(%dma_start3A_50 : memref<80x16xf32, #tpu.memory_space<hbm>>) target(%arg9 : memref<80x16xf32, #tpu.memory_space<vmem>>) target_semaphore(%run_scoped3A : memref<!tpu.dma_semaphore, #tpu.memory_space<semaphore_mem>>)
        %dma_wait3A_51 = arith.constant 0 : i32
        %dma_wait3A_52 = arith.constant 0 : i32
        %dma_wait3A_53 = tpu.memref_slice %arg5[%add3A_32, %dma_wait3A_51, %dma_wait3A_52] : memref<4000x80x16xf32, #tpu.memory_space<hbm>> -> memref<1x80x16xf32, #tpu.memory_space<hbm>>
        %dma_wait3A_54 = tpu.memref_squeeze %dma_wait3A_53 : memref<1x80x16xf32, #tpu.memory_space<hbm>> -> memref<80x16xf32, #tpu.memory_space<hbm>>
        %dma_wait3A_55 = arith.constant 0 : i32
        %dma_wait3A_56 = arith.constant 0 : i32
        %dma_wait3A_57 = tpu.memref_slice %arg5[%add3A_32, %dma_wait3A_55, %dma_wait3A_56] : memref<4000x80x16xf32, #tpu.memory_space<hbm>> -> memref<1x80x16xf32, #tpu.memory_space<hbm>>
        %dma_wait3A_58 = tpu.memref_squeeze %dma_wait3A_57 : memref<1x80x16xf32, #tpu.memory_space<hbm>> -> memref<80x16xf32, #tpu.memory_space<hbm>>
        tpu.wait_dma2 semaphore(%run_scoped3A : memref<!tpu.dma_semaphore, #tpu.memory_space<semaphore_mem>>) src(%dma_wait3A_58 : memref<80x16xf32, #tpu.memory_space<hbm>>) dst(%arg9 : memref<80x16xf32, #tpu.memory_space<vmem>>)
        tpu.yield
      }) : () -> ()
      %dma_start3A = arith.constant 0 : i32
      %dma_start3A_33 = arith.constant 0 : i32
      %dma_start3A_34 = tpu.memref_slice %arg2[%dma_start3A, %dma_start3A_33] : memref<10000x512xf32, #tpu.memory_space<hbm>> -> memref<10000x512xf32, #tpu.memory_space<hbm>>
      tpu.enqueue_indirect_dma source(%dma_start3A_34 : memref<10000x512xf32, #tpu.memory_space<hbm>>) target(%arg10 : memref<80x512xf32, #tpu.memory_space<vmem>>) offsets(%arg7 : memref<80xi32, #tpu.memory_space<vmem>>) semaphore(%arg14 : memref<!tpu.dma_semaphore, #tpu.memory_space<semaphore_mem>>)
      %dma_wait3A = arith.constant 0 : i32
      %dma_wait3A_35 = arith.constant 0 : i32
      %dma_wait3A_36 = tpu.memref_slice %arg2[%dma_wait3A, %dma_wait3A_35] : memref<10000x512xf32, #tpu.memory_space<hbm>> -> memref<10000x512xf32, #tpu.memory_space<hbm>>
      tpu.wait_indirect_dma semaphore(%arg14 : memref<!tpu.dma_semaphore, #tpu.memory_space<semaphore_mem>>) src(%dma_wait3A_36 : memref<10000x512xf32, #tpu.memory_space<hbm>>) dst(%arg10 : memref<80x512xf32, #tpu.memory_space<vmem>>)
      %scan3A_37 = arith.constant 0 : i32
      %scan3A_38 = arith.constant 0 : i32
      %scan3A_39 = arith.constant 80 : i32
      %scan3A_40 = arith.addi %scan3A_38, %scan3A_39 : i32
      %scan3A_41 = arith.constant 1 : i32
      scf.for %scan3A_43 = %scan3A_38 to %scan3A_40 step %scan3A_41  : i32 {
        %get3A = arith.index_cast %scan3A_43 : i32 to index
        %get3A_44 = arith.constant 0 : index
        %get3A_45 = tpu.vector_load %arg9[%get3A, %get3A_44] {strides = array<i32>} : memref<80x16xf32, #tpu.memory_space<vmem>>, vector<1x16xf32>,
        %get3A_46 = vector.shape_cast %get3A_45 : vector<1x16xf32> to vector<16xf32>
        %broadcast_in_dim3A = arith.constant 0.000000e+00 : f32
        %broadcast_in_dim3A_47 = vector.broadcast %broadcast_in_dim3A : f32 to vector<16xf32>
        %broadcast_in_dim3A_48 = arith.constant 0.000000e+00 : f32
        %broadcast_in_dim3A_49 = vector.broadcast %broadcast_in_dim3A_48 : f32 to vector<16xf32>
        %slice3A = vector.extract_strided_slice %get3A_46 {offsets = [0], sizes = [1], strides = [1]} : vector<16xf32> to vector<1xf32>
        %squeeze3A = vector.extract %slice3A[0] : f32 from vector<1xf32>
        %get3A_50 = arith.index_cast %scan3A_43 : i32 to index
        %get3A_51 = arith.constant 0 : index
        %get3A_52 = tpu.vector_load %arg10[%get3A_50, %get3A_51] {strides = array<i32>} : memref<80x512xf32, #tpu.memory_space<vmem>>, vector<1x16xf32>,
        %get3A_53 = vector.shape_cast %get3A_52 : vector<1x16xf32> to vector<16xf32>
        %mul3A_54 = vector.broadcast %squeeze3A : f32 to vector<16xf32>
        %mul3A_55 = arith.mulf %mul3A_54, %get3A_53 : vector<16xf32>
        %add3A_56 = arith.addf %broadcast_in_dim3A_47, %mul3A_55 : vector<16xf32>
        %get3A_57 = arith.index_cast %scan3A_43 : i32 to index
        %get3A_58 = arith.constant 16 : index
        %get3A_59 = tpu.vector_load %arg10[%get3A_57, %get3A_58] {strides = array<i32>} : memref<80x512xf32, #tpu.memory_space<vmem>>, vector<1x16xf32>,
        %get3A_60 = vector.shape_cast %get3A_59 : vector<1x16xf32> to vector<16xf32>
        %mul3A_61 = vector.broadcast %squeeze3A : f32 to vector<16xf32>
        %mul3A_62 = arith.mulf %mul3A_61, %get3A_60 : vector<16xf32>
        %add3A_63 = arith.addf %broadcast_in_dim3A_49, %mul3A_62 : vector<16xf32>
        %slice3A_64 = vector.extract_strided_slice %get3A_46 {offsets = [1], sizes = [1], strides = [1]} : vector<16xf32> to vector<1xf32>
        %squeeze3A_65 = vector.extract %slice3A_64[0] : f32 from vector<1xf32>
        %get3A_66 = arith.index_cast %scan3A_43 : i32 to index
        %get3A_67 = arith.constant 32 : index
        %get3A_68 = tpu.vector_load %arg10[%get3A_66, %get3A_67] {strides = array<i32>} : memref<80x512xf32, #tpu.memory_space<vmem>>, vector<1x16xf32>,
        %get3A_69 = vector.shape_cast %get3A_68 : vector<1x16xf32> to vector<16xf32>
        %mul3A_70 = vector.broadcast %squeeze3A_65 : f32 to vector<16xf32>
        %mul3A_71 = arith.mulf %mul3A_70, %get3A_69 : vector<16xf32>
        %add3A_72 = arith.addf %add3A_56, %mul3A_71 : vector<16xf32>
        %get3A_73 = arith.index_cast %scan3A_43 : i32 to index
        %get3A_74 = arith.constant 48 : index
        %get3A_75 = tpu.vector_load %arg10[%get3A_73, %get3A_74] {strides = array<i32>} : memref<80x512xf32, #tpu.memory_space<vmem>>, vector<1x16xf32>,
        %get3A_76 = vector.shape_cast %get3A_75 : vector<1x16xf32> to vector<16xf32>
        %mul3A_77 = vector.broadcast %squeeze3A_65 : f32 to vector<16xf32>
        %mul3A_78 = arith.mulf %mul3A_77, %get3A_76 : vector<16xf32>
        %add3A_79 = arith.addf %add3A_63, %mul3A_78 : vector<16xf32>
        %slice3A_80 = vector.extract_strided_slice %get3A_46 {offsets = [2], sizes = [1], strides = [1]} : vector<16xf32> to vector<1xf32>
        %squeeze3A_81 = vector.extract %slice3A_80[0] : f32 from vector<1xf32>
        %get3A_82 = arith.index_cast %scan3A_43 : i32 to index
        %get3A_83 = arith.constant 64 : index
        %get3A_84 = tpu.vector_load %arg10[%get3A_82, %get3A_83] {strides = array<i32>} : memref<80x512xf32, #tpu.memory_space<vmem>>, vector<1x16xf32>,
        %get3A_85 = vector.shape_cast %get3A_84 : vector<1x16xf32> to vector<16xf32>
        %mul3A_86 = vector.broadcast %squeeze3A_81 : f32 to vector<16xf32>
        %mul3A_87 = arith.mulf %mul3A_86, %get3A_85 : vector<16xf32>
        %add3A_88 = arith.addf %add3A_72, %mul3A_87 : vector<16xf32>
        %get3A_89 = arith.index_cast %scan3A_43 : i32 to index
        %get3A_90 = arith.constant 80 : index
        %get3A_91 = tpu.vector_load %arg10[%get3A_89, %get3A_90] {strides = array<i32>} : memref<80x512xf32, #tpu.memory_space<vmem>>, vector<1x16xf32>,
        %get3A_92 = vector.shape_cast %get3A_91 : vector<1x16xf32> to vector<16xf32>
        %mul3A_93 = vector.broadcast %squeeze3A_81 : f32 to vector<16xf32>
        %mul3A_94 = arith.mulf %mul3A_93, %get3A_92 : vector<16xf32>
        %add3A_95 = arith.addf %add3A_79, %mul3A_94 : vector<16xf32>
        %slice3A_96 = vector.extract_strided_slice %get3A_46 {offsets = [3], sizes = [1], strides = [1]} : vector<16xf32> to vector<1xf32>
        %squeeze3A_97 = vector.extract %slice3A_96[0] : f32 from vector<1xf32>
        %get3A_98 = arith.index_cast %scan3A_43 : i32 to index
        %get3A_99 = arith.constant 96 : index
        %get3A_100 = tpu.vector_load %arg10[%get3A_98, %get3A_99] {strides = array<i32>} : memref<80x512xf32, #tpu.memory_space<vmem>>, vector<1x16xf32>,
        %get3A_101 = vector.shape_cast %get3A_100 : vector<1x16xf32> to vector<16xf32>
        %mul3A_102 = vector.broadcast %squeeze3A_97 : f32 to vector<16xf32>
        %mul3A_103 = arith.mulf %mul3A_102, %get3A_101 : vector<16xf32>
        %add3A_104 = arith.addf %add3A_88, %mul3A_103 : vector<16xf32>
        %get3A_105 = arith.index_cast %scan3A_43 : i32 to index
        %get3A_106 = arith.constant 112 : index
        %get3A_107 = tpu.vector_load %arg10[%get3A_105, %get3A_106] {strides = array<i32>} : memref<80x512xf32, #tpu.memory_space<vmem>>, vector<1x16xf32>,
        %get3A_108 = vector.shape_cast %get3A_107 : vector<1x16xf32> to vector<16xf32>
        %mul3A_109 = vector.broadcast %squeeze3A_97 : f32 to vector<16xf32>
        %mul3A_110 = arith.mulf %mul3A_109, %get3A_108 : vector<16xf32>
        %add3A_111 = arith.addf %add3A_95, %mul3A_110 : vector<16xf32>
        %slice3A_112 = vector.extract_strided_slice %get3A_46 {offsets = [4], sizes = [1], strides = [1]} : vector<16xf32> to vector<1xf32>
        %squeeze3A_113 = vector.extract %slice3A_112[0] : f32 from vector<1xf32>
        %get3A_114 = arith.index_cast %scan3A_43 : i32 to index
        %get3A_115 = arith.constant 128 : index
        %get3A_116 = tpu.vector_load %arg10[%get3A_114, %get3A_115] {strides = array<i32>} : memref<80x512xf32, #tpu.memory_space<vmem>>, vector<1x16xf32>,
        %get3A_117 = vector.shape_cast %get3A_116 : vector<1x16xf32> to vector<16xf32>
        %mul3A_118 = vector.broadcast %squeeze3A_113 : f32 to vector<16xf32>
        %mul3A_119 = arith.mulf %mul3A_118, %get3A_117 : vector<16xf32>
        %add3A_120 = arith.addf %add3A_104, %mul3A_119 : vector<16xf32>
        %get3A_121 = arith.index_cast %scan3A_43 : i32 to index
        %get3A_122 = arith.constant 144 : index
        %get3A_123 = tpu.vector_load %arg10[%get3A_121, %get3A_122] {strides = array<i32>} : memref<80x512xf32, #tpu.memory_space<vmem>>, vector<1x16xf32>,
        %get3A_124 = vector.shape_cast %get3A_123 : vector<1x16xf32> to vector<16xf32>
        %mul3A_125 = vector.broadcast %squeeze3A_113 : f32 to vector<16xf32>
        %mul3A_126 = arith.mulf %mul3A_125, %get3A_124 : vector<16xf32>
        %add3A_127 = arith.addf %add3A_111, %mul3A_126 : vector<16xf32>
        %slice3A_128 = vector.extract_strided_slice %get3A_46 {offsets = [5], sizes = [1], strides = [1]} : vector<16xf32> to vector<1xf32>
        %squeeze3A_129 = vector.extract %slice3A_128[0] : f32 from vector<1xf32>
        %get3A_130 = arith.index_cast %scan3A_43 : i32 to index
        %get3A_131 = arith.constant 160 : index
        %get3A_132 = tpu.vector_load %arg10[%get3A_130, %get3A_131] {strides = array<i32>} : memref<80x512xf32, #tpu.memory_space<vmem>>, vector<1x16xf32>,
        %get3A_133 = vector.shape_cast %get3A_132 : vector<1x16xf32> to vector<16xf32>
        %mul3A_134 = vector.broadcast %squeeze3A_129 : f32 to vector<16xf32>
        %mul3A_135 = arith.mulf %mul3A_134, %get3A_133 : vector<16xf32>
        %add3A_136 = arith.addf %add3A_120, %mul3A_135 : vector<16xf32>
        %get3A_137 = arith.index_cast %scan3A_43 : i32 to index
        %get3A_138 = arith.constant 176 : index
        %get3A_139 = tpu.vector_load %arg10[%get3A_137, %get3A_138] {strides = array<i32>} : memref<80x512xf32, #tpu.memory_space<vmem>>, vector<1x16xf32>,
        %get3A_140 = vector.shape_cast %get3A_139 : vector<1x16xf32> to vector<16xf32>
        %mul3A_141 = vector.broadcast %squeeze3A_129 : f32 to vector<16xf32>
        %mul3A_142 = arith.mulf %mul3A_141, %get3A_140 : vector<16xf32>
        %add3A_143 = arith.addf %add3A_127, %mul3A_142 : vector<16xf32>
        %slice3A_144 = vector.extract_strided_slice %get3A_46 {offsets = [6], sizes = [1], strides = [1]} : vector<16xf32> to vector<1xf32>
        %squeeze3A_145 = vector.extract %slice3A_144[0] : f32 from vector<1xf32>
        %get3A_146 = arith.index_cast %scan3A_43 : i32 to index
        %get3A_147 = arith.constant 192 : index
        %get3A_148 = tpu.vector_load %arg10[%get3A_146, %get3A_147] {strides = array<i32>} : memref<80x512xf32, #tpu.memory_space<vmem>>, vector<1x16xf32>,
        %get3A_149 = vector.shape_cast %get3A_148 : vector<1x16xf32> to vector<16xf32>
        %mul3A_150 = vector.broadcast %squeeze3A_145 : f32 to vector<16xf32>
        %mul3A_151 = arith.mulf %mul3A_150, %get3A_149 : vector<16xf32>
        %add3A_152 = arith.addf %add3A_136, %mul3A_151 : vector<16xf32>
        %get3A_153 = arith.index_cast %scan3A_43 : i32 to index
        %get3A_154 = arith.constant 208 : index
        %get3A_155 = tpu.vector_load %arg10[%get3A_153, %get3A_154] {strides = array<i32>} : memref<80x512xf32, #tpu.memory_space<vmem>>, vector<1x16xf32>,
        %get3A_156 = vector.shape_cast %get3A_155 : vector<1x16xf32> to vector<16xf32>
        %mul3A_157 = vector.broadcast %squeeze3A_145 : f32 to vector<16xf32>
        %mul3A_158 = arith.mulf %mul3A_157, %get3A_156 : vector<16xf32>
        %add3A_159 = arith.addf %add3A_143, %mul3A_158 : vector<16xf32>
        %slice3A_160 = vector.extract_strided_slice %get3A_46 {offsets = [7], sizes = [1], strides = [1]} : vector<16xf32> to vector<1xf32>
        %squeeze3A_161 = vector.extract %slice3A_160[0] : f32 from vector<1xf32>
        %get3A_162 = arith.index_cast %scan3A_43 : i32 to index
        %get3A_163 = arith.constant 224 : index
        %get3A_164 = tpu.vector_load %arg10[%get3A_162, %get3A_163] {strides = array<i32>} : memref<80x512xf32, #tpu.memory_space<vmem>>, vector<1x16xf32>,
        %get3A_165 = vector.shape_cast %get3A_164 : vector<1x16xf32> to vector<16xf32>
        %mul3A_166 = vector.broadcast %squeeze3A_161 : f32 to vector<16xf32>
        %mul3A_167 = arith.mulf %mul3A_166, %get3A_165 : vector<16xf32>
        %add3A_168 = arith.addf %add3A_152, %mul3A_167 : vector<16xf32>
        %get3A_169 = arith.index_cast %scan3A_43 : i32 to index
        %get3A_170 = arith.constant 240 : index
        %get3A_171 = tpu.vector_load %arg10[%get3A_169, %get3A_170] {strides = array<i32>} : memref<80x512xf32, #tpu.memory_space<vmem>>, vector<1x16xf32>,
        %get3A_172 = vector.shape_cast %get3A_171 : vector<1x16xf32> to vector<16xf32>
        %mul3A_173 = vector.broadcast %squeeze3A_161 : f32 to vector<16xf32>
        %mul3A_174 = arith.mulf %mul3A_173, %get3A_172 : vector<16xf32>
        %add3A_175 = arith.addf %add3A_159, %mul3A_174 : vector<16xf32>
        %slice3A_176 = vector.extract_strided_slice %get3A_46 {offsets = [8], sizes = [1], strides = [1]} : vector<16xf32> to vector<1xf32>
        %squeeze3A_177 = vector.extract %slice3A_176[0] : f32 from vector<1xf32>
        %get3A_178 = arith.index_cast %scan3A_43 : i32 to index
        %get3A_179 = arith.constant 256 : index
        %get3A_180 = tpu.vector_load %arg10[%get3A_178, %get3A_179] {strides = array<i32>} : memref<80x512xf32, #tpu.memory_space<vmem>>, vector<1x16xf32>,
        %get3A_181 = vector.shape_cast %get3A_180 : vector<1x16xf32> to vector<16xf32>
        %mul3A_182 = vector.broadcast %squeeze3A_177 : f32 to vector<16xf32>
        %mul3A_183 = arith.mulf %mul3A_182, %get3A_181 : vector<16xf32>
        %add3A_184 = arith.addf %add3A_168, %mul3A_183 : vector<16xf32>
        %get3A_185 = arith.index_cast %scan3A_43 : i32 to index
        %get3A_186 = arith.constant 272 : index
        %get3A_187 = tpu.vector_load %arg10[%get3A_185, %get3A_186] {strides = array<i32>} : memref<80x512xf32, #tpu.memory_space<vmem>>, vector<1x16xf32>,
        %get3A_188 = vector.shape_cast %get3A_187 : vector<1x16xf32> to vector<16xf32>
        %mul3A_189 = vector.broadcast %squeeze3A_177 : f32 to vector<16xf32>
        %mul3A_190 = arith.mulf %mul3A_189, %get3A_188 : vector<16xf32>
        %add3A_191 = arith.addf %add3A_175, %mul3A_190 : vector<16xf32>
        %slice3A_192 = vector.extract_strided_slice %get3A_46 {offsets = [9], sizes = [1], strides = [1]} : vector<16xf32> to vector<1xf32>
        %squeeze3A_193 = vector.extract %slice3A_192[0] : f32 from vector<1xf32>
        %get3A_194 = arith.index_cast %scan3A_43 : i32 to index
        %get3A_195 = arith.constant 288 : index
        %get3A_196 = tpu.vector_load %arg10[%get3A_194, %get3A_195] {strides = array<i32>} : memref<80x512xf32, #tpu.memory_space<vmem>>, vector<1x16xf32>,
        %get3A_197 = vector.shape_cast %get3A_196 : vector<1x16xf32> to vector<16xf32>
        %mul3A_198 = vector.broadcast %squeeze3A_193 : f32 to vector<16xf32>
        %mul3A_199 = arith.mulf %mul3A_198, %get3A_197 : vector<16xf32>
        %add3A_200 = arith.addf %add3A_184, %mul3A_199 : vector<16xf32>
        %get3A_201 = arith.index_cast %scan3A_43 : i32 to index
        %get3A_202 = arith.constant 304 : index
        %get3A_203 = tpu.vector_load %arg10[%get3A_201, %get3A_202] {strides = array<i32>} : memref<80x512xf32, #tpu.memory_space<vmem>>, vector<1x16xf32>,
        %get3A_204 = vector.shape_cast %get3A_203 : vector<1x16xf32> to vector<16xf32>
        %mul3A_205 = vector.broadcast %squeeze3A_193 : f32 to vector<16xf32>
        %mul3A_206 = arith.mulf %mul3A_205, %get3A_204 : vector<16xf32>
        %add3A_207 = arith.addf %add3A_191, %mul3A_206 : vector<16xf32>
        %slice3A_208 = vector.extract_strided_slice %get3A_46 {offsets = [10], sizes = [1], strides = [1]} : vector<16xf32> to vector<1xf32>
        %squeeze3A_209 = vector.extract %slice3A_208[0] : f32 from vector<1xf32>
        %get3A_210 = arith.index_cast %scan3A_43 : i32 to index
        %get3A_211 = arith.constant 320 : index
        %get3A_212 = tpu.vector_load %arg10[%get3A_210, %get3A_211] {strides = array<i32>} : memref<80x512xf32, #tpu.memory_space<vmem>>, vector<1x16xf32>,
        %get3A_213 = vector.shape_cast %get3A_212 : vector<1x16xf32> to vector<16xf32>
        %mul3A_214 = vector.broadcast %squeeze3A_209 : f32 to vector<16xf32>
        %mul3A_215 = arith.mulf %mul3A_214, %get3A_213 : vector<16xf32>
        %add3A_216 = arith.addf %add3A_200, %mul3A_215 : vector<16xf32>
        %get3A_217 = arith.index_cast %scan3A_43 : i32 to index
        %get3A_218 = arith.constant 336 : index
        %get3A_219 = tpu.vector_load %arg10[%get3A_217, %get3A_218] {strides = array<i32>} : memref<80x512xf32, #tpu.memory_space<vmem>>, vector<1x16xf32>,
        %get3A_220 = vector.shape_cast %get3A_219 : vector<1x16xf32> to vector<16xf32>
        %mul3A_221 = vector.broadcast %squeeze3A_209 : f32 to vector<16xf32>
        %mul3A_222 = arith.mulf %mul3A_221, %get3A_220 : vector<16xf32>
        %add3A_223 = arith.addf %add3A_207, %mul3A_222 : vector<16xf32>
        %slice3A_224 = vector.extract_strided_slice %get3A_46 {offsets = [11], sizes = [1], strides = [1]} : vector<16xf32> to vector<1xf32>
        %squeeze3A_225 = vector.extract %slice3A_224[0] : f32 from vector<1xf32>
        %get3A_226 = arith.index_cast %scan3A_43 : i32 to index
        %get3A_227 = arith.constant 352 : index
        %get3A_228 = tpu.vector_load %arg10[%get3A_226, %get3A_227] {strides = array<i32>} : memref<80x512xf32, #tpu.memory_space<vmem>>, vector<1x16xf32>,
        %get3A_229 = vector.shape_cast %get3A_228 : vector<1x16xf32> to vector<16xf32>
        %mul3A_230 = vector.broadcast %squeeze3A_225 : f32 to vector<16xf32>
        %mul3A_231 = arith.mulf %mul3A_230, %get3A_229 : vector<16xf32>
        %add3A_232 = arith.addf %add3A_216, %mul3A_231 : vector<16xf32>
        %get3A_233 = arith.index_cast %scan3A_43 : i32 to index
        %get3A_234 = arith.constant 368 : index
        %get3A_235 = tpu.vector_load %arg10[%get3A_233, %get3A_234] {strides = array<i32>} : memref<80x512xf32, #tpu.memory_space<vmem>>, vector<1x16xf32>,
        %get3A_236 = vector.shape_cast %get3A_235 : vector<1x16xf32> to vector<16xf32>
        %mul3A_237 = vector.broadcast %squeeze3A_225 : f32 to vector<16xf32>
        %mul3A_238 = arith.mulf %mul3A_237, %get3A_236 : vector<16xf32>
        %add3A_239 = arith.addf %add3A_223, %mul3A_238 : vector<16xf32>
        %slice3A_240 = vector.extract_strided_slice %get3A_46 {offsets = [12], sizes = [1], strides = [1]} : vector<16xf32> to vector<1xf32>
        %squeeze3A_241 = vector.extract %slice3A_240[0] : f32 from vector<1xf32>
        %get3A_242 = arith.index_cast %scan3A_43 : i32 to index
        %get3A_243 = arith.constant 384 : index
        %get3A_244 = tpu.vector_load %arg10[%get3A_242, %get3A_243] {strides = array<i32>} : memref<80x512xf32, #tpu.memory_space<vmem>>, vector<1x16xf32>,
        %get3A_245 = vector.shape_cast %get3A_244 : vector<1x16xf32> to vector<16xf32>
        %mul3A_246 = vector.broadcast %squeeze3A_241 : f32 to vector<16xf32>
        %mul3A_247 = arith.mulf %mul3A_246, %get3A_245 : vector<16xf32>
        %add3A_248 = arith.addf %add3A_232, %mul3A_247 : vector<16xf32>
        %get3A_249 = arith.index_cast %scan3A_43 : i32 to index
        %get3A_250 = arith.constant 400 : index
        %get3A_251 = tpu.vector_load %arg10[%get3A_249, %get3A_250] {strides = array<i32>} : memref<80x512xf32, #tpu.memory_space<vmem>>, vector<1x16xf32>,
        %get3A_252 = vector.shape_cast %get3A_251 : vector<1x16xf32> to vector<16xf32>
        %mul3A_253 = vector.broadcast %squeeze3A_241 : f32 to vector<16xf32>
        %mul3A_254 = arith.mulf %mul3A_253, %get3A_252 : vector<16xf32>
        %add3A_255 = arith.addf %add3A_239, %mul3A_254 : vector<16xf32>
        %slice3A_256 = vector.extract_strided_slice %get3A_46 {offsets = [13], sizes = [1], strides = [1]} : vector<16xf32> to vector<1xf32>
        %squeeze3A_257 = vector.extract %slice3A_256[0] : f32 from vector<1xf32>
        %get3A_258 = arith.index_cast %scan3A_43 : i32 to index
        %get3A_259 = arith.constant 416 : index
        %get3A_260 = tpu.vector_load %arg10[%get3A_258, %get3A_259] {strides = array<i32>} : memref<80x512xf32, #tpu.memory_space<vmem>>, vector<1x16xf32>,
        %get3A_261 = vector.shape_cast %get3A_260 : vector<1x16xf32> to vector<16xf32>
        %mul3A_262 = vector.broadcast %squeeze3A_257 : f32 to vector<16xf32>
        %mul3A_263 = arith.mulf %mul3A_262, %get3A_261 : vector<16xf32>
        %add3A_264 = arith.addf %add3A_248, %mul3A_263 : vector<16xf32>
        %get3A_265 = arith.index_cast %scan3A_43 : i32 to index
        %get3A_266 = arith.constant 432 : index
        %get3A_267 = tpu.vector_load %arg10[%get3A_265, %get3A_266] {strides = array<i32>} : memref<80x512xf32, #tpu.memory_space<vmem>>, vector<1x16xf32>,
        %get3A_268 = vector.shape_cast %get3A_267 : vector<1x16xf32> to vector<16xf32>
        %mul3A_269 = vector.broadcast %squeeze3A_257 : f32 to vector<16xf32>
        %mul3A_270 = arith.mulf %mul3A_269, %get3A_268 : vector<16xf32>
        %add3A_271 = arith.addf %add3A_255, %mul3A_270 : vector<16xf32>
        %slice3A_272 = vector.extract_strided_slice %get3A_46 {offsets = [14], sizes = [1], strides = [1]} : vector<16xf32> to vector<1xf32>
        %squeeze3A_273 = vector.extract %slice3A_272[0] : f32 from vector<1xf32>
        %get3A_274 = arith.index_cast %scan3A_43 : i32 to index
        %get3A_275 = arith.constant 448 : index
        %get3A_276 = tpu.vector_load %arg10[%get3A_274, %get3A_275] {strides = array<i32>} : memref<80x512xf32, #tpu.memory_space<vmem>>, vector<1x16xf32>,
        %get3A_277 = vector.shape_cast %get3A_276 : vector<1x16xf32> to vector<16xf32>
        %mul3A_278 = vector.broadcast %squeeze3A_273 : f32 to vector<16xf32>
        %mul3A_279 = arith.mulf %mul3A_278, %get3A_277 : vector<16xf32>
        %add3A_280 = arith.addf %add3A_264, %mul3A_279 : vector<16xf32>
        %get3A_281 = arith.index_cast %scan3A_43 : i32 to index
        %get3A_282 = arith.constant 464 : index
        %get3A_283 = tpu.vector_load %arg10[%get3A_281, %get3A_282] {strides = array<i32>} : memref<80x512xf32, #tpu.memory_space<vmem>>, vector<1x16xf32>,
        %get3A_284 = vector.shape_cast %get3A_283 : vector<1x16xf32> to vector<16xf32>
        %mul3A_285 = vector.broadcast %squeeze3A_273 : f32 to vector<16xf32>
        %mul3A_286 = arith.mulf %mul3A_285, %get3A_284 : vector<16xf32>
        %add3A_287 = arith.addf %add3A_271, %mul3A_286 : vector<16xf32>
        %slice3A_288 = vector.extract_strided_slice %get3A_46 {offsets = [15], sizes = [1], strides = [1]} : vector<16xf32> to vector<1xf32>
        %squeeze3A_289 = vector.extract %slice3A_288[0] : f32 from vector<1xf32>
        %get3A_290 = arith.index_cast %scan3A_43 : i32 to index
        %get3A_291 = arith.constant 480 : index
        %get3A_292 = tpu.vector_load %arg10[%get3A_290, %get3A_291] {strides = array<i32>} : memref<80x512xf32, #tpu.memory_space<vmem>>, vector<1x16xf32>,
        %get3A_293 = vector.shape_cast %get3A_292 : vector<1x16xf32> to vector<16xf32>
        %mul3A_294 = vector.broadcast %squeeze3A_289 : f32 to vector<16xf32>
        %mul3A_295 = arith.mulf %mul3A_294, %get3A_293 : vector<16xf32>
        %add3A_296 = arith.addf %add3A_280, %mul3A_295 : vector<16xf32>
        %get3A_297 = arith.index_cast %scan3A_43 : i32 to index
        %get3A_298 = arith.constant 496 : index
        %get3A_299 = tpu.vector_load %arg10[%get3A_297, %get3A_298] {strides = array<i32>} : memref<80x512xf32, #tpu.memory_space<vmem>>, vector<1x16xf32>,
        %get3A_300 = vector.shape_cast %get3A_299 : vector<1x16xf32> to vector<16xf32>
        %mul3A_301 = vector.broadcast %squeeze3A_289 : f32 to vector<16xf32>
        %mul3A_302 = arith.mulf %mul3A_301, %get3A_300 : vector<16xf32>
        %add3A_303 = arith.addf %add3A_287, %mul3A_302 : vector<16xf32>
        %swap3A = arith.index_cast %scan3A_43 : i32 to index
        %swap3A_304 = arith.constant 0 : index
        %swap3A_305 = tpu.vector_load %arg11[%swap3A, %swap3A_304] {strides = array<i32>} : memref<80x32xf32, #tpu.memory_space<vmem>>, vector<1x16xf32>,
        %swap3A_306 = vector.shape_cast %swap3A_305 : vector<1x16xf32> to vector<16xf32>
        %swap3A_307 = vector.shape_cast %add3A_296 : vector<16xf32> to vector<1x16xf32>
        tpu.vector_store %arg11[%swap3A, %swap3A_304], %swap3A_307 {strides = array<i32>} : memref<80x32xf32, #tpu.memory_space<vmem>>, vector<1x16xf32>,
        %swap3A_308 = arith.index_cast %scan3A_43 : i32 to index
        %swap3A_309 = arith.constant 16 : index
        %swap3A_310 = tpu.vector_load %arg11[%swap3A_308, %swap3A_309] {strides = array<i32>} : memref<80x32xf32, #tpu.memory_space<vmem>>, vector<1x16xf32>,
        %swap3A_311 = vector.shape_cast %swap3A_310 : vector<1x16xf32> to vector<16xf32>
        %swap3A_312 = vector.shape_cast %add3A_303 : vector<16xf32> to vector<1x16xf32>
        tpu.vector_store %arg11[%swap3A_308, %swap3A_309], %swap3A_312 {strides = array<i32>} : memref<80x32xf32, #tpu.memory_space<vmem>>, vector<1x16xf32>,
      }
      %scan3A_42 = arith.constant 80 : i32
      "tpu.region"() ({
        %run_scoped3A = tpu.sem_alloc : memref<!tpu.dma_semaphore, #tpu.memory_space<semaphore_mem>>
        %dma_start3A_43 = arith.constant 0 : i32
        %dma_start3A_44 = arith.constant 0 : i32
        %dma_start3A_45 = tpu.memref_slice %arg13[%dma_start3A_43, %dma_start3A_44] : memref<10000x32xf32, #tpu.memory_space<vmem_shared>> -> memref<10000x32xf32, #tpu.memory_space<vmem_shared>>
        tpu.enqueue_indirect_dma source(%arg11 : memref<80x32xf32, #tpu.memory_space<vmem>>) target(%dma_start3A_45 : memref<10000x32xf32, #tpu.memory_space<vmem_shared>>) offsets(%arg8 : memref<80xi32, #tpu.memory_space<vmem>>) semaphore(%run_scoped3A : memref<!tpu.dma_semaphore, #tpu.memory_space<semaphore_mem>>) {add = true}
        %dma_wait3A_46 = arith.constant 0 : i32
        %dma_wait3A_47 = arith.constant 0 : i32
        %dma_wait3A_48 = tpu.memref_slice %arg13[%dma_wait3A_46, %dma_wait3A_47] : memref<10000x32xf32, #tpu.memory_space<vmem_shared>> -> memref<10000x32xf32, #tpu.memory_space<vmem_shared>>
        tpu.wait_indirect_dma semaphore(%run_scoped3A : memref<!tpu.dma_semaphore, #tpu.memory_space<semaphore_mem>>) src(%arg11 : memref<80x32xf32, #tpu.memory_space<vmem>>) dst(%dma_wait3A_48 : memref<10000x32xf32, #tpu.memory_space<vmem_shared>>)
        tpu.yield
      }) : () -> ()
    }
    %scan3A_17 = arith.constant 125 : i32
    %barrier3A_18 = arith.constant 0 : index
    tpu.barrier barrier_id(%barrier3A_18)
    %lt3A_19 = arith.constant 15 : i32
    %lt3A_20 = arith.cmpi slt, %arg1, %lt3A_19 : i32
    %convert_element_type3A_21 = arith.extui %lt3A_20 : i1 to i32
    %cond3A_22 = arith.constant 0 : i32
    %cond3A_23 = arith.cmpi ne, %convert_element_type3A_21, %cond3A_22 : i32
    scf.if %cond3A_23 {
      %mul3A_29 = arith.constant 624 : i32
      %mul3A_30 = arith.muli %arg1, %mul3A_29 : i32
      "tpu.region"() ({
        %run_scoped3A = tpu.sem_alloc : memref<!tpu.dma_semaphore, #tpu.memory_space<semaphore_mem>>
        %dma_start3A = arith.constant 0 : i32
        %dma_start3A_33 = arith.constant 0 : i32
        %dma_start3A_34 = tpu.memref_slice %arg12[%dma_start3A, %dma_start3A_33] : memref<640x32xf32, #tpu.memory_space<vmem>> -> memref<624x32xf32, #tpu.memory_space<vmem>>
        %dma_start3A_35 = arith.constant 0 : i32
        %dma_start3A_36 = tpu.memref_slice %arg13[%mul3A_30, %dma_start3A_35] : memref<10000x32xf32, #tpu.memory_space<vmem_shared>> -> memref<624x32xf32, #tpu.memory_space<vmem_shared>>
        %dma_start3A_37 = arith.constant 0 : i32
        %dma_start3A_38 = arith.constant 0 : i32
        %dma_start3A_39 = tpu.memref_slice %arg12[%dma_start3A_37, %dma_start3A_38] : memref<640x32xf32, #tpu.memory_space<vmem>> -> memref<624x32xf32, #tpu.memory_space<vmem>>
        %dma_start3A_40 = arith.constant 0 : i32
        %dma_start3A_41 = tpu.memref_slice %arg13[%mul3A_30, %dma_start3A_40] : memref<10000x32xf32, #tpu.memory_space<vmem_shared>> -> memref<624x32xf32, #tpu.memory_space<vmem_shared>>
        tpu.enqueue_dma source(%dma_start3A_41 : memref<624x32xf32, #tpu.memory_space<vmem_shared>>) target(%dma_start3A_39 : memref<624x32xf32, #tpu.memory_space<vmem>>) target_semaphore(%run_scoped3A : memref<!tpu.dma_semaphore, #tpu.memory_space<semaphore_mem>>)
        %dma_wait3A = arith.constant 0 : i32
        %dma_wait3A_42 = arith.constant 0 : i32
        %dma_wait3A_43 = tpu.memref_slice %arg12[%dma_wait3A, %dma_wait3A_42] : memref<640x32xf32, #tpu.memory_space<vmem>> -> memref<624x32xf32, #tpu.memory_space<vmem>>
        %dma_wait3A_44 = arith.constant 0 : i32
        %dma_wait3A_45 = tpu.memref_slice %arg13[%mul3A_30, %dma_wait3A_44] : memref<10000x32xf32, #tpu.memory_space<vmem_shared>> -> memref<624x32xf32, #tpu.memory_space<vmem_shared>>
        %dma_wait3A_46 = arith.constant 0 : i32
        %dma_wait3A_47 = arith.constant 0 : i32
        %dma_wait3A_48 = tpu.memref_slice %arg12[%dma_wait3A_46, %dma_wait3A_47] : memref<640x32xf32, #tpu.memory_space<vmem>> -> memref<624x32xf32, #tpu.memory_space<vmem>>
        %dma_wait3A_49 = arith.constant 0 : i32
        %dma_wait3A_50 = tpu.memref_slice %arg13[%mul3A_30, %dma_wait3A_49] : memref<10000x32xf32, #tpu.memory_space<vmem_shared>> -> memref<624x32xf32, #tpu.memory_space<vmem_shared>>
        tpu.wait_dma2 semaphore(%run_scoped3A : memref<!tpu.dma_semaphore, #tpu.memory_space<semaphore_mem>>) src(%dma_wait3A_50 : memref<624x32xf32, #tpu.memory_space<vmem_shared>>) dst(%dma_wait3A_48 : memref<624x32xf32, #tpu.memory_space<vmem>>)
        tpu.yield
      }) : () -> ()
      %mul3A_31 = arith.constant 624 : i32
      %mul3A_32 = arith.muli %arg1, %mul3A_31 : i32
      "tpu.region"() ({
        %run_scoped3A = tpu.sem_alloc : memref<!tpu.dma_semaphore, #tpu.memory_space<semaphore_mem>>
        %dma_start3A = arith.constant 0 : i32
        %dma_start3A_33 = arith.constant 0 : i32
        %dma_start3A_34 = tpu.memref_slice %arg12[%dma_start3A, %dma_start3A_33] : memref<640x32xf32, #tpu.memory_space<vmem>> -> memref<624x32xf32, #tpu.memory_space<vmem>>
        %dma_start3A_35 = arith.constant 0 : i32
        %dma_start3A_36 = tpu.memref_slice %arg6[%arg0, %mul3A_32, %dma_start3A_35] : memref<2x10000x32xf32, #tpu.memory_space<hbm>> -> memref<1x624x32xf32, #tpu.memory_space<hbm>>
        %dma_start3A_37 = tpu.memref_squeeze %dma_start3A_36 : memref<1x624x32xf32, #tpu.memory_space<hbm>> -> memref<624x32xf32, #tpu.memory_space<hbm>>
        %dma_start3A_38 = arith.constant 0 : i32
        %dma_start3A_39 = tpu.memref_slice %arg6[%arg0, %mul3A_32, %dma_start3A_38] : memref<2x10000x32xf32, #tpu.memory_space<hbm>> -> memref<1x624x32xf32, #tpu.memory_space<hbm>>
        %dma_start3A_40 = tpu.memref_squeeze %dma_start3A_39 : memref<1x624x32xf32, #tpu.memory_space<hbm>> -> memref<624x32xf32, #tpu.memory_space<hbm>>
        %dma_start3A_41 = arith.constant 0 : i32
        %dma_start3A_42 = arith.constant 0 : i32
        %dma_start3A_43 = tpu.memref_slice %arg12[%dma_start3A_41, %dma_start3A_42] : memref<640x32xf32, #tpu.memory_space<vmem>> -> memref<624x32xf32, #tpu.memory_space<vmem>>
        tpu.enqueue_dma source(%dma_start3A_43 : memref<624x32xf32, #tpu.memory_space<vmem>>) target(%dma_start3A_40 : memref<624x32xf32, #tpu.memory_space<hbm>>) target_semaphore(%run_scoped3A : memref<!tpu.dma_semaphore, #tpu.memory_space<semaphore_mem>>)
        %dma_wait3A = arith.constant 0 : i32
        %dma_wait3A_44 = arith.constant 0 : i32
        %dma_wait3A_45 = tpu.memref_slice %arg12[%dma_wait3A, %dma_wait3A_44] : memref<640x32xf32, #tpu.memory_space<vmem>> -> memref<624x32xf32, #tpu.memory_space<vmem>>
        %dma_wait3A_46 = arith.constant 0 : i32
        %dma_wait3A_47 = tpu.memref_slice %arg6[%arg0, %mul3A_32, %dma_wait3A_46] : memref<2x10000x32xf32, #tpu.memory_space<hbm>> -> memref<1x624x32xf32, #tpu.memory_space<hbm>>
        %dma_wait3A_48 = tpu.memref_squeeze %dma_wait3A_47 : memref<1x624x32xf32, #tpu.memory_space<hbm>> -> memref<624x32xf32, #tpu.memory_space<hbm>>
        %dma_wait3A_49 = arith.constant 0 : i32
        %dma_wait3A_50 = tpu.memref_slice %arg6[%arg0, %mul3A_32, %dma_wait3A_49] : memref<2x10000x32xf32, #tpu.memory_space<hbm>> -> memref<1x624x32xf32, #tpu.memory_space<hbm>>
        %dma_wait3A_51 = tpu.memref_squeeze %dma_wait3A_50 : memref<1x624x32xf32, #tpu.memory_space<hbm>> -> memref<624x32xf32, #tpu.memory_space<hbm>>
        %dma_wait3A_52 = arith.constant 0 : i32
        %dma_wait3A_53 = arith.constant 0 : i32
        %dma_wait3A_54 = tpu.memref_slice %arg12[%dma_wait3A_52, %dma_wait3A_53] : memref<640x32xf32, #tpu.memory_space<vmem>> -> memref<624x32xf32, #tpu.memory_space<vmem>>
        tpu.wait_dma2 semaphore(%run_scoped3A : memref<!tpu.dma_semaphore, #tpu.memory_space<semaphore_mem>>) src(%dma_wait3A_54 : memref<624x32xf32, #tpu.memory_space<vmem>>) dst(%dma_wait3A_51 : memref<624x32xf32, #tpu.memory_space<hbm>>)
        tpu.yield
      }) : () -> ()
    } else {
    }
    %eq3A_24 = arith.constant 15 : i32
    %eq3A_25 = arith.cmpi eq, %arg1, %eq3A_24 : i32
    %convert_element_type3A_26 = arith.extui %eq3A_25 : i1 to i32
    %cond3A_27 = arith.constant 0 : i32
    %cond3A_28 = arith.cmpi ne, %convert_element_type3A_26, %cond3A_27 : i32
    scf.if %cond3A_28 {
      "tpu.region"() ({
        %run_scoped3A = tpu.sem_alloc : memref<!tpu.dma_semaphore, #tpu.memory_space<semaphore_mem>>
        %dma_start3A = arith.constant 9360 : i32
        %dma_start3A_29 = arith.constant 0 : i32
        %dma_start3A_30 = tpu.memref_slice %arg13[%dma_start3A, %dma_start3A_29] : memref<10000x32xf32, #tpu.memory_space<vmem_shared>> -> memref<640x32xf32, #tpu.memory_space<vmem_shared>>
        %dma_start3A_31 = arith.constant 9360 : i32
        %dma_start3A_32 = arith.constant 0 : i32
        %dma_start3A_33 = tpu.memref_slice %arg13[%dma_start3A_31, %dma_start3A_32] : memref<10000x32xf32, #tpu.memory_space<vmem_shared>> -> memref<640x32xf32, #tpu.memory_space<vmem_shared>>
        tpu.enqueue_dma source(%dma_start3A_33 : memref<640x32xf32, #tpu.memory_space<vmem_shared>>) target(%arg12 : memref<640x32xf32, #tpu.memory_space<vmem>>) target_semaphore(%run_scoped3A : memref<!tpu.dma_semaphore, #tpu.memory_space<semaphore_mem>>)
        %dma_wait3A = arith.constant 9360 : i32
        %dma_wait3A_34 = arith.constant 0 : i32
        %dma_wait3A_35 = tpu.memref_slice %arg13[%dma_wait3A, %dma_wait3A_34] : memref<10000x32xf32, #tpu.memory_space<vmem_shared>> -> memref<640x32xf32, #tpu.memory_space<vmem_shared>>
        %dma_wait3A_36 = arith.constant 9360 : i32
        %dma_wait3A_37 = arith.constant 0 : i32
        %dma_wait3A_38 = tpu.memref_slice %arg13[%dma_wait3A_36, %dma_wait3A_37] : memref<10000x32xf32, #tpu.memory_space<vmem_shared>> -> memref<640x32xf32, #tpu.memory_space<vmem_shared>>
        tpu.wait_dma2 semaphore(%run_scoped3A : memref<!tpu.dma_semaphore, #tpu.memory_space<semaphore_mem>>) src(%dma_wait3A_38 : memref<640x32xf32, #tpu.memory_space<vmem_shared>>) dst(%arg12 : memref<640x32xf32, #tpu.memory_space<vmem>>)
        tpu.yield
      }) : () -> ()
      "tpu.region"() ({
        %run_scoped3A = tpu.sem_alloc : memref<!tpu.dma_semaphore, #tpu.memory_space<semaphore_mem>>
        %dma_start3A = arith.constant 9360 : i32
        %dma_start3A_29 = arith.constant 0 : i32
        %dma_start3A_30 = tpu.memref_slice %arg6[%arg0, %dma_start3A, %dma_start3A_29] : memref<2x10000x32xf32, #tpu.memory_space<hbm>> -> memref<1x640x32xf32, #tpu.memory_space<hbm>>
        %dma_start3A_31 = tpu.memref_squeeze %dma_start3A_30 : memref<1x640x32xf32, #tpu.memory_space<hbm>> -> memref<640x32xf32, #tpu.memory_space<hbm>>
        %dma_start3A_32 = arith.constant 9360 : i32
        %dma_start3A_33 = arith.constant 0 : i32
        %dma_start3A_34 = tpu.memref_slice %arg6[%arg0, %dma_start3A_32, %dma_start3A_33] : memref<2x10000x32xf32, #tpu.memory_space<hbm>> -> memref<1x640x32xf32, #tpu.memory_space<hbm>>
        %dma_start3A_35 = tpu.memref_squeeze %dma_start3A_34 : memref<1x640x32xf32, #tpu.memory_space<hbm>> -> memref<640x32xf32, #tpu.memory_space<hbm>>
        tpu.enqueue_dma source(%arg12 : memref<640x32xf32, #tpu.memory_space<vmem>>) target(%dma_start3A_35 : memref<640x32xf32, #tpu.memory_space<hbm>>) target_semaphore(%run_scoped3A : memref<!tpu.dma_semaphore, #tpu.memory_space<semaphore_mem>>)
        %dma_wait3A = arith.constant 9360 : i32
        %dma_wait3A_36 = arith.constant 0 : i32
        %dma_wait3A_37 = tpu.memref_slice %arg6[%arg0, %dma_wait3A, %dma_wait3A_36] : memref<2x10000x32xf32, #tpu.memory_space<hbm>> -> memref<1x640x32xf32, #tpu.memory_space<hbm>>
        %dma_wait3A_38 = tpu.memref_squeeze %dma_wait3A_37 : memref<1x640x32xf32, #tpu.memory_space<hbm>> -> memref<640x32xf32, #tpu.memory_space<hbm>>
        %dma_wait3A_39 = arith.constant 9360 : i32
        %dma_wait3A_40 = arith.constant 0 : i32
        %dma_wait3A_41 = tpu.memref_slice %arg6[%arg0, %dma_wait3A_39, %dma_wait3A_40] : memref<2x10000x32xf32, #tpu.memory_space<hbm>> -> memref<1x640x32xf32, #tpu.memory_space<hbm>>
        %dma_wait3A_42 = tpu.memref_squeeze %dma_wait3A_41 : memref<1x640x32xf32, #tpu.memory_space<hbm>> -> memref<640x32xf32, #tpu.memory_space<hbm>>
        tpu.wait_dma2 semaphore(%run_scoped3A : memref<!tpu.dma_semaphore, #tpu.memory_space<semaphore_mem>>) src(%arg12 : memref<640x32xf32, #tpu.memory_space<vmem>>) dst(%dma_wait3A_42 : memref<640x32xf32, #tpu.memory_space<hbm>>)
        tpu.yield
      }) : () -> ()
    } else {
    }
    return
  }
}

module attributes {stable_mosaic.version = 14 : i64} {
  func.func @_edge_mlp_body(%arg0: i32, %arg1: memref<4000x16xf32, #tpu.memory_space<vmem>>, %arg2: memref<16x32xf32, #tpu.memory_space<vmem>>, %arg3: memref<16x32xf32, #tpu.memory_space<vmem>>, %arg4: memref<64x16xf32, #tpu.memory_space<vmem>>, %arg5: memref<16x32xf32, #tpu.memory_space<vmem>>, %arg6: memref<16x32xf32, #tpu.memory_space<vmem>>, %arg7: memref<64x16xf32, #tpu.memory_space<vmem>>, %arg8: memref<16x32xf32, #tpu.memory_space<vmem>>, %arg9: memref<16x32xf32, #tpu.memory_space<vmem>>, %arg10: memref<64x16xf32, #tpu.memory_space<vmem>>, %arg11: memref<4000x16xf32, #tpu.memory_space<vmem>>, %arg12: memref<4000x16xf32, #tpu.memory_space<vmem>>, %arg13: memref<4000x16xf32, #tpu.memory_space<vmem>>) attributes {dimension_semantics = [#tpu.dimension_semantics<arbitrary>], iteration_bounds = array<i64: 80>, scalar_prefetch = 0 : i64, scratch_operands = 0 : i64, tpu.core_type = #tpu.core_type<tc>, window_params = [{transform_indices = @transform_0, window_bounds = array<i64: 4000, 16>}, {pipeline_mode = #tpu.pipeline_mode<synchronous>, transform_indices = @transform_1, window_bounds = array<i64: 16, 32>}, {pipeline_mode = #tpu.pipeline_mode<synchronous>, transform_indices = @transform_2, window_bounds = array<i64: 16, 32>}, {pipeline_mode = #tpu.pipeline_mode<synchronous>, transform_indices = @transform_3, window_bounds = array<i64: 64, 16>}, {pipeline_mode = #tpu.pipeline_mode<synchronous>, transform_indices = @transform_4, window_bounds = array<i64: 16, 32>}, {pipeline_mode = #tpu.pipeline_mode<synchronous>, transform_indices = @transform_5, window_bounds = array<i64: 16, 32>}, {pipeline_mode = #tpu.pipeline_mode<synchronous>, transform_indices = @transform_6, window_bounds = array<i64: 64, 16>}, {pipeline_mode = #tpu.pipeline_mode<synchronous>, transform_indices = @transform_7, window_bounds = array<i64: 16, 32>}, {pipeline_mode = #tpu.pipeline_mode<synchronous>, transform_indices = @transform_8, window_bounds = array<i64: 16, 32>}, {pipeline_mode = #tpu.pipeline_mode<synchronous>, transform_indices = @transform_9, window_bounds = array<i64: 64, 16>}, {transform_indices = @transform_10, window_bounds = array<i64: 4000, 16>}, {transform_indices = @transform_11, window_bounds = array<i64: 4000, 16>}, {transform_indices = @transform_12, window_bounds = array<i64: 4000, 16>}]} {
    %get3A = arith.constant 0 : index
    %get3A_0 = arith.constant 0 : index
    %get3A_1 = vector.load %arg1[%get3A, %get3A_0] : memref<4000x16xf32, #tpu.memory_space<vmem>>, vector<4000x16xf32>
    %abs3A = math.absf %get3A_1 : vector<4000x16xf32>
    %get3A_2 = arith.constant 0 : index
    %get3A_3 = arith.constant 0 : index
    %get3A_4 = vector.load %arg2[%get3A_2, %get3A_3] : memref<16x32xf32, #tpu.memory_space<vmem>>, vector<16x32xf32>
    %dot_general3A = arith.constant dense<0.000000e+00> : vector<4000x32xf32>
    %dot_general3A_5 = tpu.matmul %get3A_1, %get3A_4, %dot_general3A {dimension_numbers = #tpu.dot_dimension_numbers<[1], [0], [0], [1], [0, 0, 1, 1], [], []>, transpose_lhs_hint = false} : vector<4000x16xf32>, vector<16x32xf32>, vector<4000x32xf32> -> vector<4000x32xf32>
    %max3A = arith.constant 0.000000e+00 : f32
    %max3A_6 = vector.broadcast %max3A : f32 to vector<4000x32xf32>
    %max3A_7 = arith.maximumf %dot_general3A_5, %max3A_6 : vector<4000x32xf32>
    %get3A_8 = arith.constant 0 : index
    %get3A_9 = arith.constant 0 : index
    %get3A_10 = vector.load %arg3[%get3A_8, %get3A_9] : memref<16x32xf32, #tpu.memory_space<vmem>>, vector<16x32xf32>
    %dot_general3A_11 = arith.constant dense<0.000000e+00> : vector<4000x32xf32>
    %dot_general3A_12 = tpu.matmul %abs3A, %get3A_10, %dot_general3A_11 {dimension_numbers = #tpu.dot_dimension_numbers<[1], [0], [0], [1], [0, 0, 1, 1], [], []>, transpose_lhs_hint = false} : vector<4000x16xf32>, vector<16x32xf32>, vector<4000x32xf32> -> vector<4000x32xf32>
    %mul3A = arith.mulf %dot_general3A_12, %dot_general3A_12 : vector<4000x32xf32>
    %concatenate3A = tpu.concatenate %max3A_7, %mul3A in 1 : vector<4000x32xf32>, vector<4000x32xf32> -> vector<4000x64xf32>
    %get3A_13 = arith.constant 0 : index
    %get3A_14 = arith.constant 0 : index
    %get3A_15 = vector.load %arg4[%get3A_13, %get3A_14] : memref<64x16xf32, #tpu.memory_space<vmem>>, vector<64x16xf32>
    %dot_general3A_16 = arith.constant dense<0.000000e+00> : vector<4000x16xf32>
    %dot_general3A_17 = tpu.matmul %concatenate3A, %get3A_15, %dot_general3A_16 {dimension_numbers = #tpu.dot_dimension_numbers<[1], [0], [0], [1], [0, 0, 1, 1], [], []>, transpose_lhs_hint = false} : vector<4000x64xf32>, vector<64x16xf32>, vector<4000x16xf32> -> vector<4000x16xf32>
    %max3A_18 = arith.constant 0.000000e+00 : f32
    %max3A_19 = vector.broadcast %max3A_18 : f32 to vector<4000x16xf32>
    %max3A_20 = arith.maximumf %dot_general3A_17, %max3A_19 : vector<4000x16xf32>
    %swap3A = arith.constant 0 : index
    %swap3A_21 = arith.constant 0 : index
    %swap3A_22 = vector.load %arg11[%swap3A, %swap3A_21] : memref<4000x16xf32, #tpu.memory_space<vmem>>, vector<4000x16xf32>
    tpu.vector_store %arg11[%swap3A, %swap3A_21], %max3A_20 {strides = array<i32>} : memref<4000x16xf32, #tpu.memory_space<vmem>>, vector<4000x16xf32>,
    %get3A_23 = arith.constant 0 : index
    %get3A_24 = arith.constant 0 : index
    %get3A_25 = vector.load %arg5[%get3A_23, %get3A_24] : memref<16x32xf32, #tpu.memory_space<vmem>>, vector<16x32xf32>
    %dot_general3A_26 = arith.constant dense<0.000000e+00> : vector<4000x32xf32>
    %dot_general3A_27 = tpu.matmul %get3A_1, %get3A_25, %dot_general3A_26 {dimension_numbers = #tpu.dot_dimension_numbers<[1], [0], [0], [1], [0, 0, 1, 1], [], []>, transpose_lhs_hint = false} : vector<4000x16xf32>, vector<16x32xf32>, vector<4000x32xf32> -> vector<4000x32xf32>
    %max3A_28 = arith.constant 0.000000e+00 : f32
    %max3A_29 = vector.broadcast %max3A_28 : f32 to vector<4000x32xf32>
    %max3A_30 = arith.maximumf %dot_general3A_27, %max3A_29 : vector<4000x32xf32>
    %get3A_31 = arith.constant 0 : index
    %get3A_32 = arith.constant 0 : index
    %get3A_33 = vector.load %arg6[%get3A_31, %get3A_32] : memref<16x32xf32, #tpu.memory_space<vmem>>, vector<16x32xf32>
    %dot_general3A_34 = arith.constant dense<0.000000e+00> : vector<4000x32xf32>
    %dot_general3A_35 = tpu.matmul %abs3A, %get3A_33, %dot_general3A_34 {dimension_numbers = #tpu.dot_dimension_numbers<[1], [0], [0], [1], [0, 0, 1, 1], [], []>, transpose_lhs_hint = false} : vector<4000x16xf32>, vector<16x32xf32>, vector<4000x32xf32> -> vector<4000x32xf32>
    %mul3A_36 = arith.mulf %dot_general3A_35, %dot_general3A_35 : vector<4000x32xf32>
    %concatenate3A_37 = tpu.concatenate %max3A_30, %mul3A_36 in 1 : vector<4000x32xf32>, vector<4000x32xf32> -> vector<4000x64xf32>
    %get3A_38 = arith.constant 0 : index
    %get3A_39 = arith.constant 0 : index
    %get3A_40 = vector.load %arg7[%get3A_38, %get3A_39] : memref<64x16xf32, #tpu.memory_space<vmem>>, vector<64x16xf32>
    %dot_general3A_41 = arith.constant dense<0.000000e+00> : vector<4000x16xf32>
    %dot_general3A_42 = tpu.matmul %concatenate3A_37, %get3A_40, %dot_general3A_41 {dimension_numbers = #tpu.dot_dimension_numbers<[1], [0], [0], [1], [0, 0, 1, 1], [], []>, transpose_lhs_hint = false} : vector<4000x64xf32>, vector<64x16xf32>, vector<4000x16xf32> -> vector<4000x16xf32>
    %max3A_43 = arith.constant 0.000000e+00 : f32
    %max3A_44 = vector.broadcast %max3A_43 : f32 to vector<4000x16xf32>
    %max3A_45 = arith.maximumf %dot_general3A_42, %max3A_44 : vector<4000x16xf32>
    %swap3A_46 = arith.constant 0 : index
    %swap3A_47 = arith.constant 0 : index
    %swap3A_48 = vector.load %arg12[%swap3A_46, %swap3A_47] : memref<4000x16xf32, #tpu.memory_space<vmem>>, vector<4000x16xf32>
    tpu.vector_store %arg12[%swap3A_46, %swap3A_47], %max3A_45 {strides = array<i32>} : memref<4000x16xf32, #tpu.memory_space<vmem>>, vector<4000x16xf32>,
    %get3A_49 = arith.constant 0 : index
    %get3A_50 = arith.constant 0 : index
    %get3A_51 = vector.load %arg8[%get3A_49, %get3A_50] : memref<16x32xf32, #tpu.memory_space<vmem>>, vector<16x32xf32>
    %dot_general3A_52 = arith.constant dense<0.000000e+00> : vector<4000x32xf32>
    %dot_general3A_53 = tpu.matmul %get3A_1, %get3A_51, %dot_general3A_52 {dimension_numbers = #tpu.dot_dimension_numbers<[1], [0], [0], [1], [0, 0, 1, 1], [], []>, transpose_lhs_hint = false} : vector<4000x16xf32>, vector<16x32xf32>, vector<4000x32xf32> -> vector<4000x32xf32>
    %max3A_54 = arith.constant 0.000000e+00 : f32
    %max3A_55 = vector.broadcast %max3A_54 : f32 to vector<4000x32xf32>
    %max3A_56 = arith.maximumf %dot_general3A_53, %max3A_55 : vector<4000x32xf32>
    %get3A_57 = arith.constant 0 : index
    %get3A_58 = arith.constant 0 : index
    %get3A_59 = vector.load %arg9[%get3A_57, %get3A_58] : memref<16x32xf32, #tpu.memory_space<vmem>>, vector<16x32xf32>
    %dot_general3A_60 = arith.constant dense<0.000000e+00> : vector<4000x32xf32>
    %dot_general3A_61 = tpu.matmul %abs3A, %get3A_59, %dot_general3A_60 {dimension_numbers = #tpu.dot_dimension_numbers<[1], [0], [0], [1], [0, 0, 1, 1], [], []>, transpose_lhs_hint = false} : vector<4000x16xf32>, vector<16x32xf32>, vector<4000x32xf32> -> vector<4000x32xf32>
    %mul3A_62 = arith.mulf %dot_general3A_61, %dot_general3A_61 : vector<4000x32xf32>
    %concatenate3A_63 = tpu.concatenate %max3A_56, %mul3A_62 in 1 : vector<4000x32xf32>, vector<4000x32xf32> -> vector<4000x64xf32>
    %get3A_64 = arith.constant 0 : index
    %get3A_65 = arith.constant 0 : index
    %get3A_66 = vector.load %arg10[%get3A_64, %get3A_65] : memref<64x16xf32, #tpu.memory_space<vmem>>, vector<64x16xf32>
    %dot_general3A_67 = arith.constant dense<0.000000e+00> : vector<4000x16xf32>
    %dot_general3A_68 = tpu.matmul %concatenate3A_63, %get3A_66, %dot_general3A_67 {dimension_numbers = #tpu.dot_dimension_numbers<[1], [0], [0], [1], [0, 0, 1, 1], [], []>, transpose_lhs_hint = false} : vector<4000x64xf32>, vector<64x16xf32>, vector<4000x16xf32> -> vector<4000x16xf32>
    %max3A_69 = arith.constant 0.000000e+00 : f32
    %max3A_70 = vector.broadcast %max3A_69 : f32 to vector<4000x16xf32>
    %max3A_71 = arith.maximumf %dot_general3A_68, %max3A_70 : vector<4000x16xf32>
    %swap3A_72 = arith.constant 0 : index
    %swap3A_73 = arith.constant 0 : index
    %swap3A_74 = vector.load %arg13[%swap3A_72, %swap3A_73] : memref<4000x16xf32, #tpu.memory_space<vmem>>, vector<4000x16xf32>
    tpu.vector_store %arg13[%swap3A_72, %swap3A_73], %max3A_71 {strides = array<i32>} : memref<4000x16xf32, #tpu.memory_space<vmem>>, vector<4000x16xf32>,
    return
  }
  func.func @transform_0(%arg0: i32) -> (i32, i32) {
    %c0_i32 = arith.constant 0 : i32
    %c0_i32_0 = arith.constant 0 : i32
    return %arg0, %c0_i32 : i32, i32
  }
  func.func @transform_1(%arg0: i32) -> (i32, i32) {
    %c0_i32 = arith.constant 0 : i32
    %c0_i32_0 = arith.constant 0 : i32
    %c0_i32_1 = arith.constant 0 : i32
    return %c0_i32, %c0_i32_0 : i32, i32
  }
  func.func @transform_2(%arg0: i32) -> (i32, i32) {
    %c0_i32 = arith.constant 0 : i32
    %c0_i32_0 = arith.constant 0 : i32
    %c0_i32_1 = arith.constant 0 : i32
    return %c0_i32, %c0_i32_0 : i32, i32
  }
  func.func @transform_3(%arg0: i32) -> (i32, i32) {
    %c0_i32 = arith.constant 0 : i32
    %c0_i32_0 = arith.constant 0 : i32
    %c0_i32_1 = arith.constant 0 : i32
    return %c0_i32, %c0_i32_0 : i32, i32
  }
  func.func @transform_4(%arg0: i32) -> (i32, i32) {
    %c0_i32 = arith.constant 0 : i32
    %c0_i32_0 = arith.constant 0 : i32
    %c0_i32_1 = arith.constant 0 : i32
    return %c0_i32, %c0_i32_0 : i32, i32
  }
  func.func @transform_5(%arg0: i32) -> (i32, i32) {
    %c0_i32 = arith.constant 0 : i32
    %c0_i32_0 = arith.constant 0 : i32
    %c0_i32_1 = arith.constant 0 : i32
    return %c0_i32, %c0_i32_0 : i32, i32
  }
  func.func @transform_6(%arg0: i32) -> (i32, i32) {
    %c0_i32 = arith.constant 0 : i32
    %c0_i32_0 = arith.constant 0 : i32
    %c0_i32_1 = arith.constant 0 : i32
    return %c0_i32, %c0_i32_0 : i32, i32
  }
  func.func @transform_7(%arg0: i32) -> (i32, i32) {
    %c0_i32 = arith.constant 0 : i32
    %c0_i32_0 = arith.constant 0 : i32
    %c0_i32_1 = arith.constant 0 : i32
    return %c0_i32, %c0_i32_0 : i32, i32
  }
  func.func @transform_8(%arg0: i32) -> (i32, i32) {
    %c0_i32 = arith.constant 0 : i32
    %c0_i32_0 = arith.constant 0 : i32
    %c0_i32_1 = arith.constant 0 : i32
    return %c0_i32, %c0_i32_0 : i32, i32
  }
  func.func @transform_9(%arg0: i32) -> (i32, i32) {
    %c0_i32 = arith.constant 0 : i32
    %c0_i32_0 = arith.constant 0 : i32
    %c0_i32_1 = arith.constant 0 : i32
    return %c0_i32, %c0_i32_0 : i32, i32
  }
  func.func @transform_10(%arg0: i32) -> (i32, i32) {
    %c0_i32 = arith.constant 0 : i32
    %c0_i32_0 = arith.constant 0 : i32
    return %arg0, %c0_i32 : i32, i32
  }
  func.func @transform_11(%arg0: i32) -> (i32, i32) {
    %c0_i32 = arith.constant 0 : i32
    %c0_i32_0 = arith.constant 0 : i32
    return %arg0, %c0_i32 : i32, i32
  }
  func.func @transform_12(%arg0: i32) -> (i32, i32) {
    %c0_i32 = arith.constant 0 : i32
    %c0_i32_0 = arith.constant 0 : i32
    return %arg0, %c0_i32 : i32, i32
  }
}

module attributes {stable_mosaic.version = 14 : i64} {
  func.func @_dense1_body(%arg0: i32, %arg1: memref<2000x128xf32, #tpu.memory_space<vmem>>, %arg2: memref<128x512xf32, #tpu.memory_space<vmem>>, %arg3: memref<128x16xf32, #tpu.memory_space<vmem>>, %arg4: memref<1x16xf32, #tpu.memory_space<vmem>>, %arg5: memref<128x16xf32, #tpu.memory_space<vmem>>, %arg6: memref<1x16xf32, #tpu.memory_space<vmem>>, %arg7: memref<2000x512xf32, #tpu.memory_space<vmem>>, %arg8: memref<2000x16xf32, #tpu.memory_space<vmem>>) attributes {dimension_semantics = [#tpu.dimension_semantics<arbitrary>], iteration_bounds = array<i64: 5>, scalar_prefetch = 0 : i64, scratch_operands = 0 : i64, tpu.core_type = #tpu.core_type<tc>, window_params = [{transform_indices = @transform_0, window_bounds = array<i64: 2000, 128>}, {pipeline_mode = #tpu.pipeline_mode<synchronous>, transform_indices = @transform_1, window_bounds = array<i64: 128, 512>}, {pipeline_mode = #tpu.pipeline_mode<synchronous>, transform_indices = @transform_2, window_bounds = array<i64: 128, 16>}, {pipeline_mode = #tpu.pipeline_mode<synchronous>, transform_indices = @transform_3, window_bounds = array<i64: 1, 16>}, {pipeline_mode = #tpu.pipeline_mode<synchronous>, transform_indices = @transform_4, window_bounds = array<i64: 128, 16>}, {pipeline_mode = #tpu.pipeline_mode<synchronous>, transform_indices = @transform_5, window_bounds = array<i64: 1, 16>}, {transform_indices = @transform_6, window_bounds = array<i64: 2000, 512>}, {transform_indices = @transform_7, window_bounds = array<i64: 2000, 16>}]} {
    %get3A = arith.constant 0 : index
    %get3A_0 = arith.constant 0 : index
    %get3A_1 = vector.load %arg1[%get3A, %get3A_0] : memref<2000x128xf32, #tpu.memory_space<vmem>>, vector<2000x128xf32>
    %get3A_2 = arith.constant 0 : index
    %get3A_3 = arith.constant 0 : index
    %get3A_4 = vector.load %arg2[%get3A_2, %get3A_3] : memref<128x512xf32, #tpu.memory_space<vmem>>, vector<128x512xf32>
    %dot_general3A = arith.constant dense<0.000000e+00> : vector<2000x512xf32>
    %dot_general3A_5 = tpu.matmul %get3A_1, %get3A_4, %dot_general3A {dimension_numbers = #tpu.dot_dimension_numbers<[1], [0], [0], [1], [0, 0, 1, 1], [], []>, transpose_lhs_hint = false} : vector<2000x128xf32>, vector<128x512xf32>, vector<2000x512xf32> -> vector<2000x512xf32>
    %swap3A = arith.constant 0 : index
    %swap3A_6 = arith.constant 0 : index
    %swap3A_7 = vector.load %arg7[%swap3A, %swap3A_6] : memref<2000x512xf32, #tpu.memory_space<vmem>>, vector<2000x512xf32>
    tpu.vector_store %arg7[%swap3A, %swap3A_6], %dot_general3A_5 {strides = array<i32>} : memref<2000x512xf32, #tpu.memory_space<vmem>>, vector<2000x512xf32>,
    %get3A_8 = arith.constant 0 : index
    %get3A_9 = arith.constant 0 : index
    %get3A_10 = vector.load %arg3[%get3A_8, %get3A_9] : memref<128x16xf32, #tpu.memory_space<vmem>>, vector<128x16xf32>
    %dot_general3A_11 = arith.constant dense<0.000000e+00> : vector<2000x16xf32>
    %dot_general3A_12 = tpu.matmul %get3A_1, %get3A_10, %dot_general3A_11 {dimension_numbers = #tpu.dot_dimension_numbers<[1], [0], [0], [1], [0, 0, 1, 1], [], []>, transpose_lhs_hint = false} : vector<2000x128xf32>, vector<128x16xf32>, vector<2000x16xf32> -> vector<2000x16xf32>
    %get3A_13 = arith.constant 0 : index
    %get3A_14 = arith.constant 0 : index
    %get3A_15 = vector.load %arg4[%get3A_13, %get3A_14] : memref<1x16xf32, #tpu.memory_space<vmem>>, vector<1x16xf32>
    %add3A = vector.broadcast %get3A_15 : vector<1x16xf32> to vector<2000x16xf32>
    %add3A_16 = arith.addf %dot_general3A_12, %add3A : vector<2000x16xf32>
    %max3A = arith.constant 0.000000e+00 : f32
    %max3A_17 = vector.broadcast %max3A : f32 to vector<2000x16xf32>
    %max3A_18 = arith.maximumf %add3A_16, %max3A_17 : vector<2000x16xf32>
    %get3A_19 = arith.constant 0 : index
    %get3A_20 = arith.constant 0 : index
    %get3A_21 = vector.load %arg5[%get3A_19, %get3A_20] : memref<128x16xf32, #tpu.memory_space<vmem>>, vector<128x16xf32>
    %dot_general3A_22 = arith.constant dense<0.000000e+00> : vector<2000x16xf32>
    %dot_general3A_23 = tpu.matmul %get3A_1, %get3A_21, %dot_general3A_22 {dimension_numbers = #tpu.dot_dimension_numbers<[1], [0], [0], [1], [0, 0, 1, 1], [], []>, transpose_lhs_hint = false} : vector<2000x128xf32>, vector<128x16xf32>, vector<2000x16xf32> -> vector<2000x16xf32>
    %get3A_24 = arith.constant 0 : index
    %get3A_25 = arith.constant 0 : index
    %get3A_26 = vector.load %arg6[%get3A_24, %get3A_25] : memref<1x16xf32, #tpu.memory_space<vmem>>, vector<1x16xf32>
    %add3A_27 = vector.broadcast %get3A_26 : vector<1x16xf32> to vector<2000x16xf32>
    %add3A_28 = arith.addf %dot_general3A_23, %add3A_27 : vector<2000x16xf32>
    %max3A_29 = arith.constant 0.000000e+00 : f32
    %max3A_30 = vector.broadcast %max3A_29 : f32 to vector<2000x16xf32>
    %max3A_31 = arith.maximumf %add3A_28, %max3A_30 : vector<2000x16xf32>
    %mul3A = arith.mulf %max3A_18, %max3A_31 : vector<2000x16xf32>
    %swap3A_32 = arith.constant 0 : index
    %swap3A_33 = arith.constant 0 : index
    %swap3A_34 = vector.load %arg8[%swap3A_32, %swap3A_33] : memref<2000x16xf32, #tpu.memory_space<vmem>>, vector<2000x16xf32>
    tpu.vector_store %arg8[%swap3A_32, %swap3A_33], %mul3A {strides = array<i32>} : memref<2000x16xf32, #tpu.memory_space<vmem>>, vector<2000x16xf32>,
    return
  }
  func.func @transform_0(%arg0: i32) -> (i32, i32) {
    %c0_i32 = arith.constant 0 : i32
    %c0_i32_0 = arith.constant 0 : i32
    return %arg0, %c0_i32 : i32, i32
  }
  func.func @transform_1(%arg0: i32) -> (i32, i32) {
    %c0_i32 = arith.constant 0 : i32
    %c0_i32_0 = arith.constant 0 : i32
    %c0_i32_1 = arith.constant 0 : i32
    return %c0_i32, %c0_i32_0 : i32, i32
  }
  func.func @transform_2(%arg0: i32) -> (i32, i32) {
    %c0_i32 = arith.constant 0 : i32
    %c0_i32_0 = arith.constant 0 : i32
    %c0_i32_1 = arith.constant 0 : i32
    return %c0_i32, %c0_i32_0 : i32, i32
  }
  func.func @transform_3(%arg0: i32) -> (i32, i32) {
    %c0_i32 = arith.constant 0 : i32
    %c0_i32_0 = arith.constant 0 : i32
    %c0_i32_1 = arith.constant 0 : i32
    return %c0_i32, %c0_i32_0 : i32, i32
  }
  func.func @transform_4(%arg0: i32) -> (i32, i32) {
    %c0_i32 = arith.constant 0 : i32
    %c0_i32_0 = arith.constant 0 : i32
    %c0_i32_1 = arith.constant 0 : i32
    return %c0_i32, %c0_i32_0 : i32, i32
  }
  func.func @transform_5(%arg0: i32) -> (i32, i32) {
    %c0_i32 = arith.constant 0 : i32
    %c0_i32_0 = arith.constant 0 : i32
    %c0_i32_1 = arith.constant 0 : i32
    return %c0_i32, %c0_i32_0 : i32, i32
  }
  func.func @transform_6(%arg0: i32) -> (i32, i32) {
    %c0_i32 = arith.constant 0 : i32
    %c0_i32_0 = arith.constant 0 : i32
    return %arg0, %c0_i32 : i32, i32
  }
  func.func @transform_7(%arg0: i32) -> (i32, i32) {
    %c0_i32 = arith.constant 0 : i32
    %c0_i32_0 = arith.constant 0 : i32
    return %arg0, %c0_i32 : i32, i32
  }
}

module attributes {stable_mosaic.version = 14 : i64} {
  func.func @_dense23_body(%arg0: i32, %arg1: memref<2x2000x32xf32, #tpu.memory_space<vmem>>, %arg2: memref<2000x16xf32, #tpu.memory_space<vmem>>, %arg3: memref<1x32xf32, #tpu.memory_space<vmem>>, %arg4: memref<48x512xf32, #tpu.memory_space<vmem>>, %arg5: memref<48x16xf32, #tpu.memory_space<vmem>>, %arg6: memref<1x16xf32, #tpu.memory_space<vmem>>, %arg7: memref<48x16xf32, #tpu.memory_space<vmem>>, %arg8: memref<1x16xf32, #tpu.memory_space<vmem>>, %arg9: memref<2000x512xf32, #tpu.memory_space<vmem>>, %arg10: memref<2000x16xf32, #tpu.memory_space<vmem>>) attributes {dimension_semantics = [#tpu.dimension_semantics<arbitrary>], iteration_bounds = array<i64: 5>, scalar_prefetch = 0 : i64, scratch_operands = 0 : i64, tpu.core_type = #tpu.core_type<tc>, window_params = [{transform_indices = @transform_0, window_bounds = array<i64: 2, 2000, 32>}, {transform_indices = @transform_1, window_bounds = array<i64: 2000, 16>}, {pipeline_mode = #tpu.pipeline_mode<synchronous>, transform_indices = @transform_2, window_bounds = array<i64: 1, 32>}, {pipeline_mode = #tpu.pipeline_mode<synchronous>, transform_indices = @transform_3, window_bounds = array<i64: 48, 512>}, {pipeline_mode = #tpu.pipeline_mode<synchronous>, transform_indices = @transform_4, window_bounds = array<i64: 48, 16>}, {pipeline_mode = #tpu.pipeline_mode<synchronous>, transform_indices = @transform_5, window_bounds = array<i64: 1, 16>}, {pipeline_mode = #tpu.pipeline_mode<synchronous>, transform_indices = @transform_6, window_bounds = array<i64: 48, 16>}, {pipeline_mode = #tpu.pipeline_mode<synchronous>, transform_indices = @transform_7, window_bounds = array<i64: 1, 16>}, {transform_indices = @transform_8, window_bounds = array<i64: 2000, 512>}, {transform_indices = @transform_9, window_bounds = array<i64: 2000, 16>}]} {
    %get3A = arith.constant 0 : index
    %get3A_0 = arith.constant 0 : index
    %get3A_1 = arith.constant 0 : index
    %get3A_2 = vector.load %arg1[%get3A, %get3A_0, %get3A_1] : memref<2x2000x32xf32, #tpu.memory_space<vmem>>, vector<1x2000x32xf32>
    %get3A_3 = vector.shape_cast %get3A_2 : vector<1x2000x32xf32> to vector<2000x32xf32>
    %get3A_4 = arith.constant 1 : index
    %get3A_5 = arith.constant 0 : index
    %get3A_6 = arith.constant 0 : index
    %get3A_7 = vector.load %arg1[%get3A_4, %get3A_5, %get3A_6] : memref<2x2000x32xf32, #tpu.memory_space<vmem>>, vector<1x2000x32xf32>
    %get3A_8 = vector.shape_cast %get3A_7 : vector<1x2000x32xf32> to vector<2000x32xf32>
    %add3A = arith.addf %get3A_3, %get3A_8 : vector<2000x32xf32>
    %get3A_9 = arith.constant 0 : index
    %get3A_10 = arith.constant 0 : index
    %get3A_11 = vector.load %arg3[%get3A_9, %get3A_10] : memref<1x32xf32, #tpu.memory_space<vmem>>, vector<1x32xf32>
    %add3A_12 = vector.broadcast %get3A_11 : vector<1x32xf32> to vector<2000x32xf32>
    %add3A_13 = arith.addf %add3A, %add3A_12 : vector<2000x32xf32>
    %max3A = arith.constant 0.000000e+00 : f32
    %max3A_14 = vector.broadcast %max3A : f32 to vector<2000x32xf32>
    %max3A_15 = arith.maximumf %add3A_13, %max3A_14 : vector<2000x32xf32>
    %get3A_16 = arith.constant 0 : index
    %get3A_17 = arith.constant 0 : index
    %get3A_18 = vector.load %arg2[%get3A_16, %get3A_17] : memref<2000x16xf32, #tpu.memory_space<vmem>>, vector<2000x16xf32>
    %concatenate3A = tpu.concatenate %max3A_15, %get3A_18 in 1 : vector<2000x32xf32>, vector<2000x16xf32> -> vector<2000x48xf32>
    %get3A_19 = arith.constant 0 : index
    %get3A_20 = arith.constant 0 : index
    %get3A_21 = vector.load %arg4[%get3A_19, %get3A_20] : memref<48x512xf32, #tpu.memory_space<vmem>>, vector<48x512xf32>
    %dot_general3A = arith.constant dense<0.000000e+00> : vector<2000x512xf32>
    %dot_general3A_22 = tpu.matmul %concatenate3A, %get3A_21, %dot_general3A {dimension_numbers = #tpu.dot_dimension_numbers<[1], [0], [0], [1], [0, 0, 1, 1], [], []>, transpose_lhs_hint = false} : vector<2000x48xf32>, vector<48x512xf32>, vector<2000x512xf32> -> vector<2000x512xf32>
    %swap3A = arith.constant 0 : index
    %swap3A_23 = arith.constant 0 : index
    %swap3A_24 = vector.load %arg9[%swap3A, %swap3A_23] : memref<2000x512xf32, #tpu.memory_space<vmem>>, vector<2000x512xf32>
    tpu.vector_store %arg9[%swap3A, %swap3A_23], %dot_general3A_22 {strides = array<i32>} : memref<2000x512xf32, #tpu.memory_space<vmem>>, vector<2000x512xf32>,
    %get3A_25 = arith.constant 0 : index
    %get3A_26 = arith.constant 0 : index
    %get3A_27 = vector.load %arg5[%get3A_25, %get3A_26] : memref<48x16xf32, #tpu.memory_space<vmem>>, vector<48x16xf32>
    %dot_general3A_28 = arith.constant dense<0.000000e+00> : vector<2000x16xf32>
    %dot_general3A_29 = tpu.matmul %concatenate3A, %get3A_27, %dot_general3A_28 {dimension_numbers = #tpu.dot_dimension_numbers<[1], [0], [0], [1], [0, 0, 1, 1], [], []>, transpose_lhs_hint = false} : vector<2000x48xf32>, vector<48x16xf32>, vector<2000x16xf32> -> vector<2000x16xf32>
    %get3A_30 = arith.constant 0 : index
    %get3A_31 = arith.constant 0 : index
    %get3A_32 = vector.load %arg6[%get3A_30, %get3A_31] : memref<1x16xf32, #tpu.memory_space<vmem>>, vector<1x16xf32>
    %add3A_33 = vector.broadcast %get3A_32 : vector<1x16xf32> to vector<2000x16xf32>
    %add3A_34 = arith.addf %dot_general3A_29, %add3A_33 : vector<2000x16xf32>
    %max3A_35 = arith.constant 0.000000e+00 : f32
    %max3A_36 = vector.broadcast %max3A_35 : f32 to vector<2000x16xf32>
    %max3A_37 = arith.maximumf %add3A_34, %max3A_36 : vector<2000x16xf32>
    %get3A_38 = arith.constant 0 : index
    %get3A_39 = arith.constant 0 : index
    %get3A_40 = vector.load %arg7[%get3A_38, %get3A_39] : memref<48x16xf32, #tpu.memory_space<vmem>>, vector<48x16xf32>
    %dot_general3A_41 = arith.constant dense<0.000000e+00> : vector<2000x16xf32>
    %dot_general3A_42 = tpu.matmul %concatenate3A, %get3A_40, %dot_general3A_41 {dimension_numbers = #tpu.dot_dimension_numbers<[1], [0], [0], [1], [0, 0, 1, 1], [], []>, transpose_lhs_hint = false} : vector<2000x48xf32>, vector<48x16xf32>, vector<2000x16xf32> -> vector<2000x16xf32>
    %get3A_43 = arith.constant 0 : index
    %get3A_44 = arith.constant 0 : index
    %get3A_45 = vector.load %arg8[%get3A_43, %get3A_44] : memref<1x16xf32, #tpu.memory_space<vmem>>, vector<1x16xf32>
    %add3A_46 = vector.broadcast %get3A_45 : vector<1x16xf32> to vector<2000x16xf32>
    %add3A_47 = arith.addf %dot_general3A_42, %add3A_46 : vector<2000x16xf32>
    %max3A_48 = arith.constant 0.000000e+00 : f32
    %max3A_49 = vector.broadcast %max3A_48 : f32 to vector<2000x16xf32>
    %max3A_50 = arith.maximumf %add3A_47, %max3A_49 : vector<2000x16xf32>
    %mul3A = arith.mulf %max3A_37, %max3A_50 : vector<2000x16xf32>
    %swap3A_51 = arith.constant 0 : index
    %swap3A_52 = arith.constant 0 : index
    %swap3A_53 = vector.load %arg10[%swap3A_51, %swap3A_52] : memref<2000x16xf32, #tpu.memory_space<vmem>>, vector<2000x16xf32>
    tpu.vector_store %arg10[%swap3A_51, %swap3A_52], %mul3A {strides = array<i32>} : memref<2000x16xf32, #tpu.memory_space<vmem>>, vector<2000x16xf32>,
    return
  }
  func.func @transform_0(%arg0: i32) -> (i32, i32, i32) {
    %c0_i32 = arith.constant 0 : i32
    %c0_i32_0 = arith.constant 0 : i32
    %c0_i32_1 = arith.constant 0 : i32
    return %c0_i32, %arg0, %c0_i32_0 : i32, i32, i32
  }
  func.func @transform_1(%arg0: i32) -> (i32, i32) {
    %c0_i32 = arith.constant 0 : i32
    %c0_i32_0 = arith.constant 0 : i32
    return %arg0, %c0_i32 : i32, i32
  }
  func.func @transform_2(%arg0: i32) -> (i32, i32) {
    %c0_i32 = arith.constant 0 : i32
    %c0_i32_0 = arith.constant 0 : i32
    %c0_i32_1 = arith.constant 0 : i32
    return %c0_i32, %c0_i32_0 : i32, i32
  }
  func.func @transform_3(%arg0: i32) -> (i32, i32) {
    %c0_i32 = arith.constant 0 : i32
    %c0_i32_0 = arith.constant 0 : i32
    %c0_i32_1 = arith.constant 0 : i32
    return %c0_i32, %c0_i32_0 : i32, i32
  }
  func.func @transform_4(%arg0: i32) -> (i32, i32) {
    %c0_i32 = arith.constant 0 : i32
    %c0_i32_0 = arith.constant 0 : i32
    %c0_i32_1 = arith.constant 0 : i32
    return %c0_i32, %c0_i32_0 : i32, i32
  }
  func.func @transform_5(%arg0: i32) -> (i32, i32) {
    %c0_i32 = arith.constant 0 : i32
    %c0_i32_0 = arith.constant 0 : i32
    %c0_i32_1 = arith.constant 0 : i32
    return %c0_i32, %c0_i32_0 : i32, i32
  }
  func.func @transform_6(%arg0: i32) -> (i32, i32) {
    %c0_i32 = arith.constant 0 : i32
    %c0_i32_0 = arith.constant 0 : i32
    %c0_i32_1 = arith.constant 0 : i32
    return %c0_i32, %c0_i32_0 : i32, i32
  }
  func.func @transform_7(%arg0: i32) -> (i32, i32) {
    %c0_i32 = arith.constant 0 : i32
    %c0_i32_0 = arith.constant 0 : i32
    %c0_i32_1 = arith.constant 0 : i32
    return %c0_i32, %c0_i32_0 : i32, i32
  }
  func.func @transform_8(%arg0: i32) -> (i32, i32) {
    %c0_i32 = arith.constant 0 : i32
    %c0_i32_0 = arith.constant 0 : i32
    return %arg0, %c0_i32 : i32, i32
  }
  func.func @transform_9(%arg0: i32) -> (i32, i32) {
    %c0_i32 = arith.constant 0 : i32
    %c0_i32_0 = arith.constant 0 : i32
    return %arg0, %c0_i32 : i32, i32
  }
}

module attributes {stable_mosaic.version = 14 : i64} {
  func.func @_final_body(%arg0: i32, %arg1: memref<2x2000x32xf32, #tpu.memory_space<vmem>>, %arg2: memref<2000x16xf32, #tpu.memory_space<vmem>>, %arg3: memref<1x32xf32, #tpu.memory_space<vmem>>, %arg4: memref<1x1x2000xi32, #tpu.memory_space<vmem>>, %arg5: memref<48x16xf32, #tpu.memory_space<vmem>>, %arg6: memref<1x16xf32, #tpu.memory_space<vmem>>, %arg7: memref<16x1xf32, #tpu.memory_space<vmem>>, %arg8: memref<1x1xf32, #tpu.memory_space<vmem>>, %arg9: memref<64x1xf32, #tpu.memory_space<vmem>>, %arg10: memref<64x48xf32, #tpu.memory_space<vmem>>, %arg11: memref<64x1xf32, #tpu.memory_space<vmem>>) attributes {dimension_semantics = [#tpu.dimension_semantics<arbitrary>], iteration_bounds = array<i64: 5>, scalar_prefetch = 0 : i64, scratch_operands = 2 : i64, tpu.core_type = #tpu.core_type<tc>, window_params = [{transform_indices = @transform_0, window_bounds = array<i64: 2, 2000, 32>}, {transform_indices = @transform_1, window_bounds = array<i64: 2000, 16>}, {pipeline_mode = #tpu.pipeline_mode<synchronous>, transform_indices = @transform_2, window_bounds = array<i64: 1, 32>}, {transform_indices = @transform_3, window_bounds = array<i64: 1, 1, 2000>}, {pipeline_mode = #tpu.pipeline_mode<synchronous>, transform_indices = @transform_4, window_bounds = array<i64: 48, 16>}, {pipeline_mode = #tpu.pipeline_mode<synchronous>, transform_indices = @transform_5, window_bounds = array<i64: 1, 16>}, {pipeline_mode = #tpu.pipeline_mode<synchronous>, transform_indices = @transform_6, window_bounds = array<i64: 16, 1>}, {pipeline_mode = #tpu.pipeline_mode<synchronous>, transform_indices = @transform_7, window_bounds = array<i64: 1, 1>}, {pipeline_mode = #tpu.pipeline_mode<synchronous>, transform_indices = @transform_8, window_bounds = array<i64: 64, 1>}]} {
    %eq3A = arith.constant 0 : i32
    %eq3A_0 = arith.cmpi eq, %arg0, %eq3A : i32
    %convert_element_type3A = arith.extui %eq3A_0 : i1 to i32
    %cond3A = arith.constant 0 : i32
    %cond3A_1 = arith.cmpi ne, %convert_element_type3A, %cond3A : i32
    scf.if %cond3A_1 {
      %broadcast_in_dim3A_50 = arith.constant 0.000000e+00 : f32
      %broadcast_in_dim3A_51 = vector.broadcast %broadcast_in_dim3A_50 : f32 to vector<64x48xf32>
      %swap3A_52 = arith.constant 0 : index
      %swap3A_53 = arith.constant 0 : index
      %swap3A_54 = vector.load %arg10[%swap3A_52, %swap3A_53] : memref<64x48xf32, #tpu.memory_space<vmem>>, vector<64x48xf32>
      tpu.vector_store %arg10[%swap3A_52, %swap3A_53], %broadcast_in_dim3A_51 {strides = array<i32>} : memref<64x48xf32, #tpu.memory_space<vmem>>, vector<64x48xf32>,
      %broadcast_in_dim3A_55 = arith.constant 0.000000e+00 : f32
      %broadcast_in_dim3A_56 = vector.broadcast %broadcast_in_dim3A_55 : f32 to vector<64x1xf32>
      %swap3A_57 = arith.constant 0 : index
      %swap3A_58 = arith.constant 0 : index
      %swap3A_59 = vector.load %arg11[%swap3A_57, %swap3A_58] : memref<64x1xf32, #tpu.memory_space<vmem>>, vector<64x1xf32>
      tpu.vector_store %arg11[%swap3A_57, %swap3A_58], %broadcast_in_dim3A_56 {strides = array<i32>} : memref<64x1xf32, #tpu.memory_space<vmem>>, vector<64x1xf32>,
    } else {
    }
    %get3A = arith.constant 0 : index
    %get3A_2 = arith.constant 0 : index
    %get3A_3 = arith.constant 0 : index
    %get3A_4 = vector.load %arg1[%get3A, %get3A_2, %get3A_3] : memref<2x2000x32xf32, #tpu.memory_space<vmem>>, vector<1x2000x32xf32>
    %get3A_5 = vector.shape_cast %get3A_4 : vector<1x2000x32xf32> to vector<2000x32xf32>
    %get3A_6 = arith.constant 1 : index
    %get3A_7 = arith.constant 0 : index
    %get3A_8 = arith.constant 0 : index
    %get3A_9 = vector.load %arg1[%get3A_6, %get3A_7, %get3A_8] : memref<2x2000x32xf32, #tpu.memory_space<vmem>>, vector<1x2000x32xf32>
    %get3A_10 = vector.shape_cast %get3A_9 : vector<1x2000x32xf32> to vector<2000x32xf32>
    %add3A = arith.addf %get3A_5, %get3A_10 : vector<2000x32xf32>
    %get3A_11 = arith.constant 0 : index
    %get3A_12 = arith.constant 0 : index
    %get3A_13 = vector.load %arg3[%get3A_11, %get3A_12] : memref<1x32xf32, #tpu.memory_space<vmem>>, vector<1x32xf32>
    %add3A_14 = vector.broadcast %get3A_13 : vector<1x32xf32> to vector<2000x32xf32>
    %add3A_15 = arith.addf %add3A, %add3A_14 : vector<2000x32xf32>
    %max3A = arith.constant 0.000000e+00 : f32
    %max3A_16 = vector.broadcast %max3A : f32 to vector<2000x32xf32>
    %max3A_17 = arith.maximumf %add3A_15, %max3A_16 : vector<2000x32xf32>
    %get3A_18 = arith.constant 0 : index
    %get3A_19 = arith.constant 0 : index
    %get3A_20 = vector.load %arg2[%get3A_18, %get3A_19] : memref<2000x16xf32, #tpu.memory_space<vmem>>, vector<2000x16xf32>
    %concatenate3A = tpu.concatenate %max3A_17, %get3A_20 in 1 : vector<2000x32xf32>, vector<2000x16xf32> -> vector<2000x48xf32>
    %get3A_21 = arith.constant 0 : index
    %get3A_22 = arith.constant 0 : index
    %get3A_23 = arith.constant 0 : index
    %get3A_24 = vector.load %arg4[%get3A_21, %get3A_22, %get3A_23] : memref<1x1x2000xi32, #tpu.memory_space<vmem>>, vector<1x1x2000xi32>
    %get3A_25 = vector.shape_cast %get3A_24 : vector<1x1x2000xi32> to vector<1x2000xi32>
    %iota3A = tpu.iota {dimensions = array<i32: 0>} : vector<64x2000xi32>
    %eq3A_26 = vector.broadcast %get3A_25 : vector<1x2000xi32> to vector<64x2000xi32>
    %eq3A_27 = arith.cmpi eq, %eq3A_26, %iota3A : vector<64x2000xi32>
    %convert_element_type3A_28 = arith.extui %eq3A_27 : vector<64x2000xi1> to vector<64x2000xi32>
    %convert_element_type3A_29 = arith.sitofp %convert_element_type3A_28 : vector<64x2000xi32> to vector<64x2000xf32>
    %get3A_30 = arith.constant 0 : index
    %get3A_31 = arith.constant 0 : index
    %get3A_32 = vector.load %arg10[%get3A_30, %get3A_31] : memref<64x48xf32, #tpu.memory_space<vmem>>, vector<64x48xf32>
    %dot_general3A = arith.constant dense<0.000000e+00> : vector<64x48xf32>
    %dot_general3A_33 = tpu.matmul %convert_element_type3A_29, %concatenate3A, %dot_general3A {dimension_numbers = #tpu.dot_dimension_numbers<[1], [0], [0], [1], [0, 0, 1, 1], [], []>, transpose_lhs_hint = false} : vector<64x2000xf32>, vector<2000x48xf32>, vector<64x48xf32> -> vector<64x48xf32>
    %add3A_34 = arith.addf %get3A_32, %dot_general3A_33 : vector<64x48xf32>
    %swap3A = arith.constant 0 : index
    %swap3A_35 = arith.constant 0 : index
    %swap3A_36 = vector.load %arg10[%swap3A, %swap3A_35] : memref<64x48xf32, #tpu.memory_space<vmem>>, vector<64x48xf32>
    tpu.vector_store %arg10[%swap3A, %swap3A_35], %add3A_34 {strides = array<i32>} : memref<64x48xf32, #tpu.memory_space<vmem>>, vector<64x48xf32>,
    %get3A_37 = arith.constant 0 : index
    %get3A_38 = arith.constant 0 : index
    %get3A_39 = vector.load %arg11[%get3A_37, %get3A_38] : memref<64x1xf32, #tpu.memory_space<vmem>>, vector<64x1xf32>
    %reduce_sum3A = arith.constant dense<0.000000e+00> : vector<64xf32>
    %reduce_sum3A_40 = vector.multi_reduction <add>, %convert_element_type3A_29, %reduce_sum3A [1] : vector<64x2000xf32> to vector<64xf32>
    %broadcast_in_dim3A = vector.shape_cast %reduce_sum3A_40 : vector<64xf32> to vector<64x1xf32>
    %add3A_41 = arith.addf %get3A_39, %broadcast_in_dim3A : vector<64x1xf32>
    %swap3A_42 = arith.constant 0 : index
    %swap3A_43 = arith.constant 0 : index
    %swap3A_44 = vector.load %arg11[%swap3A_42, %swap3A_43] : memref<64x1xf32, #tpu.memory_space<vmem>>, vector<64x1xf32>
    tpu.vector_store %arg11[%swap3A_42, %swap3A_43], %add3A_41 {strides = array<i32>} : memref<64x1xf32, #tpu.memory_space<vmem>>, vector<64x1xf32>,
    %eq3A_45 = arith.constant 4 : i32
    %eq3A_46 = arith.cmpi eq, %arg0, %eq3A_45 : i32
    %convert_element_type3A_47 = arith.extui %eq3A_46 : i1 to i32
    %cond3A_48 = arith.constant 0 : i32
    %cond3A_49 = arith.cmpi ne, %convert_element_type3A_47, %cond3A_48 : i32
    scf.if %cond3A_49 {
      %get3A_50 = arith.constant 0 : index
      %get3A_51 = arith.constant 0 : index
      %get3A_52 = vector.load %arg10[%get3A_50, %get3A_51] : memref<64x48xf32, #tpu.memory_space<vmem>>, vector<64x48xf32>
      %get3A_53 = arith.constant 0 : index
      %get3A_54 = arith.constant 0 : index
      %get3A_55 = vector.load %arg11[%get3A_53, %get3A_54] : memref<64x1xf32, #tpu.memory_space<vmem>>, vector<64x1xf32>
      %max3A_56 = arith.constant 1.000000e+00 : f32
      %max3A_57 = vector.broadcast %max3A_56 : f32 to vector<64x1xf32>
      %max3A_58 = arith.maximumf %get3A_55, %max3A_57 : vector<64x1xf32>
      %div3A = vector.broadcast %max3A_58 : vector<64x1xf32> to vector<64x48xf32>
      %div3A_59 = arith.divf %get3A_52, %div3A : vector<64x48xf32>
      %get3A_60 = arith.constant 0 : index
      %get3A_61 = arith.constant 0 : index
      %get3A_62 = vector.load %arg5[%get3A_60, %get3A_61] : memref<48x16xf32, #tpu.memory_space<vmem>>, vector<48x16xf32>
      %dot_general3A_63 = arith.constant dense<0.000000e+00> : vector<64x16xf32>
      %dot_general3A_64 = tpu.matmul %div3A_59, %get3A_62, %dot_general3A_63 {dimension_numbers = #tpu.dot_dimension_numbers<[1], [0], [0], [1], [0, 0, 1, 1], [], []>, transpose_lhs_hint = false} : vector<64x48xf32>, vector<48x16xf32>, vector<64x16xf32> -> vector<64x16xf32>
      %get3A_65 = arith.constant 0 : index
      %get3A_66 = arith.constant 0 : index
      %get3A_67 = vector.load %arg6[%get3A_65, %get3A_66] : memref<1x16xf32, #tpu.memory_space<vmem>>, vector<1x16xf32>
      %add3A_68 = vector.broadcast %get3A_67 : vector<1x16xf32> to vector<64x16xf32>
      %add3A_69 = arith.addf %dot_general3A_64, %add3A_68 : vector<64x16xf32>
      %max3A_70 = arith.constant 0.000000e+00 : f32
      %max3A_71 = vector.broadcast %max3A_70 : f32 to vector<64x16xf32>
      %max3A_72 = arith.maximumf %add3A_69, %max3A_71 : vector<64x16xf32>
      %get3A_73 = arith.constant 0 : index
      %get3A_74 = arith.constant 0 : index
      %get3A_75 = vector.load %arg7[%get3A_73, %get3A_74] : memref<16x1xf32, #tpu.memory_space<vmem>>, vector<16x1xf32>
      %dot_general3A_76 = arith.constant dense<0.000000e+00> : vector<64x1xf32>
      %dot_general3A_77 = tpu.matmul %max3A_72, %get3A_75, %dot_general3A_76 {dimension_numbers = #tpu.dot_dimension_numbers<[1], [0], [0], [1], [0, 0, 1, 1], [], []>, transpose_lhs_hint = false} : vector<64x16xf32>, vector<16x1xf32>, vector<64x1xf32> -> vector<64x1xf32>
      %get3A_78 = arith.constant 0 : index
      %get3A_79 = arith.constant 0 : index
      %get3A_80 = vector.load %arg8[%get3A_78, %get3A_79] : memref<1x1xf32, #tpu.memory_space<vmem>>, vector<1x1xf32>
      %add3A_81 = vector.broadcast %get3A_80 : vector<1x1xf32> to vector<64x1xf32>
      %add3A_82 = arith.addf %dot_general3A_77, %add3A_81 : vector<64x1xf32>
      %swap3A_83 = arith.constant 0 : index
      %swap3A_84 = arith.constant 0 : index
      %swap3A_85 = vector.load %arg9[%swap3A_83, %swap3A_84] : memref<64x1xf32, #tpu.memory_space<vmem>>, vector<64x1xf32>
      tpu.vector_store %arg9[%swap3A_83, %swap3A_84], %add3A_82 {strides = array<i32>} : memref<64x1xf32, #tpu.memory_space<vmem>>, vector<64x1xf32>,
    } else {
    }
    return
  }
  func.func @transform_0(%arg0: i32) -> (i32, i32, i32) {
    %c0_i32 = arith.constant 0 : i32
    %c0_i32_0 = arith.constant 0 : i32
    %c0_i32_1 = arith.constant 0 : i32
    return %c0_i32, %arg0, %c0_i32_0 : i32, i32, i32
  }
  func.func @transform_1(%arg0: i32) -> (i32, i32) {
    %c0_i32 = arith.constant 0 : i32
    %c0_i32_0 = arith.constant 0 : i32
    return %arg0, %c0_i32 : i32, i32
  }
  func.func @transform_2(%arg0: i32) -> (i32, i32) {
    %c0_i32 = arith.constant 0 : i32
    %c0_i32_0 = arith.constant 0 : i32
    %c0_i32_1 = arith.constant 0 : i32
    return %c0_i32, %c0_i32_0 : i32, i32
  }
  func.func @transform_3(%arg0: i32) -> (i32, i32, i32) {
    %c0_i32 = arith.constant 0 : i32
    %c0_i32_0 = arith.constant 0 : i32
    %c0_i32_1 = arith.constant 0 : i32
    return %arg0, %c0_i32, %c0_i32_0 : i32, i32, i32
  }
  func.func @transform_4(%arg0: i32) -> (i32, i32) {
    %c0_i32 = arith.constant 0 : i32
    %c0_i32_0 = arith.constant 0 : i32
    %c0_i32_1 = arith.constant 0 : i32
    return %c0_i32, %c0_i32_0 : i32, i32
  }
  func.func @transform_5(%arg0: i32) -> (i32, i32) {
    %c0_i32 = arith.constant 0 : i32
    %c0_i32_0 = arith.constant 0 : i32
    %c0_i32_1 = arith.constant 0 : i32
    return %c0_i32, %c0_i32_0 : i32, i32
  }
  func.func @transform_6(%arg0: i32) -> (i32, i32) {
    %c0_i32 = arith.constant 0 : i32
    %c0_i32_0 = arith.constant 0 : i32
    %c0_i32_1 = arith.constant 0 : i32
    return %c0_i32, %c0_i32_0 : i32, i32
  }
  func.func @transform_7(%arg0: i32) -> (i32, i32) {
    %c0_i32 = arith.constant 0 : i32
    %c0_i32_0 = arith.constant 0 : i32
    %c0_i32_1 = arith.constant 0 : i32
    return %c0_i32, %c0_i32_0 : i32, i32
  }
  func.func @transform_8(%arg0: i32) -> (i32, i32) {
    %c0_i32 = arith.constant 0 : i32
    %c0_i32_0 = arith.constant 0 : i32
    %c0_i32_1 = arith.constant 0 : i32
    return %c0_i32, %c0_i32_0 : i32, i32
  }
}

</mosaic_0001>

<sc_bundles>
// kernel: kernel.10.cloned.1.call-start
scs
__scs_entry_jumppad:
0x0: {  	(pc) =	sbr.rel $0x88, $3  }
0x1: {  	(tag) =	ssettag $0x0;
	lr =	simm.s32 $0x1  }
0x2: {  	[smem:$0x3F7E] =	sst lr;
	_ =	strace $0xD0000000  }
0x3: {  	_ = 	snop  }
0x4: {  	_ = 	snop  }
0x5: {  	_ = 	snop  }
0x6: {  	_ = 	snop  }
0x7: {  	_ = 	snop  }
__scs_overlays_trampoline_lowered:
0x8: {  	[smem:$0x3F8D] =	sst s0  }
0x9: {  	[smem:$0x3F8E] =	sst s1  }
0xa: {  	[smem:$0x3F8F] =	sst s2  }
0xb: {  	[smem:$0x3F90] =	sst s3  }
0xc: {  	[smem:$0x3F91] =	sst s4  }
0xd: {  	[smem:$0x3F92] =	sst s5  }
0xe: {  	[smem:$0x3F93] =	sst s6  }
0xf: {  	[smem:$0x3F94] =	sst s7  }
0x10: {  	[smem:$0x3F95] =	sst s8  }
0x11: {  	[smem:$0x3F96] =	sst s9;
	s0 =	simm.s32 @!p0 $0x0  }
0x12: {  	s1 =	sld [smem:$0x3F7C];
	s0 =	simm.s32 @p0 $0x1  }
0x13: {  	[smem:$0x3F97] =	sst s0;
	s0 =	simm.s32 @!p1 $0x0  }
0x14: {  	s2 =	sld [smem:$0x3F7B];
	s0 =	simm.s32 @p1 $0x1  }
0x15: {  	[smem:$0x3F98] =	sst s0;
	s0 =	simm.s32 @!p2 $0x0  }
0x16: {  	s3 =	sld [smem:$0x3FDB];
	s0 =	simm.s32 @p2 $0x1  }
0x17: {  	s4 =	simm.s32 $0x1BF5;
	[smem:$0x3F9A] =	sst s0  }
0x18: {  	s0 =	sld [smem:$0x3F7D];
	_ =	swait.ge [sflag:s4], $0x0  }
0x19: {  	s7 =	sld [smem:$0x3F7E]  }
0x1a: {  	s8 =	sadd.s32 $0xFFFFE003, lr  }
0x1b: {  	s9 =	sadd.s32 $0xFFFFFEF7, lr;
	s5 =	simm.s32 $0xFFFFFFFF;
	p2 =	slt.u32 s8, $0xFFFFF086  }
0x1c: {  	p1 =	slt.u32 s9, $0xF7A;
	s5 =	simm.s32 @!p2 $0x0  }
0x1d: {  	s5 =	simm.s32 @p1 $0x1;
	p0 =	seq.s32 s7, s2  }
0x1e: {  	s7 =	smul.u32 @!p0 $0xF7A, s2;
	p2 =	seq.s32 @!p0 s5, $0x0  }
0x1f: {  	s9 =	smul.u32 $0xF7A, s1;
	s8 =	simm.s32 @!p0 $0x1BF5;
	p2 =	por !p2, p0  }
0x20: {  	[sflag:s8] =	ssyncset.s32 @!p0 $0xFFFFF086;
	s6 =	sadd.s32 @!p0 s3, s7;
	s7 =	simm.s32 @!p0 $0x108  }
0x21: {  	s3 =	sadd.s32 s3, s9;
	s6 =	sadd.s32 @!p0 $0x88, s6;
	s7 =	simm.s32 @p2 $0x1082  }
0x22: {  	[simem:s7], [sflag:s8] =	dma.local @!p0 [hbm:s6], $0xF7A  }
0x23: {  	s9 =	sor.u32 $0xD0000000, s2;
	s6 =	simm.s32 $0x108;
	_ =	swait.ge @!p0 [sflag:s8], $0x0  }
0x24: {  	s3 =	sadd.s32 $0x88, s3;
	s6 =	simm.s32 @!p1 $0x1082;
	[sflag:s4] =	ssyncset.s32 $0xFFFFF086  }
0x25: {  	[simem:s6], [sflag:s4] =	dma.local [hbm:s3], $0xF7A  }
0x26: {  	[smem:$0x3F7E] =	sst s1;
	(tag) =	ssettag s2;
	_ =	strace s9  }
0x27: {  	s1 =	sld [smem:$0x3F8E]  }
0x28: {  	s2 =	sld [smem:$0x3F8F]  }
0x29: {  	s4 =	sld [smem:$0x3F91]  }
0x2a: {  	p0 =	seq.s32 s5, $0x0;
	s5 =	sld [smem:$0x3F92]  }
0x2b: {  	s6 =	sld [smem:$0x3F93]  }
0x2c: {  	s7 =	sld [smem:$0x3F94]  }
0x2d: {  	s3 =	simm.s32 $0x108;
	s8 =	sld [smem:$0x3F95]  }
0x2e: {  	s3 =	simm.s32 @!p0 $0x1082;
	s9 =	sld [smem:$0x3F96]  }
0x2f: {  	lr =	sadd.s32 s0, s3;
	s0 =	sld [smem:$0x3F8D]  }
0x30: {  	s3 =	sld [smem:$0x3F90]  }
0x31: {  	[smem:$0x3F99] =	sst s10  }
0x32: {  	s10 =	sld [smem:$0x3F97];
	_ =	sdelay $0x3  }
0x33: {  	p0 =	seq.s32 s10, $0x1;
	s10 =	sld [smem:$0x3F99];
	_ =	sdelay $0x3  }
0x34: {  	[smem:$0x3F99] =	sst s10  }
0x35: {  	s10 =	sld [smem:$0x3F98];
	_ =	sdelay $0x3  }
0x36: {  	p1 =	seq.s32 s10, $0x1;
	s10 =	sld [smem:$0x3F99];
	_ =	sdelay $0x3  }
0x37: {  	[smem:$0x3F99] =	sst s10  }
0x38: {  	s10 =	sld [smem:$0x3F9A]  }
0x39: {  	_ = 	snop;
	(pc) =	sbr.ind lr, $3  }
0x3a: {  	_ = 	snop  }
0x3b: {  	_ = 	snop  }
0x3c: {  	p2 =	seq.s32 s10, $0x1;
	s10 =	sld [smem:$0x3F99]  }
0x3d: {  	_ =	shalt  }
0x3e: {  	_ =	shalt  }
0x3f: {  	_ =	shalt  }
0x40: {  	_ =	shalt  }
0x41: {  	_ =	shalt  }
0x42: {  	_ =	shalt  }
0x43: {  	_ =	shalt  }
0x44: {  	_ =	shalt  }
0x45: {  	_ =	shalt  }
0x46: {  	_ =	shalt  }
0x47: {  	_ =	shalt  }
0x48: {  	_ =	shalt  }
0x49: {  	_ =	shalt  }
0x4a: {  	_ =	shalt  }
0x4b: {  	_ =	shalt  }
0x4c: {  	_ =	shalt  }
0x4d: {  	_ =	shalt  }
0x4e: {  	_ =	shalt  }
0x4f: {  	_ =	shalt  }
0x50: {  	_ =	shalt  }
0x51: {  	_ =	shalt  }
0x52: {  	_ =	shalt  }
0x53: {  	_ =	shalt  }
0x54: {  	_ =	shalt  }
0x55: {  	_ =	shalt  }
0x56: {  	_ =	shalt  }
0x57: {  	_ =	shalt  }
0x58: {  	_ =	shalt  }
0x59: {  	_ =	shalt  }
0x5a: {  	_ =	shalt  }
0x5b: {  	_ =	shalt  }
0x5c: {  	_ =	shalt  }
0x5d: {  	_ =	shalt  }
0x5e: {  	_ =	shalt  }
0x5f: {  	_ =	shalt  }
0x60: {  	_ =	shalt  }
0x61: {  	_ =	shalt  }
0x62: {  	_ =	shalt  }
0x63: {  	_ =	shalt  }
0x64: {  	_ =	shalt  }
0x65: {  	_ =	shalt  }
0x66: {  	_ =	shalt  }
0x67: {  	_ =	shalt  }
0x68: {  	_ =	shalt  }
0x69: {  	_ =	shalt  }
0x6a: {  	_ =	shalt  }
0x6b: {  	_ =	shalt  }
0x6c: {  	_ =	shalt  }
0x6d: {  	_ =	shalt  }
0x6e: {  	_ =	shalt  }
0x6f: {  	_ =	shalt  }
0x70: {  	_ =	shalt  }
0x71: {  	_ =	shalt  }
0x72: {  	_ =	shalt  }
0x73: {  	_ =	shalt  }
0x74: {  	_ =	shalt  }
0x75: {  	_ =	shalt  }
0x76: {  	_ =	shalt  }
0x77: {  	_ =	shalt  }
0x78: {  	_ =	shalt  }
0x79: {  	_ =	shalt  }
0x7a: {  	_ =	shalt  }
0x7b: {  	_ =	shalt  }
0x7c: {  	_ =	shalt  }
0x7d: {  	_ =	shalt  }
0x7e: {  	_ =	shalt  }
0x7f: {  	_ =	shalt  }
0x80: {  	_ =	shalt  }
0x81: {  	_ =	shalt  }
0x82: {  	_ =	shalt  }
0x83: {  	_ =	shalt  }
0x84: {  	_ =	shalt  }
0x85: {  	_ =	shalt  }
0x86: {  	_ =	shalt  }
0x87: {  	_ =	shalt  }
.Lfunc_end0:
.L_simem_size_0:
called_computation_lowered:
.L_overlay_start_0:
0x88: {  	s2 =	sld [smem:$0x3FD9]  }
0x89: {  	s3 =	sld [smem:$0x3FFE];
	_ =	sdelay $0x1  }
0x8a: {  	s1 =	srdreg.scid  }
0x8b: {  	s0 =	sand.u32 $0x1, s1  }
0x8c: {  	s16 =	sshll.u32 s0, $0xA;
	s2 =	sadd.s32 s3, s2  }
0x8d: {  	s2 =	sadd.s32 s2, s16  }
0x8e: {  	[smem:$0x3FA5] =	sst s2  }
0x8f: {  	_ = 	snop  }
0x90: {  	(tm) =	ssettm $0x1  }
0x91: {  	s17 =	sld [smem:$0x3FFB];
	_ =	sdelay $0x3  }
0x92: {  	_ =	strace s17  }
0x93: {  	s2 =	sld [smem:$0x3FFC];
	_ =	sdelay $0x3  }
0x94: {  	_ =	strace s2  }
0x95: {  	s2 =	sld [smem:$0x3FFD];
	_ =	sdelay $0x3  }
0x96: {  	_ =	strace s2  }
0x97: {  	_ =	strace $0x8FFFFFFF  }
0x98: {  	s18 =	sld [smem:$0x3FDB];
	_ =	sdelay $0x1  }
0x99: {  	s19 =	simm.s32 $_scs_section_size  }
0x9a: {  	s4 =	simm.s32 $_size__tile_overlayer_lowered;
	s5 =	simm.s32 $_tile_overlayer_lowered  }
0x9b: {  	s22 =	simm.s32 $0x1BFF;
	s21 =	sshll.u32 s5, $0x1;
	s2 =	sadd.s32 s19, s18  }
0x9c: {  	s6 =	simm.s32 $0x0;
	s20 =	sshll.u32 s4, $0x1;
	s4 =	sadd.s32 s21, s2  }
0x9d: {  	[timem:s6], [sflag:s22] =	dma.local [hbm:s4], s20  }
0x9e: {  	_ =	swait.ge [sflag:s22], s20  }
0x9f: {  	s3 =	ssub.s32 $0x0, s20;
	[sflag:s22] =	ssyncset.done $0x0  }
0xa0: {  	[sflag:s22] =	ssyncadd.s32 s3;
	_ =	sdelay $0x1  }
0xa1: {  	s23 =	simm.s32 $0x1B8B  }
0xa2: {  	_ =	swait.ge [sflag:s23], $0x1  }
0xa3: {  	[sflag:s23] =	ssyncset.done $0x0  }
0xa4: {  	s25 =	simm.s32 $0x1B8E;
	s24 =	sld [smem:$0x3FFE];
	[sflag:s23] =	ssyncadd.s32 $0xFFFFFFFF  }
0xa5: {  	s26 =	simm.s32 $execute0_lowered;
	[smem:$0x3FD2] =	sst s25  }
0xa6: {  	s4 =	sshll.u32 s26, $0x1;
	_ =	strace $0x80000046;
	[dreg:$0x1] =	wrdreg $0xFFFFFFFF  }
0xa7: {  	s28 =	simm.s32 $_size_execute0_lowered;
	s2 =	sadd.s32 s2, s4;
	[dreg:$0x0] =	wrdreg $0x0  }
0xa8: {  	s4 =	sshll.u32 s28, $0x1;
	[dreg:$0x2] =	wrdreg s2  }
0xa9: {  	[dreg:$0x3] =	wrdreg s4  }
0xaa: {  	[dreg:$0x4] =	wrdreg $0xC0  }
0xab: {  	_ =	task [dreg:s6], $0x5FFFF  }
0xac: {  	[dreg:$0x1] =	wrdreg $0xFFFFFFFF  }
0xad: {  	[dreg:$0x0] =	wrdreg $0x60  }
0xae: {  	[dreg:$0x2] =	wrdreg s24  }
0xaf: {  	[dreg:$0x3] =	wrdreg $0xFFA00  }
0xb0: {  	[dreg:$0x4] =	wrdreg $0x9  }
0xb1: {  	_ =	task.clear_ibuf [dreg:s6], $0x5FFFF;
	_ =	strace $0x90000046  }
0xb2: {  	s29 =	simm.s32 $0x9;
	_ =	strace $0x80000048  }
0xb3: {  	_ =	swait.ge [sflag:s29], $0x1  }
0xb4: {  	[sflag:s29] =	ssyncadd.s32 $0xFFFFFFFF  }
0xb5: {  	_ =	strace $0x90000048  }
0xb6: {  	_ =	sfence  }
0xb7: {  	s30 =	sld [smem:$0x0];
	_ =	sdelay $0x2  }
0xb8: {  	s31 =	sshll.u32 s1, $0xD;
	s1 =	sshrl.u32 s1, $0x2  }
0xb9: {  	s3 =	sand.u32 $0x4000, s31;
	s1 =	sadd.s32 s1, s30  }
0xba: {  	s0 =	sor.u32 s3, s0;
	s1 =	sshll.u32 s1, $0x11  }
0xbb: {  	s0 =	sor.u32 s1, s0  }
0xbc: {  	s0 =	sadd.s32 $0x8F2B, s0  }
0xbd: {  	[sflag:s0] =	ssyncadd.remote.s32 $0x1  }
0xbe: {  	_ =	sfence.sel $0xFFFF  }
0xbf: {  	[dreg:$0x0] =	wrdreg $0xFFFFFFFF;
	(pc) =	sbr.abs _section_cstart, $3  }
0xc0: {  	[dreg:$0x1] =	wrdreg $0xFFFFFFFF  }
0xc1: {  	_ =	task.clear_ibuf [dreg:s6], $0x2FFFF;
	_ =	strace $0x9FFFFFFF  }
0xc2: {  	(tm) =	ssettm $0x7FFFFFFF  }
0xc3: {  	_ =	shalt  }
tec
execute0_lowered:
.L_overlay_start_1:
0x0: {  	(tag) =	ssettag $0x1  }
0x1: {  	s8 =	rddreg [dreg:$0x0]  }
0x2: {  	s1 =	rddreg [dreg:$0x1]  }
0x3: {  	s0 =	rddreg [dreg:$0x2];
	s2 =	simm.s32 $0x0;
	s9 =	srdreg.scid  }
0x4: {  	s3 =	stileid.u32;
	s17 =	simm.s32 $0xA0;
	s18 =	simm.s32 $0x5A0  }
0x5: {  	s19 =	simm.s32 $0x1;
	s20 =	simm.s32 $0xA5A0;
	[smem:$0x7FF] =	sst s2  }
0x6: {  	s4 =	sadd.s32 $0x151600, s8;
	s5 =	sadd.s32 $0xF000, s8;
	s6 =	sadd.s32 $0x5200, s8  }
0x7: {  	s7 =	sadd.s32 $0x18E00, s8;
	s9 =	sand.u32 $0x1, s9;
	s10 =	smul.u32 $0x13800, s3  }
0x8: {  	s13 =	sadd.s32 $0xB5200, s8;
	s11 =	smul.u32 $0x4E00, s3;
	s14 =	sshll.u32 s3, $0x1  }
0x9: {  	p0 =	seq.s32 s3, $0xF;
	_ =	strace $0x80000047;
	s25 =	ssub.s32 $0x2, s9  }
0xa: {  	s15 =	smul.u32 $0x4E200, s9;
	s26 =	sor.u32 s9, s14;
	s9 =	sadd.s32 $0x49200, s1  }
0xb: {  	s12 =	sshrl.u32 s25, $0x1;
	s28 =	sshrl.u32 s10, $0x2;
	s10 =	smul.u32 $0x7D, s26  }
0xc: {  	s16 =	ssub.s32 s25, s12;
	s8 =	sadd.s32 s28, s1;
	s29 =	sadd.s32 s11, s15  }
0xd: {  	s31 =	sshrl.u32 s15, $0x3;
	s11 =	sadd.s32 s11, s1;
	s30 =	sshrl.u32 s29, $0x3  }
0xe: {  	s15 =	simm.s32 $0x2;
	s12 =	sadd.s32 s13, s30;
	s13 =	sadd.s32 s13, s31  }
0xf: {  	v0 =	vimm.f32 $0.0e+00;
	s14 =	smax.u32 s16, $0x1;
	s16 =	simm.s32 $0x50;
	s13 =	sadd.s32 $0x9240, s13  }
.LBB2_1:
0x10: {  	s21 =	simm.s32 $0x80;
	s22 =	simm.s32 $0x0  }
.LBB2_2:
0x11: {  	p1 =	sne.s32 s21, $0x13F80;
	[tilespmem:s22+$0xAFA0] =	vst v0;
	s23 =	smov.u32 s21;
	s21 =	sadd.s32 $0x80, s21  }
.Ltmp0:
0x12: {  	[tilespmem:s22+$0xAFB0] =	vst v0;
	(pc) =	sbr.rel @p1 .LBB2_2-.Ltmp0, $2  }
0x13: {  	_ =	sdelay $0x2  }
0x14: {  	s22 =	sshra.s32 s23, $0x2  }
0x15: {  	[tilespmem:s22+$0xAFA0] =	vst v0  }
0x16: {  	[tilespmem:s22+$0xAFB0] =	vst v0;
	s21 =	simm.s32 @p0 $0xAFA0  }
0x17: {  	[spmem:s9] =	stream.linear.scatter @p0 [tilespmem:s21], [sflag:$0x2], $0x5000, $0x38;
	[tilespmem:$0x14DC0] =	vst v63  }
0x18: {  	s21 =	simm.s32 @p0 $0x2  }
0x19: {  	_ =	swait.ge @p0 [sflag:s21], $0x5000  }
0x1a: {  	[sflag:s21] =	ssyncset.done @p0 $0x0  }
0x1b: {  	[sflag:s21] =	ssyncadd.s32 @p0 $0xFFFFB000;
	s21 =	simm.s32 @!p0 $0xAFA0  }
0x1c: {  	[spmem:s8] =	stream.linear.scatter @!p0 [tilespmem:s21], [sflag:$0x2], $0x4E00, $0x38;
	[tilespmem:$0x14DC0] =	vst v63  }
0x1d: {  	s21 =	simm.s32 @!p0 $0x2  }
0x1e: {  	_ =	swait.ge @!p0 [sflag:s21], $0x4E00  }
0x1f: {  	[sflag:s21] =	ssyncset.done @!p0 $0x0  }
0x20: {  	[sflag:s21] =	ssyncadd.s32 @!p0 $0xFFFFB200  }
0x21: {  	s22 =	simm.s32 $0x0;
	s21 =	simm.s32 $0x0;
	[bflag:$0x0] =	sbarrier.arrive $0xFFFF  }
.LBB2_4:
0x22: {  	s23 =	sadd.s32 s10, s22  }
0x23: {  	s24 =	smul.u32 $0xA, s23;
	_ =	sdelay $0x1  }
0x24: {  	s25 =	sadd.s32 s5, s24  }
0x25: {  	[tilespmem:s21], [sflag:$0x2] =	stream.linear.gather [hbm4b:s25+s21], $0x50, $0x38;
	[tilespmem:$0x14DC0] =	vst v63  }
0x26: {  	_ =	swait.ge [sflag:s15], $0x50  }
0x27: {  	[sflag:s15] =	ssyncset.done $0x0  }
0x28: {  	s24 =	sadd.s32 s6, s24;
	[sflag:s15] =	ssyncadd.s32 $0xFFFFFFB0  }
0x29: {  	[tilespmem:s16], [sflag:$0x2] =	stream.linear.gather [hbm4b:s24+s21], $0x50, $0x38;
	[tilespmem:$0x14DC0] =	vst v63  }
0x2a: {  	s23 =	smul.u32 $0xA0, s23;
	_ =	swait.ge [sflag:s15], $0x50  }
0x2b: {  	[sflag:s15] =	ssyncset.done $0x0  }
0x2c: {  	s23 =	sadd.s32 s7, s23;
	[sflag:s15] =	ssyncadd.s32 $0xFFFFFFB0  }
0x2d: {  	[tilespmem:s17], [sflag:$0x2] =	stream.linear.gather [hbm4b:s23+s21], $0x500, $0x38;
	[tilespmem:$0x14DC0] =	vst v63  }
0x2e: {  	_ =	swait.ge [sflag:s15], $0x500  }
0x2f: {  	[sflag:s15] =	ssyncset.done $0x0  }
0x30: {  	[sflag:s15] =	ssyncadd.s32 $0xFFFFFB00  }
0x31: {  	[tilespmem:s18], [sflag:$0x1] =	stream.indirect.gather [hbm4b:s4+s16], $0x200, s21, s16, $0xb8;
	[tilespmem:$0x14DC0] =	vst v63  }
0x32: {  	_ =	swait.ge [sflag:s19], $0xA000  }
0x33: {  	[sflag:s19] =	ssyncset.done $0x0  }
0x34: {  	s31 =	simm.s32 $0x0;
	[sflag:s19] =	ssyncadd.s32 $0xFFFF6000  }
0x35: {  	s23 =	simm.s32 $0x6A0;
	v1 =	vld [tilespmem:s31+$0xA0]  }
0x36: {  	v2 =	vld [tilespmem:s23+$0xFFFFFF10]  }
0x37: {  	v3 =	vld [tilespmem:s23+$0xFFFFFF00]  }
0x38: {  	v4 =	vld [tilespmem:s23+$0xFFFFFF30]  }
0x39: {  	v5 =	vld [tilespmem:s23+$0xFFFFFF20]  }
0x3a: {  	v7 =	vld [tilespmem:s23+$0xFFFFFF50];
	v6 =	vbroadcast v1, $0x0  }
0x3b: {  	v9 =	vld [tilespmem:s23+$0xFFFFFF40];
	v8 =	vbroadcast v1, $0x1  }
0x3c: {  	v62 =	vld [tilespmem:s23+$0xFFFFFF70];
	v3 =	vmul.f32 v3, v6;
	v2 =	vmul.f32 v2, v6  }
0x3d: {  	v11 =	vld [tilespmem:s23+$0xFFFFFF60];
	v10 =	vbroadcast v1, $0x2;
	v4 =	vmul.f32 v4, v8  }
0x3e: {  	v63 =	vld [tilespmem:s23+$0xFFFFFF90];
	v5 =	vmul.f32 v5, v8;
	v3 =	vadd.f32 $0.0e+00, v3;
	v2 =	vadd.f32 $0.0e+00, v2  }
0x3f: {  	v13 =	vld [tilespmem:s23+$0xFFFFFF80];
	v12 =	vbroadcast v1, $0x3;
	v7 =	vmul.f32 v7, v10  }
0x40: {  	v19 =	vld [tilespmem:s23+$0xFFFFFFA0];
	v16 =	vmul.f32 v9, v10;
	v3 =	vadd.f32 v5, v3;
	v2 =	vadd.f32 v4, v2  }
0x41: {  	v17 =	vld [tilespmem:s23+$0xFFFFFFB0];
	v18 =	vbroadcast v1, $0x4;
	v6 =	vmul.f32 v62, v12  }
0x42: {  	v23 =	vld [tilespmem:s23+$0xFFFFFFC0];
	v20 =	vmul.f32 v11, v12;
	v3 =	vadd.f32 v16, v3;
	v2 =	vadd.f32 v7, v2  }
0x43: {  	v21 =	vld [tilespmem:s23+$0xFFFFFFD0];
	v22 =	vbroadcast v1, $0x5;
	v8 =	vmul.f32 v63, v18  }
0x44: {  	v27 =	vld [tilespmem:s23+$0xFFFFFFE0];
	v24 =	vmul.f32 v13, v18;
	v3 =	vadd.f32 v20, v3;
	v2 =	vadd.f32 v6, v2  }
0x45: {  	v25 =	vld [tilespmem:s23+$0xFFFFFFF0];
	v26 =	vbroadcast v1, $0x6;
	v28 =	vmul.f32 v19, v22  }
0x46: {  	v31 =	vld [tilespmem:s23+$0x0];
	v5 =	vmul.f32 v17, v22;
	v3 =	vadd.f32 v24, v3;
	v2 =	vadd.f32 v8, v2  }
0x47: {  	v29 =	vld [tilespmem:s23+$0x10];
	v30 =	vbroadcast v1, $0x7;
	v32 =	vmul.f32 v23, v26  }
0x48: {  	v35 =	vld [tilespmem:s23+$0x20];
	v7 =	vmul.f32 v21, v26;
	v3 =	vadd.f32 v28, v3;
	v2 =	vadd.f32 v5, v2  }
0x49: {  	v33 =	vld [tilespmem:s23+$0x30];
	v34 =	vbroadcast v1, $0x8;
	v36 =	vmul.f32 v27, v30  }
0x4a: {  	v39 =	vld [tilespmem:s23+$0x40];
	v6 =	vmul.f32 v25, v30;
	v3 =	vadd.f32 v32, v3;
	v2 =	vadd.f32 v7, v2  }
0x4b: {  	v37 =	vld [tilespmem:s23+$0x50];
	v38 =	vbroadcast v1, $0x9;
	v40 =	vmul.f32 v31, v34  }
0x4c: {  	v43 =	vld [tilespmem:s23+$0x60];
	v8 =	vmul.f32 v29, v34;
	v3 =	vadd.f32 v36, v3;
	v2 =	vadd.f32 v6, v2  }
0x4d: {  	v41 =	vld [tilespmem:s23+$0x70];
	v42 =	vbroadcast v1, $0xA;
	v44 =	vmul.f32 v35, v38  }
0x4e: {  	v47 =	vld [tilespmem:s23+$0x80];
	v5 =	vmul.f32 v33, v38;
	v3 =	vadd.f32 v40, v3;
	v2 =	vadd.f32 v8, v2  }
0x4f: {  	v45 =	vld [tilespmem:s23+$0x90];
	v46 =	vbroadcast v1, $0xB;
	v48 =	vmul.f32 v39, v42  }
0x50: {  	v51 =	vld [tilespmem:s23+$0xA0];
	v7 =	vmul.f32 v37, v42;
	v3 =	vadd.f32 v44, v3;
	v2 =	vadd.f32 v5, v2  }
0x51: {  	v49 =	vld [tilespmem:s23+$0xB0];
	v50 =	vbroadcast v1, $0xC;
	v52 =	vmul.f32 v43, v46  }
0x52: {  	v55 =	vld [tilespmem:s23+$0xC0];
	v6 =	vmul.f32 v41, v46;
	v3 =	vadd.f32 v48, v3;
	v2 =	vadd.f32 v7, v2  }
0x53: {  	v53 =	vld [tilespmem:s23+$0xD0];
	v54 =	vbroadcast v1, $0xD;
	v56 =	vmul.f32 v47, v50  }
0x54: {  	v57 =	vld [tilespmem:s23+$0xF0];
	v8 =	vmul.f32 v45, v50;
	v3 =	vadd.f32 v52, v3;
	v2 =	vadd.f32 v6, v2  }
0x55: {  	v59 =	vld [tilespmem:s23+$0xE0];
	v58 =	vbroadcast v1, $0xE;
	v60 =	vmul.f32 v51, v54  }
0x56: {  	v5 =	vmul.f32 v49, v54;
	v3 =	vadd.f32 v56, v3;
	v2 =	vadd.f32 v8, v2  }
0x57: {  	v1 =	vbroadcast v1, $0xF;
	v61 =	vmul.f32 v55, v58  }
0x58: {  	v7 =	vmul.f32 v53, v58;
	v3 =	vadd.f32 v60, v3;
	v2 =	vadd.f32 v5, v2  }
0x59: {  	v62 =	vmul.f32 v57, v1  }
0x5a: {  	v1 =	vmul.f32 v59, v1;
	v3 =	vadd.f32 v61, v3;
	v63 =	vadd.f32 v7, v2;
	_ =	sdelay $0x1  }
0x5b: {  	s26 =	simm.s32 $0xA5B0;
	s25 =	simm.s32 $0x40;
	s24 =	simm.s32 $0xA5B0;
	v2 =	vadd.f32 v1, v3;
	v1 =	vadd.f32 v62, v63  }
.LBB2_5:
0x5c: {  	_ = 	snop  }
0x5d: {  	p1 =	sne.s32 s25, $0x13C0;
	s26 =	sadd.s32 $0x20, s26;
	s23 =	sadd.s32 $0x200, s23;
	[tilespmem:s24+$0xFFFFFFF0] =	vst v2  }
0x5e: {  	s28 =	sshra.s32 s25, $0x2;
	s25 =	sadd.s32 $0x40, s25;
	[tilespmem:s24+$0x0] =	vst v1;
	s24 =	smov.u32 s26  }
0x5f: {  	v1 =	vld [tilespmem:s28+$0xA0]  }
0x60: {  	v2 =	vld [tilespmem:s23+$0xFFFFFF10]  }
0x61: {  	v3 =	vld [tilespmem:s23+$0xFFFFFF00]  }
0x62: {  	v4 =	vld [tilespmem:s23+$0xFFFFFF30]  }
0x63: {  	v5 =	vld [tilespmem:s23+$0xFFFFFF20]  }
0x64: {  	v6 =	vbroadcast v1, $0x0;
	v7 =	vbroadcast v1, $0x1;
	v8 =	vld [tilespmem:s23+$0xFFFFFF50]  }
0x65: {  	v10 =	vbroadcast v1, $0x2;
	v11 =	vbroadcast v1, $0x3;
	v9 =	vld [tilespmem:s23+$0xFFFFFF40]  }
0x66: {  	v3 =	vmul.f32 v3, v6;
	v2 =	vmul.f32 v2, v6;
	v6 =	vld [tilespmem:s23+$0xFFFFFF70]  }
0x67: {  	v13 =	vbroadcast v1, $0x4;
	v4 =	vmul.f32 v4, v7;
	v12 =	vld [tilespmem:s23+$0xFFFFFF60]  }
0x68: {  	v3 =	vadd.f32 $0.0e+00, v3;
	v2 =	vadd.f32 $0.0e+00, v2;
	v5 =	vmul.f32 v5, v7;
	v7 =	vld [tilespmem:s23+$0xFFFFFF90]  }
0x69: {  	v15 =	vbroadcast v1, $0x5;
	v8 =	vmul.f32 v8, v10;
	v14 =	vld [tilespmem:s23+$0xFFFFFF80]  }
0x6a: {  	v3 =	vadd.f32 v5, v3;
	v2 =	vadd.f32 v4, v2;
	v4 =	vmul.f32 v9, v10;
	v5 =	vld [tilespmem:s23+$0xFFFFFFB0]  }
0x6b: {  	v10 =	vbroadcast v1, $0x6;
	v6 =	vmul.f32 v6, v11;
	v9 =	vld [tilespmem:s23+$0xFFFFFFA0]  }
0x6c: {  	v3 =	vadd.f32 v4, v3;
	v2 =	vadd.f32 v8, v2;
	v4 =	vmul.f32 v12, v11;
	v8 =	vld [tilespmem:s23+$0xFFFFFFD0]  }
0x6d: {  	v12 =	vbroadcast v1, $0x7;
	v7 =	vmul.f32 v7, v13;
	v11 =	vld [tilespmem:s23+$0xFFFFFFC0]  }
0x6e: {  	v3 =	vadd.f32 v4, v3;
	v2 =	vadd.f32 v6, v2;
	v4 =	vmul.f32 v14, v13;
	v6 =	vld [tilespmem:s23+$0xFFFFFFF0]  }
0x6f: {  	v14 =	vbroadcast v1, $0x8;
	v5 =	vmul.f32 v5, v15;
	v13 =	vld [tilespmem:s23+$0xFFFFFFE0]  }
0x70: {  	v3 =	vadd.f32 v4, v3;
	v2 =	vadd.f32 v7, v2;
	v4 =	vmul.f32 v9, v15;
	v7 =	vld [tilespmem:s23+$0x10]  }
0x71: {  	v15 =	vbroadcast v1, $0x9;
	v8 =	vmul.f32 v8, v10;
	v9 =	vld [tilespmem:s23+$0x0]  }
0x72: {  	v3 =	vadd.f32 v4, v3;
	v2 =	vadd.f32 v5, v2;
	v4 =	vmul.f32 v11, v10;
	v5 =	vld [tilespmem:s23+$0x30]  }
0x73: {  	v11 =	vbroadcast v1, $0xA;
	v6 =	vmul.f32 v6, v12;
	v10 =	vld [tilespmem:s23+$0x20]  }
0x74: {  	v3 =	vadd.f32 v4, v3;
	v2 =	vadd.f32 v8, v2;
	v4 =	vmul.f32 v13, v12;
	v8 =	vld [tilespmem:s23+$0x50]  }
0x75: {  	v13 =	vbroadcast v1, $0xB;
	v7 =	vmul.f32 v7, v14;
	v12 =	vld [tilespmem:s23+$0x40]  }
0x76: {  	v3 =	vadd.f32 v4, v3;
	v2 =	vadd.f32 v6, v2;
	v4 =	vmul.f32 v9, v14;
	v6 =	vld [tilespmem:s23+$0x70]  }
0x77: {  	v14 =	vbroadcast v1, $0xC;
	v5 =	vmul.f32 v5, v15;
	v9 =	vld [tilespmem:s23+$0x60]  }
0x78: {  	v3 =	vadd.f32 v4, v3;
	v2 =	vadd.f32 v7, v2;
	v4 =	vmul.f32 v10, v15;
	v7 =	vld [tilespmem:s23+$0x90]  }
0x79: {  	v15 =	vbroadcast v1, $0xD;
	v8 =	vmul.f32 v8, v11;
	v10 =	vld [tilespmem:s23+$0x80]  }
0x7a: {  	v3 =	vadd.f32 v4, v3;
	v2 =	vadd.f32 v5, v2;
	v4 =	vmul.f32 v12, v11;
	v5 =	vld [tilespmem:s23+$0xB0]  }
0x7b: {  	v12 =	vbroadcast v1, $0xE;
	v6 =	vmul.f32 v6, v13;
	v11 =	vld [tilespmem:s23+$0xA0]  }
0x7c: {  	v3 =	vadd.f32 v4, v3;
	v2 =	vadd.f32 v8, v2;
	v4 =	vmul.f32 v9, v13;
	v8 =	vld [tilespmem:s23+$0xD0]  }
0x7d: {  	v1 =	vbroadcast v1, $0xF;
	v7 =	vmul.f32 v7, v14;
	v9 =	vld [tilespmem:s23+$0xC0]  }
0x7e: {  	v3 =	vadd.f32 v4, v3;
	v2 =	vadd.f32 v6, v2;
	v4 =	vmul.f32 v10, v14;
	v6 =	vld [tilespmem:s23+$0xF0]  }
0x7f: {  	v5 =	vmul.f32 v5, v15;
	v10 =	vld [tilespmem:s23+$0xE0]  }
0x80: {  	v3 =	vadd.f32 v4, v3;
	v2 =	vadd.f32 v7, v2;
	v4 =	vmul.f32 v11, v15  }
0x81: {  	v7 =	vmul.f32 v8, v12  }
.Ltmp1:
0x82: {  	v3 =	vadd.f32 v4, v3;
	v2 =	vadd.f32 v5, v2;
	v4 =	vmul.f32 v9, v12;
	(pc) =	sbr.rel @p1 .LBB2_5-.Ltmp1, $3  }
0x83: {  	v5 =	vmul.f32 v6, v1  }
0x84: {  	v3 =	vadd.f32 v4, v3;
	v4 =	vadd.f32 v7, v2;
	v1 =	vmul.f32 v10, v1;
	_ =	sdelay $0x1  }
0x85: {  	v2 =	vadd.f32 v1, v3;
	v1 =	vadd.f32 v5, v4  }
0x86: {  	s22 =	sadd.s32 $0x1, s22  }
0x87: {  	[tilespmem:s24+$0xFFFFFFF0] =	vst v2;
	p1 =	sne.s32 s22, $0x7D  }
.Ltmp2:
0x88: {  	[tilespmem:s24+$0x0] =	vst v1;
	(pc) =	sbr.rel @p1 .LBB2_4-.Ltmp2, $4  }
0x89: {  	[spmem:s1] =	stream.indirect.scatter.add.f32 [tilespmem:s20], [sflag:$0x2], $0x20, s16, s16, $0xb8;
	[tilespmem:$0x14DC0] =	vst v63  }
0x8a: {  	_ =	swait.ge [sflag:s15], $0xA00  }
0x8b: {  	[sflag:s15] =	ssyncset.done $0x0  }
0x8c: {  	[sflag:s15] =	ssyncadd.s32 $0xFFFFF600  }
0x8d: {  	[bflag:$0x0] =	sbarrier.arrive $0xFFFF;
	s21 =	simm.s32 @p0 $0xAFA0;
	s22 =	simm.s32 @p0 $0x2  }
0x8e: {  	[tilespmem:s21], [sflag:$0x2] =	stream.linear.gather @p0 [spmem:s9], $0x5000, $0x38;
	[tilespmem:$0x14DC0] =	vst v63  }
0x8f: {  	_ =	swait.ge @p0 [sflag:s22], $0x5000  }
0x90: {  	[sflag:s22] =	ssyncset.done @p0 $0x0  }
0x91: {  	s23 =	simm.s32 @p0 $0x0;
	[sflag:s22] =	ssyncadd.s32 @p0 $0xFFFFB000  }
0x92: {  	[hbm4b:s13+s23] =	stream.linear.scatter @p0 [tilespmem:s21], [sflag:$0x2], $0x5000, $0x38;
	[tilespmem:$0x14DC0] =	vst v63  }
0x93: {  	_ =	swait.ge @p0 [sflag:s22], $0x5000  }
0x94: {  	[sflag:s22] =	ssyncset.done @p0 $0x0  }
0x95: {  	s21 =	simm.s32 @!p0 $0xAFA0;
	[sflag:s22] =	ssyncadd.s32 @p0 $0xFFFFB000;
	s22 =	simm.s32 @!p0 $0x2  }
0x96: {  	[tilespmem:s21], [sflag:$0x2] =	stream.linear.gather @!p0 [spmem:s11], $0x4E00, $0x38;
	[tilespmem:$0x14DC0] =	vst v63  }
0x97: {  	s2 =	sadd.s32 $0x1, s2;
	_ =	swait.ge @!p0 [sflag:s22], $0x4E00  }
0x98: {  	p1 =	sne.s32 s2, s14;
	[sflag:s22] =	ssyncset.done @!p0 $0x0  }
.Ltmp3:
0x99: {  	s23 =	simm.s32 @!p0 $0x0;
	[sflag:s22] =	ssyncadd.s32 @!p0 $0xFFFFB200;
	(pc) =	sbr.rel @p1 .LBB2_1-.Ltmp3, $4  }
0x9a: {  	[hbm4b:s12+s23] =	stream.linear.scatter @!p0 [tilespmem:s21], [sflag:$0x2], $0x4E00, $0x38;
	[tilespmem:$0x14DC0] =	vst v63  }
0x9b: {  	_ =	swait.ge @!p0 [sflag:s22], $0x4E00  }
0x9c: {  	[sflag:s22] =	ssyncset.done @!p0 $0x0  }
0x9d: {  	[sflag:s22] =	ssyncadd.s32 @!p0 $0xFFFFB200  }
0x9e: {  	_ =	sfence.sel $0x180000  }
0x9f: {  	[bflag:$0x0] =	sbarrier.arrive $0xFFFF  }
0xa0: {  	p0 =	sne.s32 s3, $0x0;
	_ =	strace $0x90000047  }
0xa1: {  	s0 =	sadd.s32 @!p0 $0x100000, s0;
	[bflag:$0x2] =	sbarrier.arrive $0xFFFF  }
0xa2: {  	[sflag:s0] =	ssyncadd.tile.s32 @!p0 $0x1;
	_ =	shalt  }
.Lfunc_end2:
_tile_overlayer_lowered:
.L_overlay_start_2:
0xa3: {  	(tag) =	ssettag $0x2  }
0xa4: {  	s0 =	rddreg [dreg:$0x0];
	s2 =	stileid.u32  }
0xa5: {  	s1 =	rddreg [dreg:$0x1];
	p0 =	sne.s32 s2, $0x0  }
0xa6: {  	s3 =	rddreg [dreg:$0x2];
	[bflag:$0x3] =	sbarrier.arrive $0xFFFF;
	s2 =	simm.s32 @!p0 $0x1C02  }
0xa7: {  	[timem:s3], [sflag:s2] =	dma.local @!p0 [hbm:s0], s1  }
0xa8: {  	s0 =	simm.s32 @!p0 $0x2  }
0xa9: {  	_ =	swait.ge @!p0 [sflag:s0], s1  }
0xaa: {  	s1 =	ssub.s32 @!p0 $0x0, s1;
	[sflag:s0] =	ssyncset.done @!p0 $0x0  }
0xab: {  	[sflag:s0] =	ssyncadd.s32 @!p0 s1  }
0xac: {  	[bflag:$0x3] =	sbarrier.arrive $0xFFFF  }
0xad: {  	_ =	shalt  }

// kernel: kernel.13.cloned.1.call-start
scs
__scs_entry_jumppad:
0x0: {  	(pc) =	sbr.rel $0x88, $3  }
0x1: {  	(tag) =	ssettag $0x0;
	lr =	simm.s32 $0x1  }
0x2: {  	[smem:$0x3F7E] =	sst lr;
	_ =	strace $0xD0000000  }
0x3: {  	_ = 	snop  }
0x4: {  	_ = 	snop  }
0x5: {  	_ = 	snop  }
0x6: {  	_ = 	snop  }
0x7: {  	_ = 	snop  }
__scs_overlays_trampoline_lowered:
0x8: {  	[smem:$0x3F8D] =	sst s0  }
0x9: {  	[smem:$0x3F8E] =	sst s1  }
0xa: {  	[smem:$0x3F8F] =	sst s2  }
0xb: {  	[smem:$0x3F90] =	sst s3  }
0xc: {  	[smem:$0x3F91] =	sst s4  }
0xd: {  	[smem:$0x3F92] =	sst s5  }
0xe: {  	[smem:$0x3F93] =	sst s6  }
0xf: {  	[smem:$0x3F94] =	sst s7  }
0x10: {  	[smem:$0x3F95] =	sst s8  }
0x11: {  	[smem:$0x3F96] =	sst s9;
	s0 =	simm.s32 @!p0 $0x0  }
0x12: {  	s1 =	sld [smem:$0x3F7C];
	s0 =	simm.s32 @p0 $0x1  }
0x13: {  	[smem:$0x3F97] =	sst s0;
	s0 =	simm.s32 @!p1 $0x0  }
0x14: {  	s2 =	sld [smem:$0x3F7B];
	s0 =	simm.s32 @p1 $0x1  }
0x15: {  	[smem:$0x3F98] =	sst s0;
	s0 =	simm.s32 @!p2 $0x0  }
0x16: {  	s3 =	sld [smem:$0x3FDB];
	s0 =	simm.s32 @p2 $0x1  }
0x17: {  	s4 =	simm.s32 $0x1BF5;
	[smem:$0x3F9A] =	sst s0  }
0x18: {  	s0 =	sld [smem:$0x3F7D];
	_ =	swait.ge [sflag:s4], $0x0  }
0x19: {  	s7 =	sld [smem:$0x3F7E]  }
0x1a: {  	s8 =	sadd.s32 $0xFFFFE003, lr  }
0x1b: {  	s9 =	sadd.s32 $0xFFFFFEF7, lr;
	s5 =	simm.s32 $0xFFFFFFFF;
	p2 =	slt.u32 s8, $0xFFFFF086  }
0x1c: {  	p1 =	slt.u32 s9, $0xF7A;
	s5 =	simm.s32 @!p2 $0x0  }
0x1d: {  	s5 =	simm.s32 @p1 $0x1;
	p0 =	seq.s32 s7, s2  }
0x1e: {  	s7 =	smul.u32 @!p0 $0xF7A, s2;
	p2 =	seq.s32 @!p0 s5, $0x0  }
0x1f: {  	s9 =	smul.u32 $0xF7A, s1;
	s8 =	simm.s32 @!p0 $0x1BF5;
	p2 =	por !p2, p0  }
0x20: {  	[sflag:s8] =	ssyncset.s32 @!p0 $0xFFFFF086;
	s6 =	sadd.s32 @!p0 s3, s7;
	s7 =	simm.s32 @!p0 $0x108  }
0x21: {  	s3 =	sadd.s32 s3, s9;
	s6 =	sadd.s32 @!p0 $0x88, s6;
	s7 =	simm.s32 @p2 $0x1082  }
0x22: {  	[simem:s7], [sflag:s8] =	dma.local @!p0 [hbm:s6], $0xF7A  }
0x23: {  	s9 =	sor.u32 $0xD0000000, s2;
	s6 =	simm.s32 $0x108;
	_ =	swait.ge @!p0 [sflag:s8], $0x0  }
0x24: {  	s3 =	sadd.s32 $0x88, s3;
	s6 =	simm.s32 @!p1 $0x1082;
	[sflag:s4] =	ssyncset.s32 $0xFFFFF086  }
0x25: {  	[simem:s6], [sflag:s4] =	dma.local [hbm:s3], $0xF7A  }
0x26: {  	[smem:$0x3F7E] =	sst s1;
	(tag) =	ssettag s2;
	_ =	strace s9  }
0x27: {  	s1 =	sld [smem:$0x3F8E]  }
0x28: {  	s2 =	sld [smem:$0x3F8F]  }
0x29: {  	s4 =	sld [smem:$0x3F91]  }
0x2a: {  	p0 =	seq.s32 s5, $0x0;
	s5 =	sld [smem:$0x3F92]  }
0x2b: {  	s6 =	sld [smem:$0x3F93]  }
0x2c: {  	s7 =	sld [smem:$0x3F94]  }
0x2d: {  	s3 =	simm.s32 $0x108;
	s8 =	sld [smem:$0x3F95]  }
0x2e: {  	s3 =	simm.s32 @!p0 $0x1082;
	s9 =	sld [smem:$0x3F96]  }
0x2f: {  	lr =	sadd.s32 s0, s3;
	s0 =	sld [smem:$0x3F8D]  }
0x30: {  	s3 =	sld [smem:$0x3F90]  }
0x31: {  	[smem:$0x3F99] =	sst s10  }
0x32: {  	s10 =	sld [smem:$0x3F97];
	_ =	sdelay $0x3  }
0x33: {  	p0 =	seq.s32 s10, $0x1;
	s10 =	sld [smem:$0x3F99];
	_ =	sdelay $0x3  }
0x34: {  	[smem:$0x3F99] =	sst s10  }
0x35: {  	s10 =	sld [smem:$0x3F98];
	_ =	sdelay $0x3  }
0x36: {  	p1 =	seq.s32 s10, $0x1;
	s10 =	sld [smem:$0x3F99];
	_ =	sdelay $0x3  }
0x37: {  	[smem:$0x3F99] =	sst s10  }
0x38: {  	s10 =	sld [smem:$0x3F9A]  }
0x39: {  	_ = 	snop;
	(pc) =	sbr.ind lr, $3  }
0x3a: {  	_ = 	snop  }
0x3b: {  	_ = 	snop  }
0x3c: {  	p2 =	seq.s32 s10, $0x1;
	s10 =	sld [smem:$0x3F99]  }
0x3d: {  	_ =	shalt  }
0x3e: {  	_ =	shalt  }
0x3f: {  	_ =	shalt  }
0x40: {  	_ =	shalt  }
0x41: {  	_ =	shalt  }
0x42: {  	_ =	shalt  }
0x43: {  	_ =	shalt  }
0x44: {  	_ =	shalt  }
0x45: {  	_ =	shalt  }
0x46: {  	_ =	shalt  }
0x47: {  	_ =	shalt  }
0x48: {  	_ =	shalt  }
0x49: {  	_ =	shalt  }
0x4a: {  	_ =	shalt  }
0x4b: {  	_ =	shalt  }
0x4c: {  	_ =	shalt  }
0x4d: {  	_ =	shalt  }
0x4e: {  	_ =	shalt  }
0x4f: {  	_ =	shalt  }
0x50: {  	_ =	shalt  }
0x51: {  	_ =	shalt  }
0x52: {  	_ =	shalt  }
0x53: {  	_ =	shalt  }
0x54: {  	_ =	shalt  }
0x55: {  	_ =	shalt  }
0x56: {  	_ =	shalt  }
0x57: {  	_ =	shalt  }
0x58: {  	_ =	shalt  }
0x59: {  	_ =	shalt  }
0x5a: {  	_ =	shalt  }
0x5b: {  	_ =	shalt  }
0x5c: {  	_ =	shalt  }
0x5d: {  	_ =	shalt  }
0x5e: {  	_ =	shalt  }
0x5f: {  	_ =	shalt  }
0x60: {  	_ =	shalt  }
0x61: {  	_ =	shalt  }
0x62: {  	_ =	shalt  }
0x63: {  	_ =	shalt  }
0x64: {  	_ =	shalt  }
0x65: {  	_ =	shalt  }
0x66: {  	_ =	shalt  }
0x67: {  	_ =	shalt  }
0x68: {  	_ =	shalt  }
0x69: {  	_ =	shalt  }
0x6a: {  	_ =	shalt  }
0x6b: {  	_ =	shalt  }
0x6c: {  	_ =	shalt  }
0x6d: {  	_ =	shalt  }
0x6e: {  	_ =	shalt  }
0x6f: {  	_ =	shalt  }
0x70: {  	_ =	shalt  }
0x71: {  	_ =	shalt  }
0x72: {  	_ =	shalt  }
0x73: {  	_ =	shalt  }
0x74: {  	_ =	shalt  }
0x75: {  	_ =	shalt  }
0x76: {  	_ =	shalt  }
0x77: {  	_ =	shalt  }
0x78: {  	_ =	shalt  }
0x79: {  	_ =	shalt  }
0x7a: {  	_ =	shalt  }
0x7b: {  	_ =	shalt  }
0x7c: {  	_ =	shalt  }
0x7d: {  	_ =	shalt  }
0x7e: {  	_ =	shalt  }
0x7f: {  	_ =	shalt  }
0x80: {  	_ =	shalt  }
0x81: {  	_ =	shalt  }
0x82: {  	_ =	shalt  }
0x83: {  	_ =	shalt  }
0x84: {  	_ =	shalt  }
0x85: {  	_ =	shalt  }
0x86: {  	_ =	shalt  }
0x87: {  	_ =	shalt  }
.Lfunc_end0:
.L_simem_size_0:
called_computation.1_lowered:
.L_overlay_start_0:
0x88: {  	s2 =	sld [smem:$0x3FD9]  }
0x89: {  	s3 =	sld [smem:$0x3FFE];
	_ =	sdelay $0x1  }
0x8a: {  	s1 =	srdreg.scid  }
0x8b: {  	s0 =	sand.u32 $0x1, s1  }
0x8c: {  	s16 =	sshll.u32 s0, $0xA;
	s2 =	sadd.s32 s3, s2  }
0x8d: {  	s2 =	sadd.s32 s2, s16  }
0x8e: {  	[smem:$0x3FA5] =	sst s2  }
0x8f: {  	_ = 	snop  }
0x90: {  	(tm) =	ssettm $0x1  }
0x91: {  	s17 =	sld [smem:$0x3FFB];
	_ =	sdelay $0x3  }
0x92: {  	_ =	strace s17  }
0x93: {  	s2 =	sld [smem:$0x3FFC];
	_ =	sdelay $0x3  }
0x94: {  	_ =	strace s2  }
0x95: {  	s2 =	sld [smem:$0x3FFD];
	_ =	sdelay $0x3  }
0x96: {  	_ =	strace s2  }
0x97: {  	_ =	strace $0x8FFFFFFF  }
0x98: {  	s18 =	sld [smem:$0x3FDB];
	_ =	sdelay $0x1  }
0x99: {  	s19 =	simm.s32 $_scs_section_size  }
0x9a: {  	s4 =	simm.s32 $_size__tile_overlayer_lowered;
	s5 =	simm.s32 $_tile_overlayer_lowered  }
0x9b: {  	s22 =	simm.s32 $0x1BFF;
	s21 =	sshll.u32 s5, $0x1;
	s2 =	sadd.s32 s19, s18  }
0x9c: {  	s6 =	simm.s32 $0x0;
	s20 =	sshll.u32 s4, $0x1;
	s4 =	sadd.s32 s21, s2  }
0x9d: {  	[timem:s6], [sflag:s22] =	dma.local [hbm:s4], s20  }
0x9e: {  	_ =	swait.ge [sflag:s22], s20  }
0x9f: {  	s3 =	ssub.s32 $0x0, s20;
	[sflag:s22] =	ssyncset.done $0x0  }
0xa0: {  	[sflag:s22] =	ssyncadd.s32 s3;
	_ =	sdelay $0x1  }
0xa1: {  	s23 =	simm.s32 $0x1B8B  }
0xa2: {  	_ =	swait.ge [sflag:s23], $0x1  }
0xa3: {  	[sflag:s23] =	ssyncset.done $0x0  }
0xa4: {  	s25 =	simm.s32 $0x1B8E;
	s24 =	sld [smem:$0x3FFE];
	[sflag:s23] =	ssyncadd.s32 $0xFFFFFFFF  }
0xa5: {  	s26 =	simm.s32 $execute0_lowered;
	[smem:$0x3FD2] =	sst s25  }
0xa6: {  	s4 =	sshll.u32 s26, $0x1;
	_ =	strace $0x80000049;
	[dreg:$0x1] =	wrdreg $0xFFFFFFFF  }
0xa7: {  	s28 =	simm.s32 $_size_execute0_lowered;
	s2 =	sadd.s32 s2, s4;
	[dreg:$0x0] =	wrdreg $0x0  }
0xa8: {  	s4 =	sshll.u32 s28, $0x1;
	[dreg:$0x2] =	wrdreg s2  }
0xa9: {  	[dreg:$0x3] =	wrdreg s4  }
0xaa: {  	[dreg:$0x4] =	wrdreg $0xC0  }
0xab: {  	_ =	task [dreg:s6], $0x5FFFF  }
0xac: {  	[dreg:$0x1] =	wrdreg $0xFFFFFFFF  }
0xad: {  	[dreg:$0x0] =	wrdreg $0x60  }
0xae: {  	[dreg:$0x2] =	wrdreg s24  }
0xaf: {  	[dreg:$0x3] =	wrdreg $0xFFA00  }
0xb0: {  	[dreg:$0x4] =	wrdreg $0x9  }
0xb1: {  	_ =	task.clear_ibuf [dreg:s6], $0x5FFFF;
	_ =	strace $0x90000049  }
0xb2: {  	s29 =	simm.s32 $0x9;
	_ =	strace $0x8000004B  }
0xb3: {  	_ =	swait.ge [sflag:s29], $0x1  }
0xb4: {  	[sflag:s29] =	ssyncadd.s32 $0xFFFFFFFF  }
0xb5: {  	_ =	strace $0x9000004B  }
0xb6: {  	_ =	sfence  }
0xb7: {  	s30 =	sld [smem:$0x0];
	_ =	sdelay $0x2  }
0xb8: {  	s31 =	sshll.u32 s1, $0xD;
	s1 =	sshrl.u32 s1, $0x2  }
0xb9: {  	s3 =	sand.u32 $0x4000, s31;
	s1 =	sadd.s32 s1, s30  }
0xba: {  	s0 =	sor.u32 s3, s0;
	s1 =	sshll.u32 s1, $0x11  }
0xbb: {  	s0 =	sor.u32 s1, s0  }
0xbc: {  	s0 =	sadd.s32 $0x8F2B, s0  }
0xbd: {  	[sflag:s0] =	ssyncadd.remote.s32 $0x1  }
0xbe: {  	_ =	sfence.sel $0xFFFF  }
0xbf: {  	[dreg:$0x0] =	wrdreg $0xFFFFFFFF;
	(pc) =	sbr.abs _section_cstart, $3  }
0xc0: {  	[dreg:$0x1] =	wrdreg $0xFFFFFFFF  }
0xc1: {  	_ =	task.clear_ibuf [dreg:s6], $0x2FFFF;
	_ =	strace $0x9FFFFFFF  }
0xc2: {  	(tm) =	ssettm $0x7FFFFFFF  }
0xc3: {  	_ =	shalt  }
tec
execute0_lowered:
.L_overlay_start_1:
0x0: {  	(tag) =	ssettag $0x1  }
0x1: {  	s8 =	rddreg [dreg:$0x0]  }
0x2: {  	s1 =	rddreg [dreg:$0x1]  }
0x3: {  	s0 =	rddreg [dreg:$0x2];
	s2 =	simm.s32 $0x0;
	s9 =	srdreg.scid  }
0x4: {  	s3 =	stileid.u32;
	s17 =	simm.s32 $0xA0;
	s18 =	simm.s32 $0x5A0  }
0x5: {  	s19 =	simm.s32 $0x1;
	s20 =	simm.s32 $0xA5A0;
	[smem:$0x7FF] =	sst s2  }
0x6: {  	s4 =	sadd.s32 $0xB5200, s8;
	s5 =	sadd.s32 $0xF000, s8;
	s6 =	sadd.s32 $0x5200, s8  }
0x7: {  	s7 =	sadd.s32 $0x1EDA00, s8;
	s9 =	sand.u32 $0x1, s9;
	s10 =	smul.u32 $0x13800, s3  }
0x8: {  	s13 =	sadd.s32 $0x18E00, s8;
	s11 =	smul.u32 $0x4E00, s3;
	s14 =	sshll.u32 s3, $0x1  }
0x9: {  	p0 =	seq.s32 s3, $0xF;
	_ =	strace $0x8000004A;
	s25 =	ssub.s32 $0x2, s9  }
0xa: {  	s15 =	smul.u32 $0x4E200, s9;
	s26 =	sor.u32 s9, s14;
	s9 =	sadd.s32 $0x49200, s1  }
0xb: {  	s12 =	sshrl.u32 s25, $0x1;
	s28 =	sshrl.u32 s10, $0x2;
	s10 =	smul.u32 $0x7D, s26  }
0xc: {  	s16 =	ssub.s32 s25, s12;
	s8 =	sadd.s32 s28, s1;
	s29 =	sadd.s32 s11, s15  }
0xd: {  	s31 =	sshrl.u32 s15, $0x3;
	s11 =	sadd.s32 s11, s1;
	s30 =	sshrl.u32 s29, $0x3  }
0xe: {  	s15 =	simm.s32 $0x2;
	s12 =	sadd.s32 s13, s30;
	s13 =	sadd.s32 s13, s31  }
0xf: {  	v0 =	vimm.f32 $0.0e+00;
	s14 =	smax.u32 s16, $0x1;
	s16 =	simm.s32 $0x50;
	s13 =	sadd.s32 $0x9240, s13  }
.LBB2_1:
0x10: {  	s21 =	simm.s32 $0x80;
	s22 =	simm.s32 $0x0  }
.LBB2_2:
0x11: {  	p1 =	sne.s32 s21, $0x13F80;
	[tilespmem:s22+$0xAFA0] =	vst v0;
	s23 =	smov.u32 s21;
	s21 =	sadd.s32 $0x80, s21  }
.Ltmp0:
0x12: {  	[tilespmem:s22+$0xAFB0] =	vst v0;
	(pc) =	sbr.rel @p1 .LBB2_2-.Ltmp0, $2  }
0x13: {  	_ =	sdelay $0x2  }
0x14: {  	s22 =	sshra.s32 s23, $0x2  }
0x15: {  	[tilespmem:s22+$0xAFA0] =	vst v0  }
0x16: {  	[tilespmem:s22+$0xAFB0] =	vst v0;
	s21 =	simm.s32 @p0 $0xAFA0  }
0x17: {  	[spmem:s9] =	stream.linear.scatter @p0 [tilespmem:s21], [sflag:$0x2], $0x5000, $0x38;
	[tilespmem:$0x14DC0] =	vst v63  }
0x18: {  	s21 =	simm.s32 @p0 $0x2  }
0x19: {  	_ =	swait.ge @p0 [sflag:s21], $0x5000  }
0x1a: {  	[sflag:s21] =	ssyncset.done @p0 $0x0  }
0x1b: {  	[sflag:s21] =	ssyncadd.s32 @p0 $0xFFFFB000;
	s21 =	simm.s32 @!p0 $0xAFA0  }
0x1c: {  	[spmem:s8] =	stream.linear.scatter @!p0 [tilespmem:s21], [sflag:$0x2], $0x4E00, $0x38;
	[tilespmem:$0x14DC0] =	vst v63  }
0x1d: {  	s21 =	simm.s32 @!p0 $0x2  }
0x1e: {  	_ =	swait.ge @!p0 [sflag:s21], $0x4E00  }
0x1f: {  	[sflag:s21] =	ssyncset.done @!p0 $0x0  }
0x20: {  	[sflag:s21] =	ssyncadd.s32 @!p0 $0xFFFFB200  }
0x21: {  	s22 =	simm.s32 $0x0;
	s21 =	simm.s32 $0x0;
	[bflag:$0x0] =	sbarrier.arrive $0xFFFF  }
.LBB2_4:
0x22: {  	s23 =	sadd.s32 s10, s22  }
0x23: {  	s24 =	smul.u32 $0xA, s23;
	_ =	sdelay $0x1  }
0x24: {  	s25 =	sadd.s32 s5, s24  }
0x25: {  	[tilespmem:s21], [sflag:$0x2] =	stream.linear.gather [hbm4b:s25+s21], $0x50, $0x38;
	[tilespmem:$0x14DC0] =	vst v63  }
0x26: {  	_ =	swait.ge [sflag:s15], $0x50  }
0x27: {  	[sflag:s15] =	ssyncset.done $0x0  }
0x28: {  	s24 =	sadd.s32 s6, s24;
	[sflag:s15] =	ssyncadd.s32 $0xFFFFFFB0  }
0x29: {  	[tilespmem:s16], [sflag:$0x2] =	stream.linear.gather [hbm4b:s24+s21], $0x50, $0x38;
	[tilespmem:$0x14DC0] =	vst v63  }
0x2a: {  	s23 =	smul.u32 $0xA0, s23;
	_ =	swait.ge [sflag:s15], $0x50  }
0x2b: {  	[sflag:s15] =	ssyncset.done $0x0  }
0x2c: {  	s23 =	sadd.s32 s7, s23;
	[sflag:s15] =	ssyncadd.s32 $0xFFFFFFB0  }
0x2d: {  	[tilespmem:s17], [sflag:$0x2] =	stream.linear.gather [hbm4b:s23+s21], $0x500, $0x38;
	[tilespmem:$0x14DC0] =	vst v63  }
0x2e: {  	_ =	swait.ge [sflag:s15], $0x500  }
0x2f: {  	[sflag:s15] =	ssyncset.done $0x0  }
0x30: {  	[sflag:s15] =	ssyncadd.s32 $0xFFFFFB00  }
0x31: {  	[tilespmem:s18], [sflag:$0x1] =	stream.indirect.gather [hbm4b:s4+s16], $0x200, s21, s16, $0xb8;
	[tilespmem:$0x14DC0] =	vst v63  }
0x32: {  	_ =	swait.ge [sflag:s19], $0xA000  }
0x33: {  	[sflag:s19] =	ssyncset.done $0x0  }
0x34: {  	s31 =	simm.s32 $0x0;
	[sflag:s19] =	ssyncadd.s32 $0xFFFF6000  }
0x35: {  	s23 =	simm.s32 $0x6A0;
	v1 =	vld [tilespmem:s31+$0xA0]  }
0x36: {  	v2 =	vld [tilespmem:s23+$0xFFFFFF10]  }
0x37: {  	v3 =	vld [tilespmem:s23+$0xFFFFFF00]  }
0x38: {  	v4 =	vld [tilespmem:s23+$0xFFFFFF30]  }
0x39: {  	v5 =	vld [tilespmem:s23+$0xFFFFFF20]  }
0x3a: {  	v7 =	vld [tilespmem:s23+$0xFFFFFF50];
	v6 =	vbroadcast v1, $0x0  }
0x3b: {  	v9 =	vld [tilespmem:s23+$0xFFFFFF40];
	v8 =	vbroadcast v1, $0x1  }
0x3c: {  	v62 =	vld [tilespmem:s23+$0xFFFFFF70];
	v3 =	vmul.f32 v3, v6;
	v2 =	vmul.f32 v2, v6  }
0x3d: {  	v11 =	vld [tilespmem:s23+$0xFFFFFF60];
	v10 =	vbroadcast v1, $0x2;
	v4 =	vmul.f32 v4, v8  }
0x3e: {  	v63 =	vld [tilespmem:s23+$0xFFFFFF90];
	v5 =	vmul.f32 v5, v8;
	v3 =	vadd.f32 $0.0e+00, v3;
	v2 =	vadd.f32 $0.0e+00, v2  }
0x3f: {  	v13 =	vld [tilespmem:s23+$0xFFFFFF80];
	v12 =	vbroadcast v1, $0x3;
	v7 =	vmul.f32 v7, v10  }
0x40: {  	v19 =	vld [tilespmem:s23+$0xFFFFFFA0];
	v16 =	vmul.f32 v9, v10;
	v3 =	vadd.f32 v5, v3;
	v2 =	vadd.f32 v4, v2  }
0x41: {  	v17 =	vld [tilespmem:s23+$0xFFFFFFB0];
	v18 =	vbroadcast v1, $0x4;
	v6 =	vmul.f32 v62, v12  }
0x42: {  	v23 =	vld [tilespmem:s23+$0xFFFFFFC0];
	v20 =	vmul.f32 v11, v12;
	v3 =	vadd.f32 v16, v3;
	v2 =	vadd.f32 v7, v2  }
0x43: {  	v21 =	vld [tilespmem:s23+$0xFFFFFFD0];
	v22 =	vbroadcast v1, $0x5;
	v8 =	vmul.f32 v63, v18  }
0x44: {  	v27 =	vld [tilespmem:s23+$0xFFFFFFE0];
	v24 =	vmul.f32 v13, v18;
	v3 =	vadd.f32 v20, v3;
	v2 =	vadd.f32 v6, v2  }
0x45: {  	v25 =	vld [tilespmem:s23+$0xFFFFFFF0];
	v26 =	vbroadcast v1, $0x6;
	v28 =	vmul.f32 v19, v22  }
0x46: {  	v31 =	vld [tilespmem:s23+$0x0];
	v5 =	vmul.f32 v17, v22;
	v3 =	vadd.f32 v24, v3;
	v2 =	vadd.f32 v8, v2  }
0x47: {  	v29 =	vld [tilespmem:s23+$0x10];
	v30 =	vbroadcast v1, $0x7;
	v32 =	vmul.f32 v23, v26  }
0x48: {  	v35 =	vld [tilespmem:s23+$0x20];
	v7 =	vmul.f32 v21, v26;
	v3 =	vadd.f32 v28, v3;
	v2 =	vadd.f32 v5, v2  }
0x49: {  	v33 =	vld [tilespmem:s23+$0x30];
	v34 =	vbroadcast v1, $0x8;
	v36 =	vmul.f32 v27, v30  }
0x4a: {  	v39 =	vld [tilespmem:s23+$0x40];
	v6 =	vmul.f32 v25, v30;
	v3 =	vadd.f32 v32, v3;
	v2 =	vadd.f32 v7, v2  }
0x4b: {  	v37 =	vld [tilespmem:s23+$0x50];
	v38 =	vbroadcast v1, $0x9;
	v40 =	vmul.f32 v31, v34  }
0x4c: {  	v43 =	vld [tilespmem:s23+$0x60];
	v8 =	vmul.f32 v29, v34;
	v3 =	vadd.f32 v36, v3;
	v2 =	vadd.f32 v6, v2  }
0x4d: {  	v41 =	vld [tilespmem:s23+$0x70];
	v42 =	vbroadcast v1, $0xA;
	v44 =	vmul.f32 v35, v38  }
0x4e: {  	v47 =	vld [tilespmem:s23+$0x80];
	v5 =	vmul.f32 v33, v38;
	v3 =	vadd.f32 v40, v3;
	v2 =	vadd.f32 v8, v2  }
0x4f: {  	v45 =	vld [tilespmem:s23+$0x90];
	v46 =	vbroadcast v1, $0xB;
	v48 =	vmul.f32 v39, v42  }
0x50: {  	v51 =	vld [tilespmem:s23+$0xA0];
	v7 =	vmul.f32 v37, v42;
	v3 =	vadd.f32 v44, v3;
	v2 =	vadd.f32 v5, v2  }
0x51: {  	v49 =	vld [tilespmem:s23+$0xB0];
	v50 =	vbroadcast v1, $0xC;
	v52 =	vmul.f32 v43, v46  }
0x52: {  	v55 =	vld [tilespmem:s23+$0xC0];
	v6 =	vmul.f32 v41, v46;
	v3 =	vadd.f32 v48, v3;
	v2 =	vadd.f32 v7, v2  }
0x53: {  	v53 =	vld [tilespmem:s23+$0xD0];
	v54 =	vbroadcast v1, $0xD;
	v56 =	vmul.f32 v47, v50  }
0x54: {  	v57 =	vld [tilespmem:s23+$0xF0];
	v8 =	vmul.f32 v45, v50;
	v3 =	vadd.f32 v52, v3;
	v2 =	vadd.f32 v6, v2  }
0x55: {  	v59 =	vld [tilespmem:s23+$0xE0];
	v58 =	vbroadcast v1, $0xE;
	v60 =	vmul.f32 v51, v54  }
0x56: {  	v5 =	vmul.f32 v49, v54;
	v3 =	vadd.f32 v56, v3;
	v2 =	vadd.f32 v8, v2  }
0x57: {  	v1 =	vbroadcast v1, $0xF;
	v61 =	vmul.f32 v55, v58  }
0x58: {  	v7 =	vmul.f32 v53, v58;
	v3 =	vadd.f32 v60, v3;
	v2 =	vadd.f32 v5, v2  }
0x59: {  	v62 =	vmul.f32 v57, v1  }
0x5a: {  	v1 =	vmul.f32 v59, v1;
	v3 =	vadd.f32 v61, v3;
	v63 =	vadd.f32 v7, v2;
	_ =	sdelay $0x1  }
0x5b: {  	s26 =	simm.s32 $0xA5B0;
	s25 =	simm.s32 $0x40;
	s24 =	simm.s32 $0xA5B0;
	v2 =	vadd.f32 v1, v3;
	v1 =	vadd.f32 v62, v63  }
.LBB2_5:
0x5c: {  	_ = 	snop  }
0x5d: {  	p1 =	sne.s32 s25, $0x13C0;
	s26 =	sadd.s32 $0x20, s26;
	s23 =	sadd.s32 $0x200, s23;
	[tilespmem:s24+$0xFFFFFFF0] =	vst v2  }
0x5e: {  	s28 =	sshra.s32 s25, $0x2;
	s25 =	sadd.s32 $0x40, s25;
	[tilespmem:s24+$0x0] =	vst v1;
	s24 =	smov.u32 s26  }
0x5f: {  	v1 =	vld [tilespmem:s28+$0xA0]  }
0x60: {  	v2 =	vld [tilespmem:s23+$0xFFFFFF10]  }
0x61: {  	v3 =	vld [tilespmem:s23+$0xFFFFFF00]  }
0x62: {  	v4 =	vld [tilespmem:s23+$0xFFFFFF30]  }
0x63: {  	v5 =	vld [tilespmem:s23+$0xFFFFFF20]  }
0x64: {  	v6 =	vbroadcast v1, $0x0;
	v7 =	vbroadcast v1, $0x1;
	v8 =	vld [tilespmem:s23+$0xFFFFFF50]  }
0x65: {  	v10 =	vbroadcast v1, $0x2;
	v11 =	vbroadcast v1, $0x3;
	v9 =	vld [tilespmem:s23+$0xFFFFFF40]  }
0x66: {  	v3 =	vmul.f32 v3, v6;
	v2 =	vmul.f32 v2, v6;
	v6 =	vld [tilespmem:s23+$0xFFFFFF70]  }
0x67: {  	v13 =	vbroadcast v1, $0x4;
	v4 =	vmul.f32 v4, v7;
	v12 =	vld [tilespmem:s23+$0xFFFFFF60]  }
0x68: {  	v3 =	vadd.f32 $0.0e+00, v3;
	v2 =	vadd.f32 $0.0e+00, v2;
	v5 =	vmul.f32 v5, v7;
	v7 =	vld [tilespmem:s23+$0xFFFFFF90]  }
0x69: {  	v15 =	vbroadcast v1, $0x5;
	v8 =	vmul.f32 v8, v10;
	v14 =	vld [tilespmem:s23+$0xFFFFFF80]  }
0x6a: {  	v3 =	vadd.f32 v5, v3;
	v2 =	vadd.f32 v4, v2;
	v4 =	vmul.f32 v9, v10;
	v5 =	vld [tilespmem:s23+$0xFFFFFFB0]  }
0x6b: {  	v10 =	vbroadcast v1, $0x6;
	v6 =	vmul.f32 v6, v11;
	v9 =	vld [tilespmem:s23+$0xFFFFFFA0]  }
0x6c: {  	v3 =	vadd.f32 v4, v3;
	v2 =	vadd.f32 v8, v2;
	v4 =	vmul.f32 v12, v11;
	v8 =	vld [tilespmem:s23+$0xFFFFFFD0]  }
0x6d: {  	v12 =	vbroadcast v1, $0x7;
	v7 =	vmul.f32 v7, v13;
	v11 =	vld [tilespmem:s23+$0xFFFFFFC0]  }
0x6e: {  	v3 =	vadd.f32 v4, v3;
	v2 =	vadd.f32 v6, v2;
	v4 =	vmul.f32 v14, v13;
	v6 =	vld [tilespmem:s23+$0xFFFFFFF0]  }
0x6f: {  	v14 =	vbroadcast v1, $0x8;
	v5 =	vmul.f32 v5, v15;
	v13 =	vld [tilespmem:s23+$0xFFFFFFE0]  }
0x70: {  	v3 =	vadd.f32 v4, v3;
	v2 =	vadd.f32 v7, v2;
	v4 =	vmul.f32 v9, v15;
	v7 =	vld [tilespmem:s23+$0x10]  }
0x71: {  	v15 =	vbroadcast v1, $0x9;
	v8 =	vmul.f32 v8, v10;
	v9 =	vld [tilespmem:s23+$0x0]  }
0x72: {  	v3 =	vadd.f32 v4, v3;
	v2 =	vadd.f32 v5, v2;
	v4 =	vmul.f32 v11, v10;
	v5 =	vld [tilespmem:s23+$0x30]  }
0x73: {  	v11 =	vbroadcast v1, $0xA;
	v6 =	vmul.f32 v6, v12;
	v10 =	vld [tilespmem:s23+$0x20]  }
0x74: {  	v3 =	vadd.f32 v4, v3;
	v2 =	vadd.f32 v8, v2;
	v4 =	vmul.f32 v13, v12;
	v8 =	vld [tilespmem:s23+$0x50]  }
0x75: {  	v13 =	vbroadcast v1, $0xB;
	v7 =	vmul.f32 v7, v14;
	v12 =	vld [tilespmem:s23+$0x40]  }
0x76: {  	v3 =	vadd.f32 v4, v3;
	v2 =	vadd.f32 v6, v2;
	v4 =	vmul.f32 v9, v14;
	v6 =	vld [tilespmem:s23+$0x70]  }
0x77: {  	v14 =	vbroadcast v1, $0xC;
	v5 =	vmul.f32 v5, v15;
	v9 =	vld [tilespmem:s23+$0x60]  }
0x78: {  	v3 =	vadd.f32 v4, v3;
	v2 =	vadd.f32 v7, v2;
	v4 =	vmul.f32 v10, v15;
	v7 =	vld [tilespmem:s23+$0x90]  }
0x79: {  	v15 =	vbroadcast v1, $0xD;
	v8 =	vmul.f32 v8, v11;
	v10 =	vld [tilespmem:s23+$0x80]  }
0x7a: {  	v3 =	vadd.f32 v4, v3;
	v2 =	vadd.f32 v5, v2;
	v4 =	vmul.f32 v12, v11;
	v5 =	vld [tilespmem:s23+$0xB0]  }
0x7b: {  	v12 =	vbroadcast v1, $0xE;
	v6 =	vmul.f32 v6, v13;
	v11 =	vld [tilespmem:s23+$0xA0]  }
0x7c: {  	v3 =	vadd.f32 v4, v3;
	v2 =	vadd.f32 v8, v2;
	v4 =	vmul.f32 v9, v13;
	v8 =	vld [tilespmem:s23+$0xD0]  }
0x7d: {  	v1 =	vbroadcast v1, $0xF;
	v7 =	vmul.f32 v7, v14;
	v9 =	vld [tilespmem:s23+$0xC0]  }
0x7e: {  	v3 =	vadd.f32 v4, v3;
	v2 =	vadd.f32 v6, v2;
	v4 =	vmul.f32 v10, v14;
	v6 =	vld [tilespmem:s23+$0xF0]  }
0x7f: {  	v5 =	vmul.f32 v5, v15;
	v10 =	vld [tilespmem:s23+$0xE0]  }
0x80: {  	v3 =	vadd.f32 v4, v3;
	v2 =	vadd.f32 v7, v2;
	v4 =	vmul.f32 v11, v15  }
0x81: {  	v7 =	vmul.f32 v8, v12  }
.Ltmp1:
0x82: {  	v3 =	vadd.f32 v4, v3;
	v2 =	vadd.f32 v5, v2;
	v4 =	vmul.f32 v9, v12;
	(pc) =	sbr.rel @p1 .LBB2_5-.Ltmp1, $3  }
0x83: {  	v5 =	vmul.f32 v6, v1  }
0x84: {  	v3 =	vadd.f32 v4, v3;
	v4 =	vadd.f32 v7, v2;
	v1 =	vmul.f32 v10, v1;
	_ =	sdelay $0x1  }
0x85: {  	v2 =	vadd.f32 v1, v3;
	v1 =	vadd.f32 v5, v4  }
0x86: {  	s22 =	sadd.s32 $0x1, s22  }
0x87: {  	[tilespmem:s24+$0xFFFFFFF0] =	vst v2;
	p1 =	sne.s32 s22, $0x7D  }
.Ltmp2:
0x88: {  	[tilespmem:s24+$0x0] =	vst v1;
	(pc) =	sbr.rel @p1 .LBB2_4-.Ltmp2, $4  }
0x89: {  	[spmem:s1] =	stream.indirect.scatter.add.f32 [tilespmem:s20], [sflag:$0x2], $0x20, s16, s16, $0xb8;
	[tilespmem:$0x14DC0] =	vst v63  }
0x8a: {  	_ =	swait.ge [sflag:s15], $0xA00  }
0x8b: {  	[sflag:s15] =	ssyncset.done $0x0  }
0x8c: {  	[sflag:s15] =	ssyncadd.s32 $0xFFFFF600  }
0x8d: {  	[bflag:$0x0] =	sbarrier.arrive $0xFFFF;
	s21 =	simm.s32 @p0 $0xAFA0;
	s22 =	simm.s32 @p0 $0x2  }
0x8e: {  	[tilespmem:s21], [sflag:$0x2] =	stream.linear.gather @p0 [spmem:s9], $0x5000, $0x38;
	[tilespmem:$0x14DC0] =	vst v63  }
0x8f: {  	_ =	swait.ge @p0 [sflag:s22], $0x5000  }
0x90: {  	[sflag:s22] =	ssyncset.done @p0 $0x0  }
0x91: {  	s23 =	simm.s32 @p0 $0x0;
	[sflag:s22] =	ssyncadd.s32 @p0 $0xFFFFB000  }
0x92: {  	[hbm4b:s13+s23] =	stream.linear.scatter @p0 [tilespmem:s21], [sflag:$0x2], $0x5000, $0x38;
	[tilespmem:$0x14DC0] =	vst v63  }
0x93: {  	_ =	swait.ge @p0 [sflag:s22], $0x5000  }
0x94: {  	[sflag:s22] =	ssyncset.done @p0 $0x0  }
0x95: {  	s21 =	simm.s32 @!p0 $0xAFA0;
	[sflag:s22] =	ssyncadd.s32 @p0 $0xFFFFB000;
	s22 =	simm.s32 @!p0 $0x2  }
0x96: {  	[tilespmem:s21], [sflag:$0x2] =	stream.linear.gather @!p0 [spmem:s11], $0x4E00, $0x38;
	[tilespmem:$0x14DC0] =	vst v63  }
0x97: {  	s2 =	sadd.s32 $0x1, s2;
	_ =	swait.ge @!p0 [sflag:s22], $0x4E00  }
0x98: {  	p1 =	sne.s32 s2, s14;
	[sflag:s22] =	ssyncset.done @!p0 $0x0  }
.Ltmp3:
0x99: {  	s23 =	simm.s32 @!p0 $0x0;
	[sflag:s22] =	ssyncadd.s32 @!p0 $0xFFFFB200;
	(pc) =	sbr.rel @p1 .LBB2_1-.Ltmp3, $4  }
0x9a: {  	[hbm4b:s12+s23] =	stream.linear.scatter @!p0 [tilespmem:s21], [sflag:$0x2], $0x4E00, $0x38;
	[tilespmem:$0x14DC0] =	vst v63  }
0x9b: {  	_ =	swait.ge @!p0 [sflag:s22], $0x4E00  }
0x9c: {  	[sflag:s22] =	ssyncset.done @!p0 $0x0  }
0x9d: {  	[sflag:s22] =	ssyncadd.s32 @!p0 $0xFFFFB200  }
0x9e: {  	_ =	sfence.sel $0x180000  }
0x9f: {  	[bflag:$0x0] =	sbarrier.arrive $0xFFFF  }
0xa0: {  	p0 =	sne.s32 s3, $0x0;
	_ =	strace $0x9000004A  }
0xa1: {  	s0 =	sadd.s32 @!p0 $0x100000, s0;
	[bflag:$0x2] =	sbarrier.arrive $0xFFFF  }
0xa2: {  	[sflag:s0] =	ssyncadd.tile.s32 @!p0 $0x1;
	_ =	shalt  }
.Lfunc_end2:
_tile_overlayer_lowered:
.L_overlay_start_2:
0xa3: {  	(tag) =	ssettag $0x2  }
0xa4: {  	s0 =	rddreg [dreg:$0x0];
	s2 =	stileid.u32  }
0xa5: {  	s1 =	rddreg [dreg:$0x1];
	p0 =	sne.s32 s2, $0x0  }
0xa6: {  	s3 =	rddreg [dreg:$0x2];
	[bflag:$0x3] =	sbarrier.arrive $0xFFFF;
	s2 =	simm.s32 @!p0 $0x1C02  }
0xa7: {  	[timem:s3], [sflag:s2] =	dma.local @!p0 [hbm:s0], s1  }
0xa8: {  	s0 =	simm.s32 @!p0 $0x2  }
0xa9: {  	_ =	swait.ge @!p0 [sflag:s0], s1  }
0xaa: {  	s1 =	ssub.s32 @!p0 $0x0, s1;
	[sflag:s0] =	ssyncset.done @!p0 $0x0  }
0xab: {  	[sflag:s0] =	ssyncadd.s32 @!p0 s1  }
0xac: {  	[bflag:$0x3] =	sbarrier.arrive $0xFFFF  }
0xad: {  	_ =	shalt  }

// kernel: kernel.16.cloned.1.call-start
scs
__scs_entry_jumppad:
0x0: {  	(pc) =	sbr.rel $0x88, $3  }
0x1: {  	(tag) =	ssettag $0x0;
	lr =	simm.s32 $0x1  }
0x2: {  	[smem:$0x3F7E] =	sst lr;
	_ =	strace $0xD0000000  }
0x3: {  	_ = 	snop  }
0x4: {  	_ = 	snop  }
0x5: {  	_ = 	snop  }
0x6: {  	_ = 	snop  }
0x7: {  	_ = 	snop  }
__scs_overlays_trampoline_lowered:
0x8: {  	[smem:$0x3F8D] =	sst s0  }
0x9: {  	[smem:$0x3F8E] =	sst s1  }
0xa: {  	[smem:$0x3F8F] =	sst s2  }
0xb: {  	[smem:$0x3F90] =	sst s3  }
0xc: {  	[smem:$0x3F91] =	sst s4  }
0xd: {  	[smem:$0x3F92] =	sst s5  }
0xe: {  	[smem:$0x3F93] =	sst s6  }
0xf: {  	[smem:$0x3F94] =	sst s7  }
0x10: {  	[smem:$0x3F95] =	sst s8  }
0x11: {  	[smem:$0x3F96] =	sst s9;
	s0 =	simm.s32 @!p0 $0x0  }
0x12: {  	s1 =	sld [smem:$0x3F7C];
	s0 =	simm.s32 @p0 $0x1  }
0x13: {  	[smem:$0x3F97] =	sst s0;
	s0 =	simm.s32 @!p1 $0x0  }
0x14: {  	s2 =	sld [smem:$0x3F7B];
	s0 =	simm.s32 @p1 $0x1  }
0x15: {  	[smem:$0x3F98] =	sst s0;
	s0 =	simm.s32 @!p2 $0x0  }
0x16: {  	s3 =	sld [smem:$0x3FDB];
	s0 =	simm.s32 @p2 $0x1  }
0x17: {  	s4 =	simm.s32 $0x1BF5;
	[smem:$0x3F9A] =	sst s0  }
0x18: {  	s0 =	sld [smem:$0x3F7D];
	_ =	swait.ge [sflag:s4], $0x0  }
0x19: {  	s7 =	sld [smem:$0x3F7E]  }
0x1a: {  	s8 =	sadd.s32 $0xFFFFE003, lr  }
0x1b: {  	s9 =	sadd.s32 $0xFFFFFEF7, lr;
	s5 =	simm.s32 $0xFFFFFFFF;
	p2 =	slt.u32 s8, $0xFFFFF086  }
0x1c: {  	p1 =	slt.u32 s9, $0xF7A;
	s5 =	simm.s32 @!p2 $0x0  }
0x1d: {  	s5 =	simm.s32 @p1 $0x1;
	p0 =	seq.s32 s7, s2  }
0x1e: {  	s7 =	smul.u32 @!p0 $0xF7A, s2;
	p2 =	seq.s32 @!p0 s5, $0x0  }
0x1f: {  	s9 =	smul.u32 $0xF7A, s1;
	s8 =	simm.s32 @!p0 $0x1BF5;
	p2 =	por !p2, p0  }
0x20: {  	[sflag:s8] =	ssyncset.s32 @!p0 $0xFFFFF086;
	s6 =	sadd.s32 @!p0 s3, s7;
	s7 =	simm.s32 @!p0 $0x108  }
0x21: {  	s3 =	sadd.s32 s3, s9;
	s6 =	sadd.s32 @!p0 $0x88, s6;
	s7 =	simm.s32 @p2 $0x1082  }
0x22: {  	[simem:s7], [sflag:s8] =	dma.local @!p0 [hbm:s6], $0xF7A  }
0x23: {  	s9 =	sor.u32 $0xD0000000, s2;
	s6 =	simm.s32 $0x108;
	_ =	swait.ge @!p0 [sflag:s8], $0x0  }
0x24: {  	s3 =	sadd.s32 $0x88, s3;
	s6 =	simm.s32 @!p1 $0x1082;
	[sflag:s4] =	ssyncset.s32 $0xFFFFF086  }
0x25: {  	[simem:s6], [sflag:s4] =	dma.local [hbm:s3], $0xF7A  }
0x26: {  	[smem:$0x3F7E] =	sst s1;
	(tag) =	ssettag s2;
	_ =	strace s9  }
0x27: {  	s1 =	sld [smem:$0x3F8E]  }
0x28: {  	s2 =	sld [smem:$0x3F8F]  }
0x29: {  	s4 =	sld [smem:$0x3F91]  }
0x2a: {  	p0 =	seq.s32 s5, $0x0;
	s5 =	sld [smem:$0x3F92]  }
0x2b: {  	s6 =	sld [smem:$0x3F93]  }
0x2c: {  	s7 =	sld [smem:$0x3F94]  }
0x2d: {  	s3 =	simm.s32 $0x108;
	s8 =	sld [smem:$0x3F95]  }
0x2e: {  	s3 =	simm.s32 @!p0 $0x1082;
	s9 =	sld [smem:$0x3F96]  }
0x2f: {  	lr =	sadd.s32 s0, s3;
	s0 =	sld [smem:$0x3F8D]  }
0x30: {  	s3 =	sld [smem:$0x3F90]  }
0x31: {  	[smem:$0x3F99] =	sst s10  }
0x32: {  	s10 =	sld [smem:$0x3F97];
	_ =	sdelay $0x3  }
0x33: {  	p0 =	seq.s32 s10, $0x1;
	s10 =	sld [smem:$0x3F99];
	_ =	sdelay $0x3  }
0x34: {  	[smem:$0x3F99] =	sst s10  }
0x35: {  	s10 =	sld [smem:$0x3F98];
	_ =	sdelay $0x3  }
0x36: {  	p1 =	seq.s32 s10, $0x1;
	s10 =	sld [smem:$0x3F99];
	_ =	sdelay $0x3  }
0x37: {  	[smem:$0x3F99] =	sst s10  }
0x38: {  	s10 =	sld [smem:$0x3F9A]  }
0x39: {  	_ = 	snop;
	(pc) =	sbr.ind lr, $3  }
0x3a: {  	_ = 	snop  }
0x3b: {  	_ = 	snop  }
0x3c: {  	p2 =	seq.s32 s10, $0x1;
	s10 =	sld [smem:$0x3F99]  }
0x3d: {  	_ =	shalt  }
0x3e: {  	_ =	shalt  }
0x3f: {  	_ =	shalt  }
0x40: {  	_ =	shalt  }
0x41: {  	_ =	shalt  }
0x42: {  	_ =	shalt  }
0x43: {  	_ =	shalt  }
0x44: {  	_ =	shalt  }
0x45: {  	_ =	shalt  }
0x46: {  	_ =	shalt  }
0x47: {  	_ =	shalt  }
0x48: {  	_ =	shalt  }
0x49: {  	_ =	shalt  }
0x4a: {  	_ =	shalt  }
0x4b: {  	_ =	shalt  }
0x4c: {  	_ =	shalt  }
0x4d: {  	_ =	shalt  }
0x4e: {  	_ =	shalt  }
0x4f: {  	_ =	shalt  }
0x50: {  	_ =	shalt  }
0x51: {  	_ =	shalt  }
0x52: {  	_ =	shalt  }
0x53: {  	_ =	shalt  }
0x54: {  	_ =	shalt  }
0x55: {  	_ =	shalt  }
0x56: {  	_ =	shalt  }
0x57: {  	_ =	shalt  }
0x58: {  	_ =	shalt  }
0x59: {  	_ =	shalt  }
0x5a: {  	_ =	shalt  }
0x5b: {  	_ =	shalt  }
0x5c: {  	_ =	shalt  }
0x5d: {  	_ =	shalt  }
0x5e: {  	_ =	shalt  }
0x5f: {  	_ =	shalt  }
0x60: {  	_ =	shalt  }
0x61: {  	_ =	shalt  }
0x62: {  	_ =	shalt  }
0x63: {  	_ =	shalt  }
0x64: {  	_ =	shalt  }
0x65: {  	_ =	shalt  }
0x66: {  	_ =	shalt  }
0x67: {  	_ =	shalt  }
0x68: {  	_ =	shalt  }
0x69: {  	_ =	shalt  }
0x6a: {  	_ =	shalt  }
0x6b: {  	_ =	shalt  }
0x6c: {  	_ =	shalt  }
0x6d: {  	_ =	shalt  }
0x6e: {  	_ =	shalt  }
0x6f: {  	_ =	shalt  }
0x70: {  	_ =	shalt  }
0x71: {  	_ =	shalt  }
0x72: {  	_ =	shalt  }
0x73: {  	_ =	shalt  }
0x74: {  	_ =	shalt  }
0x75: {  	_ =	shalt  }
0x76: {  	_ =	shalt  }
0x77: {  	_ =	shalt  }
0x78: {  	_ =	shalt  }
0x79: {  	_ =	shalt  }
0x7a: {  	_ =	shalt  }
0x7b: {  	_ =	shalt  }
0x7c: {  	_ =	shalt  }
0x7d: {  	_ =	shalt  }
0x7e: {  	_ =	shalt  }
0x7f: {  	_ =	shalt  }
0x80: {  	_ =	shalt  }
0x81: {  	_ =	shalt  }
0x82: {  	_ =	shalt  }
0x83: {  	_ =	shalt  }
0x84: {  	_ =	shalt  }
0x85: {  	_ =	shalt  }
0x86: {  	_ =	shalt  }
0x87: {  	_ =	shalt  }
.Lfunc_end0:
.L_simem_size_0:
called_computation.2_lowered:
.L_overlay_start_0:
0x88: {  	s2 =	sld [smem:$0x3FD9]  }
0x89: {  	s3 =	sld [smem:$0x3FFE];
	_ =	sdelay $0x1  }
0x8a: {  	s1 =	srdreg.scid  }
0x8b: {  	s0 =	sand.u32 $0x1, s1  }
0x8c: {  	s16 =	sshll.u32 s0, $0xA;
	s2 =	sadd.s32 s3, s2  }
0x8d: {  	s2 =	sadd.s32 s2, s16  }
0x8e: {  	[smem:$0x3FA5] =	sst s2  }
0x8f: {  	_ = 	snop  }
0x90: {  	(tm) =	ssettm $0x1  }
0x91: {  	s17 =	sld [smem:$0x3FFB];
	_ =	sdelay $0x3  }
0x92: {  	_ =	strace s17  }
0x93: {  	s2 =	sld [smem:$0x3FFC];
	_ =	sdelay $0x3  }
0x94: {  	_ =	strace s2  }
0x95: {  	s2 =	sld [smem:$0x3FFD];
	_ =	sdelay $0x3  }
0x96: {  	_ =	strace s2  }
0x97: {  	_ =	strace $0x8FFFFFFF  }
0x98: {  	s18 =	sld [smem:$0x3FDB];
	_ =	sdelay $0x1  }
0x99: {  	s19 =	simm.s32 $_scs_section_size  }
0x9a: {  	s4 =	simm.s32 $_size__tile_overlayer_lowered;
	s5 =	simm.s32 $_tile_overlayer_lowered  }
0x9b: {  	s22 =	simm.s32 $0x1BFF;
	s21 =	sshll.u32 s5, $0x1;
	s2 =	sadd.s32 s19, s18  }
0x9c: {  	s6 =	simm.s32 $0x0;
	s20 =	sshll.u32 s4, $0x1;
	s4 =	sadd.s32 s21, s2  }
0x9d: {  	[timem:s6], [sflag:s22] =	dma.local [hbm:s4], s20  }
0x9e: {  	_ =	swait.ge [sflag:s22], s20  }
0x9f: {  	s3 =	ssub.s32 $0x0, s20;
	[sflag:s22] =	ssyncset.done $0x0  }
0xa0: {  	[sflag:s22] =	ssyncadd.s32 s3;
	_ =	sdelay $0x1  }
0xa1: {  	s23 =	simm.s32 $0x1B8B  }
0xa2: {  	_ =	swait.ge [sflag:s23], $0x1  }
0xa3: {  	[sflag:s23] =	ssyncset.done $0x0  }
0xa4: {  	s25 =	simm.s32 $0x1B8E;
	s24 =	sld [smem:$0x3FFE];
	[sflag:s23] =	ssyncadd.s32 $0xFFFFFFFF  }
0xa5: {  	s26 =	simm.s32 $execute0_lowered;
	[smem:$0x3FD2] =	sst s25  }
0xa6: {  	s4 =	sshll.u32 s26, $0x1;
	_ =	strace $0x8000004C;
	[dreg:$0x1] =	wrdreg $0xFFFFFFFF  }
0xa7: {  	s28 =	simm.s32 $_size_execute0_lowered;
	s2 =	sadd.s32 s2, s4;
	[dreg:$0x0] =	wrdreg $0x0  }
0xa8: {  	s4 =	sshll.u32 s28, $0x1;
	[dreg:$0x2] =	wrdreg s2  }
0xa9: {  	[dreg:$0x3] =	wrdreg s4  }
0xaa: {  	[dreg:$0x4] =	wrdreg $0xC0  }
0xab: {  	_ =	task [dreg:s6], $0x5FFFF  }
0xac: {  	[dreg:$0x1] =	wrdreg $0xFFFFFFFF  }
0xad: {  	[dreg:$0x0] =	wrdreg $0x60  }
0xae: {  	[dreg:$0x2] =	wrdreg s24  }
0xaf: {  	[dreg:$0x3] =	wrdreg $0xFFA00  }
0xb0: {  	[dreg:$0x4] =	wrdreg $0x9  }
0xb1: {  	_ =	task.clear_ibuf [dreg:s6], $0x5FFFF;
	_ =	strace $0x9000004C  }
0xb2: {  	s29 =	simm.s32 $0x9;
	_ =	strace $0x8000004E  }
0xb3: {  	_ =	swait.ge [sflag:s29], $0x1  }
0xb4: {  	[sflag:s29] =	ssyncadd.s32 $0xFFFFFFFF  }
0xb5: {  	_ =	strace $0x9000004E  }
0xb6: {  	_ =	sfence  }
0xb7: {  	s30 =	sld [smem:$0x0];
	_ =	sdelay $0x2  }
0xb8: {  	s31 =	sshll.u32 s1, $0xD;
	s1 =	sshrl.u32 s1, $0x2  }
0xb9: {  	s3 =	sand.u32 $0x4000, s31;
	s1 =	sadd.s32 s1, s30  }
0xba: {  	s0 =	sor.u32 s3, s0;
	s1 =	sshll.u32 s1, $0x11  }
0xbb: {  	s0 =	sor.u32 s1, s0  }
0xbc: {  	s0 =	sadd.s32 $0x8F2B, s0  }
0xbd: {  	[sflag:s0] =	ssyncadd.remote.s32 $0x1  }
0xbe: {  	_ =	sfence.sel $0xFFFF  }
0xbf: {  	[dreg:$0x0] =	wrdreg $0xFFFFFFFF;
	(pc) =	sbr.abs _section_cstart, $3  }
0xc0: {  	[dreg:$0x1] =	wrdreg $0xFFFFFFFF  }
0xc1: {  	_ =	task.clear_ibuf [dreg:s6], $0x2FFFF;
	_ =	strace $0x9FFFFFFF  }
0xc2: {  	(tm) =	ssettm $0x7FFFFFFF  }
0xc3: {  	_ =	shalt  }
tec
execute0_lowered:
.L_overlay_start_1:
0x0: {  	(tag) =	ssettag $0x1  }
0x1: {  	s8 =	rddreg [dreg:$0x0]  }
0x2: {  	s1 =	rddreg [dreg:$0x1]  }
0x3: {  	s0 =	rddreg [dreg:$0x2];
	s2 =	simm.s32 $0x0;
	s9 =	srdreg.scid  }
0x4: {  	s3 =	stileid.u32;
	s17 =	simm.s32 $0xA0;
	s18 =	simm.s32 $0x5A0  }
0x5: {  	s19 =	simm.s32 $0x1;
	s20 =	simm.s32 $0xA5A0;
	[smem:$0x7FF] =	sst s2  }
0x6: {  	s4 =	sadd.s32 $0xB5200, s8;
	s5 =	sadd.s32 $0xF000, s8;
	s6 =	sadd.s32 $0x5200, s8  }
0x7: {  	s7 =	sadd.s32 $0x151600, s8;
	s9 =	sand.u32 $0x1, s9;
	s10 =	smul.u32 $0x13800, s3  }
0x8: {  	s13 =	sadd.s32 $0x18E00, s8;
	s11 =	smul.u32 $0x4E00, s3;
	s14 =	sshll.u32 s3, $0x1  }
0x9: {  	p0 =	seq.s32 s3, $0xF;
	_ =	strace $0x8000004D;
	s25 =	ssub.s32 $0x2, s9  }
0xa: {  	s15 =	smul.u32 $0x4E200, s9;
	s26 =	sor.u32 s9, s14;
	s9 =	sadd.s32 $0x49200, s1  }
0xb: {  	s12 =	sshrl.u32 s25, $0x1;
	s28 =	sshrl.u32 s10, $0x2;
	s10 =	smul.u32 $0x7D, s26  }
0xc: {  	s16 =	ssub.s32 s25, s12;
	s8 =	sadd.s32 s28, s1;
	s29 =	sadd.s32 s11, s15  }
0xd: {  	s31 =	sshrl.u32 s15, $0x3;
	s11 =	sadd.s32 s11, s1;
	s30 =	sshrl.u32 s29, $0x3  }
0xe: {  	s15 =	simm.s32 $0x2;
	s12 =	sadd.s32 s13, s30;
	s13 =	sadd.s32 s13, s31  }
0xf: {  	v0 =	vimm.f32 $0.0e+00;
	s14 =	smax.u32 s16, $0x1;
	s16 =	simm.s32 $0x50;
	s13 =	sadd.s32 $0x9240, s13  }
.LBB2_1:
0x10: {  	s21 =	simm.s32 $0x80;
	s22 =	simm.s32 $0x0  }
.LBB2_2:
0x11: {  	p1 =	sne.s32 s21, $0x13F80;
	[tilespmem:s22+$0xAFA0] =	vst v0;
	s23 =	smov.u32 s21;
	s21 =	sadd.s32 $0x80, s21  }
.Ltmp0:
0x12: {  	[tilespmem:s22+$0xAFB0] =	vst v0;
	(pc) =	sbr.rel @p1 .LBB2_2-.Ltmp0, $2  }
0x13: {  	_ =	sdelay $0x2  }
0x14: {  	s22 =	sshra.s32 s23, $0x2  }
0x15: {  	[tilespmem:s22+$0xAFA0] =	vst v0  }
0x16: {  	[tilespmem:s22+$0xAFB0] =	vst v0;
	s21 =	simm.s32 @p0 $0xAFA0  }
0x17: {  	[spmem:s9] =	stream.linear.scatter @p0 [tilespmem:s21], [sflag:$0x2], $0x5000, $0x38;
	[tilespmem:$0x14DC0] =	vst v63  }
0x18: {  	s21 =	simm.s32 @p0 $0x2  }
0x19: {  	_ =	swait.ge @p0 [sflag:s21], $0x5000  }
0x1a: {  	[sflag:s21] =	ssyncset.done @p0 $0x0  }
0x1b: {  	[sflag:s21] =	ssyncadd.s32 @p0 $0xFFFFB000;
	s21 =	simm.s32 @!p0 $0xAFA0  }
0x1c: {  	[spmem:s8] =	stream.linear.scatter @!p0 [tilespmem:s21], [sflag:$0x2], $0x4E00, $0x38;
	[tilespmem:$0x14DC0] =	vst v63  }
0x1d: {  	s21 =	simm.s32 @!p0 $0x2  }
0x1e: {  	_ =	swait.ge @!p0 [sflag:s21], $0x4E00  }
0x1f: {  	[sflag:s21] =	ssyncset.done @!p0 $0x0  }
0x20: {  	[sflag:s21] =	ssyncadd.s32 @!p0 $0xFFFFB200  }
0x21: {  	s22 =	simm.s32 $0x0;
	s21 =	simm.s32 $0x0;
	[bflag:$0x0] =	sbarrier.arrive $0xFFFF  }
.LBB2_4:
0x22: {  	s23 =	sadd.s32 s10, s22  }
0x23: {  	s24 =	smul.u32 $0xA, s23;
	_ =	sdelay $0x1  }
0x24: {  	s25 =	sadd.s32 s5, s24  }
0x25: {  	[tilespmem:s21], [sflag:$0x2] =	stream.linear.gather [hbm4b:s25+s21], $0x50, $0x38;
	[tilespmem:$0x14DC0] =	vst v63  }
0x26: {  	_ =	swait.ge [sflag:s15], $0x50  }
0x27: {  	[sflag:s15] =	ssyncset.done $0x0  }
0x28: {  	s24 =	sadd.s32 s6, s24;
	[sflag:s15] =	ssyncadd.s32 $0xFFFFFFB0  }
0x29: {  	[tilespmem:s16], [sflag:$0x2] =	stream.linear.gather [hbm4b:s24+s21], $0x50, $0x38;
	[tilespmem:$0x14DC0] =	vst v63  }
0x2a: {  	s23 =	smul.u32 $0xA0, s23;
	_ =	swait.ge [sflag:s15], $0x50  }
0x2b: {  	[sflag:s15] =	ssyncset.done $0x0  }
0x2c: {  	s23 =	sadd.s32 s7, s23;
	[sflag:s15] =	ssyncadd.s32 $0xFFFFFFB0  }
0x2d: {  	[tilespmem:s17], [sflag:$0x2] =	stream.linear.gather [hbm4b:s23+s21], $0x500, $0x38;
	[tilespmem:$0x14DC0] =	vst v63  }
0x2e: {  	_ =	swait.ge [sflag:s15], $0x500  }
0x2f: {  	[sflag:s15] =	ssyncset.done $0x0  }
0x30: {  	[sflag:s15] =	ssyncadd.s32 $0xFFFFFB00  }
0x31: {  	[tilespmem:s18], [sflag:$0x1] =	stream.indirect.gather [hbm4b:s4+s16], $0x200, s21, s16, $0xb8;
	[tilespmem:$0x14DC0] =	vst v63  }
0x32: {  	_ =	swait.ge [sflag:s19], $0xA000  }
0x33: {  	[sflag:s19] =	ssyncset.done $0x0  }
0x34: {  	s31 =	simm.s32 $0x0;
	[sflag:s19] =	ssyncadd.s32 $0xFFFF6000  }
0x35: {  	s23 =	simm.s32 $0x6A0;
	v1 =	vld [tilespmem:s31+$0xA0]  }
0x36: {  	v2 =	vld [tilespmem:s23+$0xFFFFFF10]  }
0x37: {  	v3 =	vld [tilespmem:s23+$0xFFFFFF00]  }
0x38: {  	v4 =	vld [tilespmem:s23+$0xFFFFFF30]  }
0x39: {  	v5 =	vld [tilespmem:s23+$0xFFFFFF20]  }
0x3a: {  	v7 =	vld [tilespmem:s23+$0xFFFFFF50];
	v6 =	vbroadcast v1, $0x0  }
0x3b: {  	v9 =	vld [tilespmem:s23+$0xFFFFFF40];
	v8 =	vbroadcast v1, $0x1  }
0x3c: {  	v62 =	vld [tilespmem:s23+$0xFFFFFF70];
	v3 =	vmul.f32 v3, v6;
	v2 =	vmul.f32 v2, v6  }
0x3d: {  	v11 =	vld [tilespmem:s23+$0xFFFFFF60];
	v10 =	vbroadcast v1, $0x2;
	v4 =	vmul.f32 v4, v8  }
0x3e: {  	v63 =	vld [tilespmem:s23+$0xFFFFFF90];
	v5 =	vmul.f32 v5, v8;
	v3 =	vadd.f32 $0.0e+00, v3;
	v2 =	vadd.f32 $0.0e+00, v2  }
0x3f: {  	v13 =	vld [tilespmem:s23+$0xFFFFFF80];
	v12 =	vbroadcast v1, $0x3;
	v7 =	vmul.f32 v7, v10  }
0x40: {  	v19 =	vld [tilespmem:s23+$0xFFFFFFA0];
	v16 =	vmul.f32 v9, v10;
	v3 =	vadd.f32 v5, v3;
	v2 =	vadd.f32 v4, v2  }
0x41: {  	v17 =	vld [tilespmem:s23+$0xFFFFFFB0];
	v18 =	vbroadcast v1, $0x4;
	v6 =	vmul.f32 v62, v12  }
0x42: {  	v23 =	vld [tilespmem:s23+$0xFFFFFFC0];
	v20 =	vmul.f32 v11, v12;
	v3 =	vadd.f32 v16, v3;
	v2 =	vadd.f32 v7, v2  }
0x43: {  	v21 =	vld [tilespmem:s23+$0xFFFFFFD0];
	v22 =	vbroadcast v1, $0x5;
	v8 =	vmul.f32 v63, v18  }
0x44: {  	v27 =	vld [tilespmem:s23+$0xFFFFFFE0];
	v24 =	vmul.f32 v13, v18;
	v3 =	vadd.f32 v20, v3;
	v2 =	vadd.f32 v6, v2  }
0x45: {  	v25 =	vld [tilespmem:s23+$0xFFFFFFF0];
	v26 =	vbroadcast v1, $0x6;
	v28 =	vmul.f32 v19, v22  }
0x46: {  	v31 =	vld [tilespmem:s23+$0x0];
	v5 =	vmul.f32 v17, v22;
	v3 =	vadd.f32 v24, v3;
	v2 =	vadd.f32 v8, v2  }
0x47: {  	v29 =	vld [tilespmem:s23+$0x10];
	v30 =	vbroadcast v1, $0x7;
	v32 =	vmul.f32 v23, v26  }
0x48: {  	v35 =	vld [tilespmem:s23+$0x20];
	v7 =	vmul.f32 v21, v26;
	v3 =	vadd.f32 v28, v3;
	v2 =	vadd.f32 v5, v2  }
0x49: {  	v33 =	vld [tilespmem:s23+$0x30];
	v34 =	vbroadcast v1, $0x8;
	v36 =	vmul.f32 v27, v30  }
0x4a: {  	v39 =	vld [tilespmem:s23+$0x40];
	v6 =	vmul.f32 v25, v30;
	v3 =	vadd.f32 v32, v3;
	v2 =	vadd.f32 v7, v2  }
0x4b: {  	v37 =	vld [tilespmem:s23+$0x50];
	v38 =	vbroadcast v1, $0x9;
	v40 =	vmul.f32 v31, v34  }
0x4c: {  	v43 =	vld [tilespmem:s23+$0x60];
	v8 =	vmul.f32 v29, v34;
	v3 =	vadd.f32 v36, v3;
	v2 =	vadd.f32 v6, v2  }
0x4d: {  	v41 =	vld [tilespmem:s23+$0x70];
	v42 =	vbroadcast v1, $0xA;
	v44 =	vmul.f32 v35, v38  }
0x4e: {  	v47 =	vld [tilespmem:s23+$0x80];
	v5 =	vmul.f32 v33, v38;
	v3 =	vadd.f32 v40, v3;
	v2 =	vadd.f32 v8, v2  }
0x4f: {  	v45 =	vld [tilespmem:s23+$0x90];
	v46 =	vbroadcast v1, $0xB;
	v48 =	vmul.f32 v39, v42  }
0x50: {  	v51 =	vld [tilespmem:s23+$0xA0];
	v7 =	vmul.f32 v37, v42;
	v3 =	vadd.f32 v44, v3;
	v2 =	vadd.f32 v5, v2  }
0x51: {  	v49 =	vld [tilespmem:s23+$0xB0];
	v50 =	vbroadcast v1, $0xC;
	v52 =	vmul.f32 v43, v46  }
0x52: {  	v55 =	vld [tilespmem:s23+$0xC0];
	v6 =	vmul.f32 v41, v46;
	v3 =	vadd.f32 v48, v3;
	v2 =	vadd.f32 v7, v2  }
0x53: {  	v53 =	vld [tilespmem:s23+$0xD0];
	v54 =	vbroadcast v1, $0xD;
	v56 =	vmul.f32 v47, v50  }
0x54: {  	v57 =	vld [tilespmem:s23+$0xF0];
	v8 =	vmul.f32 v45, v50;
	v3 =	vadd.f32 v52, v3;
	v2 =	vadd.f32 v6, v2  }
0x55: {  	v59 =	vld [tilespmem:s23+$0xE0];
	v58 =	vbroadcast v1, $0xE;
	v60 =	vmul.f32 v51, v54  }
0x56: {  	v5 =	vmul.f32 v49, v54;
	v3 =	vadd.f32 v56, v3;
	v2 =	vadd.f32 v8, v2  }
0x57: {  	v1 =	vbroadcast v1, $0xF;
	v61 =	vmul.f32 v55, v58  }
0x58: {  	v7 =	vmul.f32 v53, v58;
	v3 =	vadd.f32 v60, v3;
	v2 =	vadd.f32 v5, v2  }
0x59: {  	v62 =	vmul.f32 v57, v1  }
0x5a: {  	v1 =	vmul.f32 v59, v1;
	v3 =	vadd.f32 v61, v3;
	v63 =	vadd.f32 v7, v2;
	_ =	sdelay $0x1  }
0x5b: {  	s26 =	simm.s32 $0xA5B0;
	s25 =	simm.s32 $0x40;
	s24 =	simm.s32 $0xA5B0;
	v2 =	vadd.f32 v1, v3;
	v1 =	vadd.f32 v62, v63  }
.LBB2_5:
0x5c: {  	_ = 	snop  }
0x5d: {  	p1 =	sne.s32 s25, $0x13C0;
	s26 =	sadd.s32 $0x20, s26;
	s23 =	sadd.s32 $0x200, s23;
	[tilespmem:s24+$0xFFFFFFF0] =	vst v2  }
0x5e: {  	s28 =	sshra.s32 s25, $0x2;
	s25 =	sadd.s32 $0x40, s25;
	[tilespmem:s24+$0x0] =	vst v1;
	s24 =	smov.u32 s26  }
0x5f: {  	v1 =	vld [tilespmem:s28+$0xA0]  }
0x60: {  	v2 =	vld [tilespmem:s23+$0xFFFFFF10]  }
0x61: {  	v3 =	vld [tilespmem:s23+$0xFFFFFF00]  }
0x62: {  	v4 =	vld [tilespmem:s23+$0xFFFFFF30]  }
0x63: {  	v5 =	vld [tilespmem:s23+$0xFFFFFF20]  }
0x64: {  	v6 =	vbroadcast v1, $0x0;
	v7 =	vbroadcast v1, $0x1;
	v8 =	vld [tilespmem:s23+$0xFFFFFF50]  }
0x65: {  	v10 =	vbroadcast v1, $0x2;
	v11 =	vbroadcast v1, $0x3;
	v9 =	vld [tilespmem:s23+$0xFFFFFF40]  }
0x66: {  	v3 =	vmul.f32 v3, v6;
	v2 =	vmul.f32 v2, v6;
	v6 =	vld [tilespmem:s23+$0xFFFFFF70]  }
0x67: {  	v13 =	vbroadcast v1, $0x4;
	v4 =	vmul.f32 v4, v7;
	v12 =	vld [tilespmem:s23+$0xFFFFFF60]  }
0x68: {  	v3 =	vadd.f32 $0.0e+00, v3;
	v2 =	vadd.f32 $0.0e+00, v2;
	v5 =	vmul.f32 v5, v7;
	v7 =	vld [tilespmem:s23+$0xFFFFFF90]  }
0x69: {  	v15 =	vbroadcast v1, $0x5;
	v8 =	vmul.f32 v8, v10;
	v14 =	vld [tilespmem:s23+$0xFFFFFF80]  }
0x6a: {  	v3 =	vadd.f32 v5, v3;
	v2 =	vadd.f32 v4, v2;
	v4 =	vmul.f32 v9, v10;
	v5 =	vld [tilespmem:s23+$0xFFFFFFB0]  }
0x6b: {  	v10 =	vbroadcast v1, $0x6;
	v6 =	vmul.f32 v6, v11;
	v9 =	vld [tilespmem:s23+$0xFFFFFFA0]  }
0x6c: {  	v3 =	vadd.f32 v4, v3;
	v2 =	vadd.f32 v8, v2;
	v4 =	vmul.f32 v12, v11;
	v8 =	vld [tilespmem:s23+$0xFFFFFFD0]  }
0x6d: {  	v12 =	vbroadcast v1, $0x7;
	v7 =	vmul.f32 v7, v13;
	v11 =	vld [tilespmem:s23+$0xFFFFFFC0]  }
0x6e: {  	v3 =	vadd.f32 v4, v3;
	v2 =	vadd.f32 v6, v2;
	v4 =	vmul.f32 v14, v13;
	v6 =	vld [tilespmem:s23+$0xFFFFFFF0]  }
0x6f: {  	v14 =	vbroadcast v1, $0x8;
	v5 =	vmul.f32 v5, v15;
	v13 =	vld [tilespmem:s23+$0xFFFFFFE0]  }
0x70: {  	v3 =	vadd.f32 v4, v3;
	v2 =	vadd.f32 v7, v2;
	v4 =	vmul.f32 v9, v15;
	v7 =	vld [tilespmem:s23+$0x10]  }
0x71: {  	v15 =	vbroadcast v1, $0x9;
	v8 =	vmul.f32 v8, v10;
	v9 =	vld [tilespmem:s23+$0x0]  }
0x72: {  	v3 =	vadd.f32 v4, v3;
	v2 =	vadd.f32 v5, v2;
	v4 =	vmul.f32 v11, v10;
	v5 =	vld [tilespmem:s23+$0x30]  }
0x73: {  	v11 =	vbroadcast v1, $0xA;
	v6 =	vmul.f32 v6, v12;
	v10 =	vld [tilespmem:s23+$0x20]  }
0x74: {  	v3 =	vadd.f32 v4, v3;
	v2 =	vadd.f32 v8, v2;
	v4 =	vmul.f32 v13, v12;
	v8 =	vld [tilespmem:s23+$0x50]  }
0x75: {  	v13 =	vbroadcast v1, $0xB;
	v7 =	vmul.f32 v7, v14;
	v12 =	vld [tilespmem:s23+$0x40]  }
0x76: {  	v3 =	vadd.f32 v4, v3;
	v2 =	vadd.f32 v6, v2;
	v4 =	vmul.f32 v9, v14;
	v6 =	vld [tilespmem:s23+$0x70]  }
0x77: {  	v14 =	vbroadcast v1, $0xC;
	v5 =	vmul.f32 v5, v15;
	v9 =	vld [tilespmem:s23+$0x60]  }
0x78: {  	v3 =	vadd.f32 v4, v3;
	v2 =	vadd.f32 v7, v2;
	v4 =	vmul.f32 v10, v15;
	v7 =	vld [tilespmem:s23+$0x90]  }
0x79: {  	v15 =	vbroadcast v1, $0xD;
	v8 =	vmul.f32 v8, v11;
	v10 =	vld [tilespmem:s23+$0x80]  }
0x7a: {  	v3 =	vadd.f32 v4, v3;
	v2 =	vadd.f32 v5, v2;
	v4 =	vmul.f32 v12, v11;
	v5 =	vld [tilespmem:s23+$0xB0]  }
0x7b: {  	v12 =	vbroadcast v1, $0xE;
	v6 =	vmul.f32 v6, v13;
	v11 =	vld [tilespmem:s23+$0xA0]  }
0x7c: {  	v3 =	vadd.f32 v4, v3;
	v2 =	vadd.f32 v8, v2;
	v4 =	vmul.f32 v9, v13;
	v8 =	vld [tilespmem:s23+$0xD0]  }
0x7d: {  	v1 =	vbroadcast v1, $0xF;
	v7 =	vmul.f32 v7, v14;
	v9 =	vld [tilespmem:s23+$0xC0]  }
0x7e: {  	v3 =	vadd.f32 v4, v3;
	v2 =	vadd.f32 v6, v2;
	v4 =	vmul.f32 v10, v14;
	v6 =	vld [tilespmem:s23+$0xF0]  }
0x7f: {  	v5 =	vmul.f32 v5, v15;
	v10 =	vld [tilespmem:s23+$0xE0]  }
0x80: {  	v3 =	vadd.f32 v4, v3;
	v2 =	vadd.f32 v7, v2;
	v4 =	vmul.f32 v11, v15  }
0x81: {  	v7 =	vmul.f32 v8, v12  }
.Ltmp1:
0x82: {  	v3 =	vadd.f32 v4, v3;
	v2 =	vadd.f32 v5, v2;
	v4 =	vmul.f32 v9, v12;
	(pc) =	sbr.rel @p1 .LBB2_5-.Ltmp1, $3  }
0x83: {  	v5 =	vmul.f32 v6, v1  }
0x84: {  	v3 =	vadd.f32 v4, v3;
	v4 =	vadd.f32 v7, v2;
	v1 =	vmul.f32 v10, v1;
	_ =	sdelay $0x1  }
0x85: {  	v2 =	vadd.f32 v1, v3;
	v1 =	vadd.f32 v5, v4  }
0x86: {  	s22 =	sadd.s32 $0x1, s22  }
0x87: {  	[tilespmem:s24+$0xFFFFFFF0] =	vst v2;
	p1 =	sne.s32 s22, $0x7D  }
.Ltmp2:
0x88: {  	[tilespmem:s24+$0x0] =	vst v1;
	(pc) =	sbr.rel @p1 .LBB2_4-.Ltmp2, $4  }
0x89: {  	[spmem:s1] =	stream.indirect.scatter.add.f32 [tilespmem:s20], [sflag:$0x2], $0x20, s16, s16, $0xb8;
	[tilespmem:$0x14DC0] =	vst v63  }
0x8a: {  	_ =	swait.ge [sflag:s15], $0xA00  }
0x8b: {  	[sflag:s15] =	ssyncset.done $0x0  }
0x8c: {  	[sflag:s15] =	ssyncadd.s32 $0xFFFFF600  }
0x8d: {  	[bflag:$0x0] =	sbarrier.arrive $0xFFFF;
	s21 =	simm.s32 @p0 $0xAFA0;
	s22 =	simm.s32 @p0 $0x2  }
0x8e: {  	[tilespmem:s21], [sflag:$0x2] =	stream.linear.gather @p0 [spmem:s9], $0x5000, $0x38;
	[tilespmem:$0x14DC0] =	vst v63  }
0x8f: {  	_ =	swait.ge @p0 [sflag:s22], $0x5000  }
0x90: {  	[sflag:s22] =	ssyncset.done @p0 $0x0  }
0x91: {  	s23 =	simm.s32 @p0 $0x0;
	[sflag:s22] =	ssyncadd.s32 @p0 $0xFFFFB000  }
0x92: {  	[hbm4b:s13+s23] =	stream.linear.scatter @p0 [tilespmem:s21], [sflag:$0x2], $0x5000, $0x38;
	[tilespmem:$0x14DC0] =	vst v63  }
0x93: {  	_ =	swait.ge @p0 [sflag:s22], $0x5000  }
0x94: {  	[sflag:s22] =	ssyncset.done @p0 $0x0  }
0x95: {  	s21 =	simm.s32 @!p0 $0xAFA0;
	[sflag:s22] =	ssyncadd.s32 @p0 $0xFFFFB000;
	s22 =	simm.s32 @!p0 $0x2  }
0x96: {  	[tilespmem:s21], [sflag:$0x2] =	stream.linear.gather @!p0 [spmem:s11], $0x4E00, $0x38;
	[tilespmem:$0x14DC0] =	vst v63  }
0x97: {  	s2 =	sadd.s32 $0x1, s2;
	_ =	swait.ge @!p0 [sflag:s22], $0x4E00  }
0x98: {  	p1 =	sne.s32 s2, s14;
	[sflag:s22] =	ssyncset.done @!p0 $0x0  }
.Ltmp3:
0x99: {  	s23 =	simm.s32 @!p0 $0x0;
	[sflag:s22] =	ssyncadd.s32 @!p0 $0xFFFFB200;
	(pc) =	sbr.rel @p1 .LBB2_1-.Ltmp3, $4  }
0x9a: {  	[hbm4b:s12+s23] =	stream.linear.scatter @!p0 [tilespmem:s21], [sflag:$0x2], $0x4E00, $0x38;
	[tilespmem:$0x14DC0] =	vst v63  }
0x9b: {  	_ =	swait.ge @!p0 [sflag:s22], $0x4E00  }
0x9c: {  	[sflag:s22] =	ssyncset.done @!p0 $0x0  }
0x9d: {  	[sflag:s22] =	ssyncadd.s32 @!p0 $0xFFFFB200  }
0x9e: {  	_ =	sfence.sel $0x180000  }
0x9f: {  	[bflag:$0x0] =	sbarrier.arrive $0xFFFF  }
0xa0: {  	p0 =	sne.s32 s3, $0x0;
	_ =	strace $0x9000004D  }
0xa1: {  	s0 =	sadd.s32 @!p0 $0x100000, s0;
	[bflag:$0x2] =	sbarrier.arrive $0xFFFF  }
0xa2: {  	[sflag:s0] =	ssyncadd.tile.s32 @!p0 $0x1;
	_ =	shalt  }
.Lfunc_end2:
_tile_overlayer_lowered:
.L_overlay_start_2:
0xa3: {  	(tag) =	ssettag $0x2  }
0xa4: {  	s0 =	rddreg [dreg:$0x0];
	s2 =	stileid.u32  }
0xa5: {  	s1 =	rddreg [dreg:$0x1];
	p0 =	sne.s32 s2, $0x0  }
0xa6: {  	s3 =	rddreg [dreg:$0x2];
	[bflag:$0x3] =	sbarrier.arrive $0xFFFF;
	s2 =	simm.s32 @!p0 $0x1C02  }
0xa7: {  	[timem:s3], [sflag:s2] =	dma.local @!p0 [hbm:s0], s1  }
0xa8: {  	s0 =	simm.s32 @!p0 $0x2  }
0xa9: {  	_ =	swait.ge @!p0 [sflag:s0], s1  }
0xaa: {  	s1 =	ssub.s32 @!p0 $0x0, s1;
	[sflag:s0] =	ssyncset.done @!p0 $0x0  }
0xab: {  	[sflag:s0] =	ssyncadd.s32 @!p0 s1  }
0xac: {  	[bflag:$0x3] =	sbarrier.arrive $0xFFFF  }
0xad: {  	_ =	shalt  }

</sc_bundles>
